<compile_context>
chip_gen: v7x
topology: tpu7x:2x2x1
jax: 0.10.2.dev20260603
libtpu: 0.0.44.dev20260713+nightly
codegen_flags: <defaults>
</compile_context>

<pallas_src>
import functools
import math

import jax
import jax.numpy as jnp
import numpy as np
from jax import lax
from jax.experimental import pallas as pl
from jax.experimental.pallas import tpu as pltpu
from jax.experimental.pallas import tpu_sc as plsc

D_MODEL = 1024
B = 4
S = 2048
NUM_MOD = 3

NC = 2
NS = 16
NW = NC * NS
S_PER_W = S // NW
ROWS = 16
N_CHUNKS = S_PER_W // ROWS
CH_PER_M = B * N_CHUNKS
LANES = 16
NBUF = 3


def _pe_np(d_model=D_MODEL, max_len=S):
    position = np.arange(max_len, dtype=np.float32)[:, None]
    div_term = np.exp(
        np.arange(0, d_model, 2, dtype=np.float32) * (-math.log(10000.0) / d_model))
    pe = np.zeros((max_len, d_model), dtype=np.float32)
    pe[:, 0::2] = np.sin(position * div_term)
    pe[:, 1::2] = np.cos(position * div_term)
    return pe


def _pe_bf16_const():
    import ml_dtypes
    return jnp.asarray(_pe_np().astype(ml_dtypes.bfloat16))


def _pe_packed_const():
    import ml_dtypes
    pe = _pe_np().reshape(S, D_MODEL // 32, 32)
    bits = pe.astype(ml_dtypes.bfloat16).view(np.uint16).astype(np.uint32)
    lo, hi = bits[:, :, :16], bits[:, :, 16:]
    words = (lo | (hi << 16)).astype(np.uint32).view(np.int32)
    return jnp.asarray(words.reshape(S, D_MODEL // 2))


_MESH = plsc.VectorSubcoreMesh(core_axis_name="c", subcore_axis_name="s")


@functools.partial(
    pl.kernel,
    mesh=_MESH,
    out_type=jax.ShapeDtypeStruct((B, S, D_MODEL), jnp.float32),
    compiler_params=pltpu.CompilerParams(
        use_tc_tiling_on_sc=True, needs_layout_passes=False),
    scratch_types=(
        [pltpu.VMEM((S_PER_W, D_MODEL // 2), jnp.int32)]
        + [pltpu.VMEM((NUM_MOD, D_MODEL), jnp.float32)]
        + [pltpu.VMEM((ROWS, D_MODEL), jnp.float32)] * NBUF
        + [pltpu.SemaphoreType.DMA] * (2 * NBUF)
    ),
)
def _sc_kernel(x_hbm, mod_hbm, pe, o_hbm,
               pe_v, mod_v, b0, b1, b2, si0, si1, si2, so0, so1, so2):
    bufs = (b0, b1, b2)
    isems = (si0, si1, si2)
    osems = (so0, so1, so2)

    wid = lax.axis_index("s") * NC + lax.axis_index("c")
    base_s = wid * S_PER_W

    pltpu.sync_copy(pe.at[pl.ds(base_s, S_PER_W)], pe_v)
    pltpu.sync_copy(mod_hbm, mod_v)

    def chunk_idx(t):
        b, c = divmod(t, N_CHUNKS)
        return b, base_s + c * ROWS, c * ROWS

    def start_in(t):
        st = t % NBUF
        b, r0, _ = chunk_idx(t)
        pltpu.make_async_copy(
            x_hbm.at[b, pl.ds(r0, ROWS)], bufs[st], isems[st]).start()

    def wait_in(t):
        st = t % NBUF
        b, r0, _ = chunk_idx(t)
        pltpu.make_async_copy(
            x_hbm.at[b, pl.ds(r0, ROWS)], bufs[st], isems[st]).wait()

    def start_out(t):
        st = t % NBUF
        b, r0, _ = chunk_idx(t)
        pltpu.make_async_copy(
            bufs[st], o_hbm.at[b, pl.ds(r0, ROWS)], osems[st]).start()

    def wait_out(t):
        st = t % NBUF
        b, r0, _ = chunk_idx(t)
        pltpu.make_async_copy(
            bufs[st], o_hbm.at[b, pl.ds(r0, ROWS)], osems[st]).wait()

    start_in(0)

    for t in range(CH_PER_M):
        if t + 1 < CH_PER_M:
            if t - NBUF + 1 >= 0:
                wait_out(t - NBUF + 1)
            start_in(t + 1)
        wait_in(t)

        buf = bufs[t % NBUF]
        _, _, pr0 = chunk_idx(t)

        def gloop(g, _, buf=buf, pr0=pr0):
            mva = mod_v[0, pl.ds(g * 32, LANES)]
            mvb = mod_v[0, pl.ds(g * 32 + LANES, LANES)]

            @plsc.parallel_loop(0, ROWS, unroll=4)
            def rr(r):
                w = pe_v[pr0 + r, pl.ds(g * LANES, LANES)]
                a, b = plsc.unpack(
                    plsc.bitcast(w, jnp.bfloat16),
                    format=plsc.PackFormat.INTERLEAVED,
                    preferred_element_type=jnp.float32)
                plsc.addupdate(buf.at[r, pl.ds(g * 32, LANES)], a + mva)
                plsc.addupdate(buf.at[r, pl.ds(g * 32 + LANES, LANES)], b + mvb)

            return 0

        lax.fori_loop(0, D_MODEL // 32, gloop, 0)

        start_out(t)
    for t in range(CH_PER_M - NBUF, CH_PER_M):
        wait_out(t)


TC_BS = 256


def _tc_body(xi_ref, xn_ref, pe_ref, mod_ref, oi_ref, on_ref):
    pe_blk = pe_ref[...].astype(jnp.float32)
    oi_ref[...] = xi_ref[...] + (pe_blk + mod_ref[1][None, :])[None, :, :]
    on_ref[...] = xn_ref[...] + (pe_blk + mod_ref[2][None, :])[None, :, :]


def _tc_call(x_img, x_nlp, pe2d, mod_emb):
    return pl.pallas_call(
        _tc_body,
        grid=(S // TC_BS,),
        in_specs=[
            pl.BlockSpec((B, TC_BS, D_MODEL), lambda i: (0, i, 0)),
            pl.BlockSpec((B, TC_BS, D_MODEL), lambda i: (0, i, 0)),
            pl.BlockSpec((TC_BS, D_MODEL), lambda i: (i, 0)),
            pl.BlockSpec((NUM_MOD, D_MODEL), lambda i: (0, 0)),
        ],
        out_specs=[
            pl.BlockSpec((B, TC_BS, D_MODEL), lambda i: (0, i, 0)),
            pl.BlockSpec((B, TC_BS, D_MODEL), lambda i: (0, i, 0)),
        ],
        out_shape=[jax.ShapeDtypeStruct((B, S, D_MODEL), jnp.float32)] * 2,
        compiler_params=pltpu.CompilerParams(vmem_limit_bytes=100 * 1024 * 1024),
    )(x_img, x_nlp, pe2d, mod_emb)


def kernel(x_global, x_img, x_nlp, mod_emb):
    out_g = _sc_kernel(x_global, mod_emb, _pe_packed_const())
    out_i, out_n = _tc_call(x_img, x_nlp, _pe_bf16_const(), mod_emb)
    return (out_g, out_i, out_n)

# --- scband reference (transcript-rebuilt; emitter-appended) ---
"""Pipeline reference for scband-pos-mod-emb-4715874091538 (READ-ONLY COPY).

The authoritative reference and input builder live on the scoring server;
editing this copy changes nothing except your own understanding.
"""

import jax, jax.numpy as jnp
import numpy as np
import math

D_MODEL = 1024
MAX_LEN = 5000
NUM_MOD = 3
B, S = 4, 2048


def _make_pe(d_model=D_MODEL, max_len=MAX_LEN):
    position = np.arange(max_len, dtype=np.float32)[:, None]
    div_term = np.exp(np.arange(0, d_model, 2, dtype=np.float32) * (-math.log(10000.0) / d_model))
    pe = np.zeros((max_len, d_model), dtype=np.float32)
    pe[:, 0::2] = np.sin(position * div_term)
    pe[:, 1::2] = np.cos(position * div_term)
    return jnp.asarray(pe)


def setup_inputs(seed: int = 0) -> dict:
    key = jax.random.key(seed)
    k1, k2, k3, k4 = jax.random.split(key, 4)
    return {
        "x_global": jax.random.normal(k1, (B, S, D_MODEL), dtype=jnp.float32),
        "x_img": jax.random.normal(k2, (B, S, D_MODEL), dtype=jnp.float32),
        "x_nlp": jax.random.normal(k3, (B, S, D_MODEL), dtype=jnp.float32),
        "mod_emb": jax.random.normal(k4, (NUM_MOD, D_MODEL), dtype=jnp.float32) * 0.02,
    }


def reference(x_global, x_img, x_nlp, mod_emb):
    # PosModEmb.forward over data_dict = {global, img, nlp}; dropout p=0.0 -> identity
    pe = _make_pe()
    outs = []
    for modality_idx, x in enumerate((x_global, x_img, x_nlp)):
        seq_len = x.shape[1]
        # PositionalEncoding: permute -> add pe[:seq] -> permute back == add pe over seq axis
        data = x + pe[:seq_len][None, :, :]
        # modality = zeros(seq_len).int + modality_idx; embedding lookup (gather)
        modality_ids = jnp.zeros((seq_len,), dtype=jnp.int32) + modality_idx
        modality = jnp.take(mod_emb, modality_ids, axis=0)[None, :, :]
        outs.append(data + modality)
    return tuple(outs)

if __name__ == "__main__":
    import jax
    _d = setup_inputs()
    print(jax.jit(kernel)(*tuple(_d.values())))

</pallas_src>

<mosaic_0001>
#map = affine_map<(d0, d1) -> (0, 0, 0)>
#map1 = affine_map<(d0, d1) -> (0, 0)>
module attributes {stable_mosaic.version = 14 : i64} {
  func.func @_sc_kernel(%arg0: i32, %arg1: i32, %arg2: memref<4x2048x1024xf32, #tpu.memory_space<hbm>>, %arg3: memref<3x1024xf32, #tpu.memory_space<hbm>>, %arg4: memref<2048x512xi32, #tpu.memory_space<hbm>>, %arg5: memref<4x2048x1024xf32, #tpu.memory_space<hbm>>, %arg6: memref<64x512xi32, #tpu.memory_space<vmem>>, %arg7: memref<3x1024xf32, #tpu.memory_space<vmem>>, %arg8: memref<16x1024xf32, #tpu.memory_space<vmem>>, %arg9: memref<16x1024xf32, #tpu.memory_space<vmem>>, %arg10: memref<16x1024xf32, #tpu.memory_space<vmem>>, %arg11: memref<!tpu.dma_semaphore, #tpu.memory_space<semaphore_mem>>, %arg12: memref<!tpu.dma_semaphore, #tpu.memory_space<semaphore_mem>>, %arg13: memref<!tpu.dma_semaphore, #tpu.memory_space<semaphore_mem>>, %arg14: memref<!tpu.dma_semaphore, #tpu.memory_space<semaphore_mem>>, %arg15: memref<!tpu.dma_semaphore, #tpu.memory_space<semaphore_mem>>, %arg16: memref<!tpu.dma_semaphore, #tpu.memory_space<semaphore_mem>>) attributes {dimension_semantics = [#tpu.dimension_semantics<core_parallel>, #tpu.dimension_semantics<subcore_parallel>], iteration_bounds = array<i64: 2, 16>, scalar_prefetch = 0 : i64, scratch_operands = 11 : i64, tpu.core_type = #tpu.core_type<sc_vector_subcore>, window_params = [{transform_indices = #map}, {transform_indices = #map1}, {transform_indices = #map1}, {transform_indices = #map}]} {
    %mul3A = arith.constant 2 : i32
    %mul3A_0 = arith.muli %arg1, %mul3A : i32
    %add3A = arith.addi %mul3A_0, %arg0 : i32
    %mul3A_1 = arith.constant 64 : i32
    %mul3A_2 = arith.muli %add3A, %mul3A_1 : i32
    "tpu.region"() ({
      %run_scoped3A = tpu.sem_alloc : memref<!tpu.dma_semaphore, #tpu.memory_space<semaphore_mem>>
      %dma_start3A_720 = arith.constant 0 : i32
      %dma_start3A_721 = tpu.memref_slice %arg4[%mul3A_2, %dma_start3A_720] : memref<2048x512xi32, #tpu.memory_space<hbm>> -> memref<64x512xi32, #tpu.memory_space<hbm>>
      %dma_start3A_722 = arith.constant 0 : i32
      %dma_start3A_723 = tpu.memref_slice %arg4[%mul3A_2, %dma_start3A_722] : memref<2048x512xi32, #tpu.memory_space<hbm>> -> memref<64x512xi32, #tpu.memory_space<hbm>>
      tpu.enqueue_dma source(%dma_start3A_723 : memref<64x512xi32, #tpu.memory_space<hbm>>) target(%arg6 : memref<64x512xi32, #tpu.memory_space<vmem>>) target_semaphore(%run_scoped3A : memref<!tpu.dma_semaphore, #tpu.memory_space<semaphore_mem>>)
      %dma_wait3A_724 = arith.constant 0 : i32
      %dma_wait3A_725 = tpu.memref_slice %arg4[%mul3A_2, %dma_wait3A_724] : memref<2048x512xi32, #tpu.memory_space<hbm>> -> memref<64x512xi32, #tpu.memory_space<hbm>>
      %dma_wait3A_726 = arith.constant 0 : i32
      %dma_wait3A_727 = tpu.memref_slice %arg4[%mul3A_2, %dma_wait3A_726] : memref<2048x512xi32, #tpu.memory_space<hbm>> -> memref<64x512xi32, #tpu.memory_space<hbm>>
      tpu.wait_dma2 semaphore(%run_scoped3A : memref<!tpu.dma_semaphore, #tpu.memory_space<semaphore_mem>>) src(%dma_wait3A_727 : memref<64x512xi32, #tpu.memory_space<hbm>>) dst(%arg6 : memref<64x512xi32, #tpu.memory_space<vmem>>)
      tpu.yield
    }) : () -> ()
    "tpu.region"() ({
      %run_scoped3A = tpu.sem_alloc : memref<!tpu.dma_semaphore, #tpu.memory_space<semaphore_mem>>
      tpu.enqueue_dma source(%arg3 : memref<3x1024xf32, #tpu.memory_space<hbm>>) target(%arg7 : memref<3x1024xf32, #tpu.memory_space<vmem>>) target_semaphore(%run_scoped3A : memref<!tpu.dma_semaphore, #tpu.memory_space<semaphore_mem>>)
      tpu.wait_dma2 semaphore(%run_scoped3A : memref<!tpu.dma_semaphore, #tpu.memory_space<semaphore_mem>>) src(%arg3 : memref<3x1024xf32, #tpu.memory_space<hbm>>) dst(%arg7 : memref<3x1024xf32, #tpu.memory_space<vmem>>)
      tpu.yield
    }) : () -> ()
    %add3A_3 = arith.constant 0 : i32
    %add3A_4 = arith.addi %mul3A_2, %add3A_3 : i32
    %dma_start3A = arith.constant 0 : i32
    %dma_start3A_5 = arith.constant 0 : i32
    %dma_start3A_6 = tpu.memref_slice %arg2[%dma_start3A, %add3A_4, %dma_start3A_5] : memref<4x2048x1024xf32, #tpu.memory_space<hbm>> -> memref<1x16x1024xf32, #tpu.memory_space<hbm>>
    %dma_start3A_7 = tpu.memref_squeeze %dma_start3A_6 : memref<1x16x1024xf32, #tpu.memory_space<hbm>> -> memref<16x1024xf32, #tpu.memory_space<hbm>>
    %dma_start3A_8 = arith.constant 0 : i32
    %dma_start3A_9 = tpu.memref_slice %arg2[%dma_start3A, %add3A_4, %dma_start3A_8] : memref<4x2048x1024xf32, #tpu.memory_space<hbm>> -> memref<1x16x1024xf32, #tpu.memory_space<hbm>>
    %dma_start3A_10 = tpu.memref_squeeze %dma_start3A_9 : memref<1x16x1024xf32, #tpu.memory_space<hbm>> -> memref<16x1024xf32, #tpu.memory_space<hbm>>
    tpu.enqueue_dma source(%dma_start3A_10 : memref<16x1024xf32, #tpu.memory_space<hbm>>) target(%arg8 : memref<16x1024xf32, #tpu.memory_space<vmem>>) target_semaphore(%arg11 : memref<!tpu.dma_semaphore, #tpu.memory_space<semaphore_mem>>)
    %add3A_11 = arith.constant 16 : i32
    %add3A_12 = arith.addi %mul3A_2, %add3A_11 : i32
    %dma_start3A_13 = arith.constant 0 : i32
    %dma_start3A_14 = arith.constant 0 : i32
    %dma_start3A_15 = tpu.memref_slice %arg2[%dma_start3A_13, %add3A_12, %dma_start3A_14] : memref<4x2048x1024xf32, #tpu.memory_space<hbm>> -> memref<1x16x1024xf32, #tpu.memory_space<hbm>>
    %dma_start3A_16 = tpu.memref_squeeze %dma_start3A_15 : memref<1x16x1024xf32, #tpu.memory_space<hbm>> -> memref<16x1024xf32, #tpu.memory_space<hbm>>
    %dma_start3A_17 = arith.constant 0 : i32
    %dma_start3A_18 = tpu.memref_slice %arg2[%dma_start3A_13, %add3A_12, %dma_start3A_17] : memref<4x2048x1024xf32, #tpu.memory_space<hbm>> -> memref<1x16x1024xf32, #tpu.memory_space<hbm>>
    %dma_start3A_19 = tpu.memref_squeeze %dma_start3A_18 : memref<1x16x1024xf32, #tpu.memory_space<hbm>> -> memref<16x1024xf32, #tpu.memory_space<hbm>>
    tpu.enqueue_dma source(%dma_start3A_19 : memref<16x1024xf32, #tpu.memory_space<hbm>>) target(%arg9 : memref<16x1024xf32, #tpu.memory_space<vmem>>) target_semaphore(%arg12 : memref<!tpu.dma_semaphore, #tpu.memory_space<semaphore_mem>>)
    %add3A_20 = arith.constant 0 : i32
    %add3A_21 = arith.addi %mul3A_2, %add3A_20 : i32
    %dma_wait3A = arith.constant 0 : i32
    %dma_wait3A_22 = arith.constant 0 : i32
    %dma_wait3A_23 = tpu.memref_slice %arg2[%dma_wait3A, %add3A_21, %dma_wait3A_22] : memref<4x2048x1024xf32, #tpu.memory_space<hbm>> -> memref<1x16x1024xf32, #tpu.memory_space<hbm>>
    %dma_wait3A_24 = tpu.memref_squeeze %dma_wait3A_23 : memref<1x16x1024xf32, #tpu.memory_space<hbm>> -> memref<16x1024xf32, #tpu.memory_space<hbm>>
    %dma_wait3A_25 = arith.constant 0 : i32
    %dma_wait3A_26 = tpu.memref_slice %arg2[%dma_wait3A, %add3A_21, %dma_wait3A_25] : memref<4x2048x1024xf32, #tpu.memory_space<hbm>> -> memref<1x16x1024xf32, #tpu.memory_space<hbm>>
    %dma_wait3A_27 = tpu.memref_squeeze %dma_wait3A_26 : memref<1x16x1024xf32, #tpu.memory_space<hbm>> -> memref<16x1024xf32, #tpu.memory_space<hbm>>
    tpu.wait_dma2 semaphore(%arg11 : memref<!tpu.dma_semaphore, #tpu.memory_space<semaphore_mem>>) src(%dma_wait3A_27 : memref<16x1024xf32, #tpu.memory_space<hbm>>) dst(%arg8 : memref<16x1024xf32, #tpu.memory_space<vmem>>)
    %add3A_28 = arith.constant 0 : i32
    %add3A_29 = arith.addi %mul3A_2, %add3A_28 : i32
    %scan3A = arith.constant 0 : i32
    %scan3A_30 = arith.constant 0 : i32
    %scan3A_31 = arith.constant 32 : i32
    %scan3A_32 = arith.addi %scan3A_30, %scan3A_31 : i32
    %scan3A_33 = arith.constant 1 : i32
    %scan3A_34 = scf.for %scan3A_720 = %scan3A_30 to %scan3A_32 step %scan3A_33 iter_args(%scan3A_721 = %scan3A) -> (i32)  : i32 {
      %mul3A_722 = arith.constant 32 : i32
      %mul3A_723 = arith.muli %scan3A_720, %mul3A_722 : i32
      %get3A = arith.constant 0 : i32
      %get3A_724 = arith.index_cast %get3A : i32 to index
      %get3A_725 = arith.index_cast %mul3A_723 : i32 to index
      %get3A_726 = tpu.vector_load %arg7[%get3A_724, %get3A_725] {strides = array<i32>} : memref<3x1024xf32, #tpu.memory_space<vmem>>, vector<16xf32>,
      %mul3A_727 = arith.constant 32 : i32
      %mul3A_728 = arith.muli %scan3A_720, %mul3A_727 : i32
      %add3A_729 = arith.constant 16 : i32
      %add3A_730 = arith.addi %mul3A_728, %add3A_729 : i32
      %get3A_731 = arith.constant 0 : i32
      %get3A_732 = arith.index_cast %get3A_731 : i32 to index
      %get3A_733 = arith.index_cast %add3A_730 : i32 to index
      %get3A_734 = tpu.vector_load %arg7[%get3A_732, %get3A_733] {strides = array<i32>} : memref<3x1024xf32, #tpu.memory_space<vmem>>, vector<16xf32>,
      %parallel_loop3A = arith.constant 0 : i32
      %parallel_loop3A_735 = arith.constant 16 : i32
      %parallel_loop3A_736 = arith.constant 1 : i32
      scf.for %parallel_loop3A_738 = %parallel_loop3A to %parallel_loop3A_735 step %parallel_loop3A_736  : i32 {
        %parallel_loop3A_739 = arith.constant 0 : i32
        %parallel_loop3A_740 = arith.addi %parallel_loop3A_739, %parallel_loop3A_738 : i32
        %parallel_loop3A_741 = arith.constant 16 : i32
        %parallel_loop3A_742 = arith.muli %scan3A_720, %parallel_loop3A_741 : i32
        %parallel_loop3A_743 = arith.index_cast %parallel_loop3A_740 : i32 to index
        %parallel_loop3A_744 = arith.index_cast %parallel_loop3A_742 : i32 to index
        %parallel_loop3A_745 = tpu.vector_load %arg6[%parallel_loop3A_743, %parallel_loop3A_744] {strides = array<i32>} : memref<64x512xi32, #tpu.memory_space<vmem>>, vector<16xi32>,
        %parallel_loop3A_746 = vector.bitcast %parallel_loop3A_745 : vector<16xi32> to vector<32xbf16>
        %parallel_loop3A_747 = tpu.unpack_subelements %parallel_loop3A_746, 0 {pack_format = #tpu.pack_format<interleaved>} : vector<32xbf16> -> vector<16xf32>
        %parallel_loop3A_748 = tpu.unpack_subelements %parallel_loop3A_746, 1 {pack_format = #tpu.pack_format<interleaved>} : vector<32xbf16> -> vector<16xf32>
        %parallel_loop3A_749 = arith.constant 32 : i32
        %parallel_loop3A_750 = arith.muli %scan3A_720, %parallel_loop3A_749 : i32
        %parallel_loop3A_751 = arith.addf %parallel_loop3A_747, %get3A_726 : vector<16xf32>
        %parallel_loop3A_752 = arith.index_cast %parallel_loop3A_738 : i32 to index
        %parallel_loop3A_753 = arith.index_cast %parallel_loop3A_750 : i32 to index
        %parallel_loop3A_754 = tpu.vector_load %arg8[%parallel_loop3A_752, %parallel_loop3A_753] {strides = array<i32>} : memref<16x1024xf32, #tpu.memory_space<vmem>>, vector<16xf32>,
        tpu.vector_store %arg8[%parallel_loop3A_752, %parallel_loop3A_753], %parallel_loop3A_751 {add = true, strides = array<i32>} : memref<16x1024xf32, #tpu.memory_space<vmem>>, vector<16xf32>,
        %parallel_loop3A_755 = arith.constant 32 : i32
        %parallel_loop3A_756 = arith.muli %scan3A_720, %parallel_loop3A_755 : i32
        %parallel_loop3A_757 = arith.constant 16 : i32
        %parallel_loop3A_758 = arith.addi %parallel_loop3A_756, %parallel_loop3A_757 : i32
        %parallel_loop3A_759 = arith.addf %parallel_loop3A_748, %get3A_734 : vector<16xf32>
        %parallel_loop3A_760 = arith.index_cast %parallel_loop3A_738 : i32 to index
        %parallel_loop3A_761 = arith.index_cast %parallel_loop3A_758 : i32 to index
        %parallel_loop3A_762 = tpu.vector_load %arg8[%parallel_loop3A_760, %parallel_loop3A_761] {strides = array<i32>} : memref<16x1024xf32, #tpu.memory_space<vmem>>, vector<16xf32>,
        tpu.vector_store %arg8[%parallel_loop3A_760, %parallel_loop3A_761], %parallel_loop3A_759 {add = true, strides = array<i32>} : memref<16x1024xf32, #tpu.memory_space<vmem>>, vector<16xf32>,
      } {sc.loop_unroll_factor = 4 : i64, sc.parallel_access}
      %scan3A_737 = arith.constant 0 : i32
      scf.yield %scan3A_737 : i32
    }
    %scan3A_35 = arith.constant 32 : i32
    %add3A_36 = arith.constant 0 : i32
    %add3A_37 = arith.addi %mul3A_2, %add3A_36 : i32
    %dma_start3A_38 = arith.constant 0 : i32
    %dma_start3A_39 = arith.constant 0 : i32
    %dma_start3A_40 = tpu.memref_slice %arg5[%dma_start3A_38, %add3A_37, %dma_start3A_39] : memref<4x2048x1024xf32, #tpu.memory_space<hbm>> -> memref<1x16x1024xf32, #tpu.memory_space<hbm>>
    %dma_start3A_41 = tpu.memref_squeeze %dma_start3A_40 : memref<1x16x1024xf32, #tpu.memory_space<hbm>> -> memref<16x1024xf32, #tpu.memory_space<hbm>>
    %dma_start3A_42 = arith.constant 0 : i32
    %dma_start3A_43 = tpu.memref_slice %arg5[%dma_start3A_38, %add3A_37, %dma_start3A_42] : memref<4x2048x1024xf32, #tpu.memory_space<hbm>> -> memref<1x16x1024xf32, #tpu.memory_space<hbm>>
    %dma_start3A_44 = tpu.memref_squeeze %dma_start3A_43 : memref<1x16x1024xf32, #tpu.memory_space<hbm>> -> memref<16x1024xf32, #tpu.memory_space<hbm>>
    tpu.enqueue_dma source(%arg8 : memref<16x1024xf32, #tpu.memory_space<vmem>>) target(%dma_start3A_44 : memref<16x1024xf32, #tpu.memory_space<hbm>>) target_semaphore(%arg14 : memref<!tpu.dma_semaphore, #tpu.memory_space<semaphore_mem>>)
    %add3A_45 = arith.constant 32 : i32
    %add3A_46 = arith.addi %mul3A_2, %add3A_45 : i32
    %dma_start3A_47 = arith.constant 0 : i32
    %dma_start3A_48 = arith.constant 0 : i32
    %dma_start3A_49 = tpu.memref_slice %arg2[%dma_start3A_47, %add3A_46, %dma_start3A_48] : memref<4x2048x1024xf32, #tpu.memory_space<hbm>> -> memref<1x16x1024xf32, #tpu.memory_space<hbm>>
    %dma_start3A_50 = tpu.memref_squeeze %dma_start3A_49 : memref<1x16x1024xf32, #tpu.memory_space<hbm>> -> memref<16x1024xf32, #tpu.memory_space<hbm>>
    %dma_start3A_51 = arith.constant 0 : i32
    %dma_start3A_52 = tpu.memref_slice %arg2[%dma_start3A_47, %add3A_46, %dma_start3A_51] : memref<4x2048x1024xf32, #tpu.memory_space<hbm>> -> memref<1x16x1024xf32, #tpu.memory_space<hbm>>
    %dma_start3A_53 = tpu.memref_squeeze %dma_start3A_52 : memref<1x16x1024xf32, #tpu.memory_space<hbm>> -> memref<16x1024xf32, #tpu.memory_space<hbm>>
    tpu.enqueue_dma source(%dma_start3A_53 : memref<16x1024xf32, #tpu.memory_space<hbm>>) target(%arg10 : memref<16x1024xf32, #tpu.memory_space<vmem>>) target_semaphore(%arg13 : memref<!tpu.dma_semaphore, #tpu.memory_space<semaphore_mem>>)
    %add3A_54 = arith.constant 16 : i32
    %add3A_55 = arith.addi %mul3A_2, %add3A_54 : i32
    %dma_wait3A_56 = arith.constant 0 : i32
    %dma_wait3A_57 = arith.constant 0 : i32
    %dma_wait3A_58 = tpu.memref_slice %arg2[%dma_wait3A_56, %add3A_55, %dma_wait3A_57] : memref<4x2048x1024xf32, #tpu.memory_space<hbm>> -> memref<1x16x1024xf32, #tpu.memory_space<hbm>>
    %dma_wait3A_59 = tpu.memref_squeeze %dma_wait3A_58 : memref<1x16x1024xf32, #tpu.memory_space<hbm>> -> memref<16x1024xf32, #tpu.memory_space<hbm>>
    %dma_wait3A_60 = arith.constant 0 : i32
    %dma_wait3A_61 = tpu.memref_slice %arg2[%dma_wait3A_56, %add3A_55, %dma_wait3A_60] : memref<4x2048x1024xf32, #tpu.memory_space<hbm>> -> memref<1x16x1024xf32, #tpu.memory_space<hbm>>
    %dma_wait3A_62 = tpu.memref_squeeze %dma_wait3A_61 : memref<1x16x1024xf32, #tpu.memory_space<hbm>> -> memref<16x1024xf32, #tpu.memory_space<hbm>>
    tpu.wait_dma2 semaphore(%arg12 : memref<!tpu.dma_semaphore, #tpu.memory_space<semaphore_mem>>) src(%dma_wait3A_62 : memref<16x1024xf32, #tpu.memory_space<hbm>>) dst(%arg9 : memref<16x1024xf32, #tpu.memory_space<vmem>>)
    %add3A_63 = arith.constant 16 : i32
    %add3A_64 = arith.addi %mul3A_2, %add3A_63 : i32
    %scan3A_65 = arith.constant 0 : i32
    %scan3A_66 = arith.constant 0 : i32
    %scan3A_67 = arith.constant 32 : i32
    %scan3A_68 = arith.addi %scan3A_66, %scan3A_67 : i32
    %scan3A_69 = arith.constant 1 : i32
    %scan3A_70 = scf.for %scan3A_720 = %scan3A_66 to %scan3A_68 step %scan3A_69 iter_args(%scan3A_721 = %scan3A_65) -> (i32)  : i32 {
      %mul3A_722 = arith.constant 32 : i32
      %mul3A_723 = arith.muli %scan3A_720, %mul3A_722 : i32
      %get3A = arith.constant 0 : i32
      %get3A_724 = arith.index_cast %get3A : i32 to index
      %get3A_725 = arith.index_cast %mul3A_723 : i32 to index
      %get3A_726 = tpu.vector_load %arg7[%get3A_724, %get3A_725] {strides = array<i32>} : memref<3x1024xf32, #tpu.memory_space<vmem>>, vector<16xf32>,
      %mul3A_727 = arith.constant 32 : i32
      %mul3A_728 = arith.muli %scan3A_720, %mul3A_727 : i32
      %add3A_729 = arith.constant 16 : i32
      %add3A_730 = arith.addi %mul3A_728, %add3A_729 : i32
      %get3A_731 = arith.constant 0 : i32
      %get3A_732 = arith.index_cast %get3A_731 : i32 to index
      %get3A_733 = arith.index_cast %add3A_730 : i32 to index
      %get3A_734 = tpu.vector_load %arg7[%get3A_732, %get3A_733] {strides = array<i32>} : memref<3x1024xf32, #tpu.memory_space<vmem>>, vector<16xf32>,
      %parallel_loop3A = arith.constant 0 : i32
      %parallel_loop3A_735 = arith.constant 16 : i32
      %parallel_loop3A_736 = arith.constant 1 : i32
      scf.for %parallel_loop3A_738 = %parallel_loop3A to %parallel_loop3A_735 step %parallel_loop3A_736  : i32 {
        %parallel_loop3A_739 = arith.constant 16 : i32
        %parallel_loop3A_740 = arith.addi %parallel_loop3A_739, %parallel_loop3A_738 : i32
        %parallel_loop3A_741 = arith.constant 16 : i32
        %parallel_loop3A_742 = arith.muli %scan3A_720, %parallel_loop3A_741 : i32
        %parallel_loop3A_743 = arith.index_cast %parallel_loop3A_740 : i32 to index
        %parallel_loop3A_744 = arith.index_cast %parallel_loop3A_742 : i32 to index
        %parallel_loop3A_745 = tpu.vector_load %arg6[%parallel_loop3A_743, %parallel_loop3A_744] {strides = array<i32>} : memref<64x512xi32, #tpu.memory_space<vmem>>, vector<16xi32>,
        %parallel_loop3A_746 = vector.bitcast %parallel_loop3A_745 : vector<16xi32> to vector<32xbf16>
        %parallel_loop3A_747 = tpu.unpack_subelements %parallel_loop3A_746, 0 {pack_format = #tpu.pack_format<interleaved>} : vector<32xbf16> -> vector<16xf32>
        %parallel_loop3A_748 = tpu.unpack_subelements %parallel_loop3A_746, 1 {pack_format = #tpu.pack_format<interleaved>} : vector<32xbf16> -> vector<16xf32>
        %parallel_loop3A_749 = arith.constant 32 : i32
        %parallel_loop3A_750 = arith.muli %scan3A_720, %parallel_loop3A_749 : i32
        %parallel_loop3A_751 = arith.addf %parallel_loop3A_747, %get3A_726 : vector<16xf32>
        %parallel_loop3A_752 = arith.index_cast %parallel_loop3A_738 : i32 to index
        %parallel_loop3A_753 = arith.index_cast %parallel_loop3A_750 : i32 to index
        %parallel_loop3A_754 = tpu.vector_load %arg9[%parallel_loop3A_752, %parallel_loop3A_753] {strides = array<i32>} : memref<16x1024xf32, #tpu.memory_space<vmem>>, vector<16xf32>,
        tpu.vector_store %arg9[%parallel_loop3A_752, %parallel_loop3A_753], %parallel_loop3A_751 {add = true, strides = array<i32>} : memref<16x1024xf32, #tpu.memory_space<vmem>>, vector<16xf32>,
        %parallel_loop3A_755 = arith.constant 32 : i32
        %parallel_loop3A_756 = arith.muli %scan3A_720, %parallel_loop3A_755 : i32
        %parallel_loop3A_757 = arith.constant 16 : i32
        %parallel_loop3A_758 = arith.addi %parallel_loop3A_756, %parallel_loop3A_757 : i32
        %parallel_loop3A_759 = arith.addf %parallel_loop3A_748, %get3A_734 : vector<16xf32>
        %parallel_loop3A_760 = arith.index_cast %parallel_loop3A_738 : i32 to index
        %parallel_loop3A_761 = arith.index_cast %parallel_loop3A_758 : i32 to index
        %parallel_loop3A_762 = tpu.vector_load %arg9[%parallel_loop3A_760, %parallel_loop3A_761] {strides = array<i32>} : memref<16x1024xf32, #tpu.memory_space<vmem>>, vector<16xf32>,
        tpu.vector_store %arg9[%parallel_loop3A_760, %parallel_loop3A_761], %parallel_loop3A_759 {add = true, strides = array<i32>} : memref<16x1024xf32, #tpu.memory_space<vmem>>, vector<16xf32>,
      } {sc.loop_unroll_factor = 4 : i64, sc.parallel_access}
      %scan3A_737 = arith.constant 0 : i32
      scf.yield %scan3A_737 : i32
    }
    %scan3A_71 = arith.constant 32 : i32
    %add3A_72 = arith.constant 16 : i32
    %add3A_73 = arith.addi %mul3A_2, %add3A_72 : i32
    %dma_start3A_74 = arith.constant 0 : i32
    %dma_start3A_75 = arith.constant 0 : i32
    %dma_start3A_76 = tpu.memref_slice %arg5[%dma_start3A_74, %add3A_73, %dma_start3A_75] : memref<4x2048x1024xf32, #tpu.memory_space<hbm>> -> memref<1x16x1024xf32, #tpu.memory_space<hbm>>
    %dma_start3A_77 = tpu.memref_squeeze %dma_start3A_76 : memref<1x16x1024xf32, #tpu.memory_space<hbm>> -> memref<16x1024xf32, #tpu.memory_space<hbm>>
    %dma_start3A_78 = arith.constant 0 : i32
    %dma_start3A_79 = tpu.memref_slice %arg5[%dma_start3A_74, %add3A_73, %dma_start3A_78] : memref<4x2048x1024xf32, #tpu.memory_space<hbm>> -> memref<1x16x1024xf32, #tpu.memory_space<hbm>>
    %dma_start3A_80 = tpu.memref_squeeze %dma_start3A_79 : memref<1x16x1024xf32, #tpu.memory_space<hbm>> -> memref<16x1024xf32, #tpu.memory_space<hbm>>
    tpu.enqueue_dma source(%arg9 : memref<16x1024xf32, #tpu.memory_space<vmem>>) target(%dma_start3A_80 : memref<16x1024xf32, #tpu.memory_space<hbm>>) target_semaphore(%arg15 : memref<!tpu.dma_semaphore, #tpu.memory_space<semaphore_mem>>)
    %add3A_81 = arith.constant 0 : i32
    %add3A_82 = arith.addi %mul3A_2, %add3A_81 : i32
    %dma_wait3A_83 = arith.constant 0 : i32
    %dma_wait3A_84 = arith.constant 0 : i32
    %dma_wait3A_85 = tpu.memref_slice %arg5[%dma_wait3A_83, %add3A_82, %dma_wait3A_84] : memref<4x2048x1024xf32, #tpu.memory_space<hbm>> -> memref<1x16x1024xf32, #tpu.memory_space<hbm>>
    %dma_wait3A_86 = tpu.memref_squeeze %dma_wait3A_85 : memref<1x16x1024xf32, #tpu.memory_space<hbm>> -> memref<16x1024xf32, #tpu.memory_space<hbm>>
    %dma_wait3A_87 = arith.constant 0 : i32
    %dma_wait3A_88 = tpu.memref_slice %arg5[%dma_wait3A_83, %add3A_82, %dma_wait3A_87] : memref<4x2048x1024xf32, #tpu.memory_space<hbm>> -> memref<1x16x1024xf32, #tpu.memory_space<hbm>>
    %dma_wait3A_89 = tpu.memref_squeeze %dma_wait3A_88 : memref<1x16x1024xf32, #tpu.memory_space<hbm>> -> memref<16x1024xf32, #tpu.memory_space<hbm>>
    tpu.wait_dma2 semaphore(%arg14 : memref<!tpu.dma_semaphore, #tpu.memory_space<semaphore_mem>>) src(%arg8 : memref<16x1024xf32, #tpu.memory_space<vmem>>) dst(%dma_wait3A_89 : memref<16x1024xf32, #tpu.memory_space<hbm>>)
    %add3A_90 = arith.constant 48 : i32
    %add3A_91 = arith.addi %mul3A_2, %add3A_90 : i32
    %dma_start3A_92 = arith.constant 0 : i32
    %dma_start3A_93 = arith.constant 0 : i32
    %dma_start3A_94 = tpu.memref_slice %arg2[%dma_start3A_92, %add3A_91, %dma_start3A_93] : memref<4x2048x1024xf32, #tpu.memory_space<hbm>> -> memref<1x16x1024xf32, #tpu.memory_space<hbm>>
    %dma_start3A_95 = tpu.memref_squeeze %dma_start3A_94 : memref<1x16x1024xf32, #tpu.memory_space<hbm>> -> memref<16x1024xf32, #tpu.memory_space<hbm>>
    %dma_start3A_96 = arith.constant 0 : i32
    %dma_start3A_97 = tpu.memref_slice %arg2[%dma_start3A_92, %add3A_91, %dma_start3A_96] : memref<4x2048x1024xf32, #tpu.memory_space<hbm>> -> memref<1x16x1024xf32, #tpu.memory_space<hbm>>
    %dma_start3A_98 = tpu.memref_squeeze %dma_start3A_97 : memref<1x16x1024xf32, #tpu.memory_space<hbm>> -> memref<16x1024xf32, #tpu.memory_space<hbm>>
    tpu.enqueue_dma source(%dma_start3A_98 : memref<16x1024xf32, #tpu.memory_space<hbm>>) target(%arg8 : memref<16x1024xf32, #tpu.memory_space<vmem>>) target_semaphore(%arg11 : memref<!tpu.dma_semaphore, #tpu.memory_space<semaphore_mem>>)
    %add3A_99 = arith.constant 32 : i32
    %add3A_100 = arith.addi %mul3A_2, %add3A_99 : i32
    %dma_wait3A_101 = arith.constant 0 : i32
    %dma_wait3A_102 = arith.constant 0 : i32
    %dma_wait3A_103 = tpu.memref_slice %arg2[%dma_wait3A_101, %add3A_100, %dma_wait3A_102] : memref<4x2048x1024xf32, #tpu.memory_space<hbm>> -> memref<1x16x1024xf32, #tpu.memory_space<hbm>>
    %dma_wait3A_104 = tpu.memref_squeeze %dma_wait3A_103 : memref<1x16x1024xf32, #tpu.memory_space<hbm>> -> memref<16x1024xf32, #tpu.memory_space<hbm>>
    %dma_wait3A_105 = arith.constant 0 : i32
    %dma_wait3A_106 = tpu.memref_slice %arg2[%dma_wait3A_101, %add3A_100, %dma_wait3A_105] : memref<4x2048x1024xf32, #tpu.memory_space<hbm>> -> memref<1x16x1024xf32, #tpu.memory_space<hbm>>
    %dma_wait3A_107 = tpu.memref_squeeze %dma_wait3A_106 : memref<1x16x1024xf32, #tpu.memory_space<hbm>> -> memref<16x1024xf32, #tpu.memory_space<hbm>>
    tpu.wait_dma2 semaphore(%arg13 : memref<!tpu.dma_semaphore, #tpu.memory_space<semaphore_mem>>) src(%dma_wait3A_107 : memref<16x1024xf32, #tpu.memory_space<hbm>>) dst(%arg10 : memref<16x1024xf32, #tpu.memory_space<vmem>>)
    %add3A_108 = arith.constant 32 : i32
    %add3A_109 = arith.addi %mul3A_2, %add3A_108 : i32
    %scan3A_110 = arith.constant 0 : i32
    %scan3A_111 = arith.constant 0 : i32
    %scan3A_112 = arith.constant 32 : i32
    %scan3A_113 = arith.addi %scan3A_111, %scan3A_112 : i32
    %scan3A_114 = arith.constant 1 : i32
    %scan3A_115 = scf.for %scan3A_720 = %scan3A_111 to %scan3A_113 step %scan3A_114 iter_args(%scan3A_721 = %scan3A_110) -> (i32)  : i32 {
      %mul3A_722 = arith.constant 32 : i32
      %mul3A_723 = arith.muli %scan3A_720, %mul3A_722 : i32
      %get3A = arith.constant 0 : i32
      %get3A_724 = arith.index_cast %get3A : i32 to index
      %get3A_725 = arith.index_cast %mul3A_723 : i32 to index
      %get3A_726 = tpu.vector_load %arg7[%get3A_724, %get3A_725] {strides = array<i32>} : memref<3x1024xf32, #tpu.memory_space<vmem>>, vector<16xf32>,
      %mul3A_727 = arith.constant 32 : i32
      %mul3A_728 = arith.muli %scan3A_720, %mul3A_727 : i32
      %add3A_729 = arith.constant 16 : i32
      %add3A_730 = arith.addi %mul3A_728, %add3A_729 : i32
      %get3A_731 = arith.constant 0 : i32
      %get3A_732 = arith.index_cast %get3A_731 : i32 to index
      %get3A_733 = arith.index_cast %add3A_730 : i32 to index
      %get3A_734 = tpu.vector_load %arg7[%get3A_732, %get3A_733] {strides = array<i32>} : memref<3x1024xf32, #tpu.memory_space<vmem>>, vector<16xf32>,
      %parallel_loop3A = arith.constant 0 : i32
      %parallel_loop3A_735 = arith.constant 16 : i32
      %parallel_loop3A_736 = arith.constant 1 : i32
      scf.for %parallel_loop3A_738 = %parallel_loop3A to %parallel_loop3A_735 step %parallel_loop3A_736  : i32 {
        %parallel_loop3A_739 = arith.constant 32 : i32
        %parallel_loop3A_740 = arith.addi %parallel_loop3A_739, %parallel_loop3A_738 : i32
        %parallel_loop3A_741 = arith.constant 16 : i32
        %parallel_loop3A_742 = arith.muli %scan3A_720, %parallel_loop3A_741 : i32
        %parallel_loop3A_743 = arith.index_cast %parallel_loop3A_740 : i32 to index
        %parallel_loop3A_744 = arith.index_cast %parallel_loop3A_742 : i32 to index
        %parallel_loop3A_745 = tpu.vector_load %arg6[%parallel_loop3A_743, %parallel_loop3A_744] {strides = array<i32>} : memref<64x512xi32, #tpu.memory_space<vmem>>, vector<16xi32>,
        %parallel_loop3A_746 = vector.bitcast %parallel_loop3A_745 : vector<16xi32> to vector<32xbf16>
        %parallel_loop3A_747 = tpu.unpack_subelements %parallel_loop3A_746, 0 {pack_format = #tpu.pack_format<interleaved>} : vector<32xbf16> -> vector<16xf32>
        %parallel_loop3A_748 = tpu.unpack_subelements %parallel_loop3A_746, 1 {pack_format = #tpu.pack_format<interleaved>} : vector<32xbf16> -> vector<16xf32>
        %parallel_loop3A_749 = arith.constant 32 : i32
        %parallel_loop3A_750 = arith.muli %scan3A_720, %parallel_loop3A_749 : i32
        %parallel_loop3A_751 = arith.addf %parallel_loop3A_747, %get3A_726 : vector<16xf32>
        %parallel_loop3A_752 = arith.index_cast %parallel_loop3A_738 : i32 to index
        %parallel_loop3A_753 = arith.index_cast %parallel_loop3A_750 : i32 to index
        %parallel_loop3A_754 = tpu.vector_load %arg10[%parallel_loop3A_752, %parallel_loop3A_753] {strides = array<i32>} : memref<16x1024xf32, #tpu.memory_space<vmem>>, vector<16xf32>,
        tpu.vector_store %arg10[%parallel_loop3A_752, %parallel_loop3A_753], %parallel_loop3A_751 {add = true, strides = array<i32>} : memref<16x1024xf32, #tpu.memory_space<vmem>>, vector<16xf32>,
        %parallel_loop3A_755 = arith.constant 32 : i32
        %parallel_loop3A_756 = arith.muli %scan3A_720, %parallel_loop3A_755 : i32
        %parallel_loop3A_757 = arith.constant 16 : i32
        %parallel_loop3A_758 = arith.addi %parallel_loop3A_756, %parallel_loop3A_757 : i32
        %parallel_loop3A_759 = arith.addf %parallel_loop3A_748, %get3A_734 : vector<16xf32>
        %parallel_loop3A_760 = arith.index_cast %parallel_loop3A_738 : i32 to index
        %parallel_loop3A_761 = arith.index_cast %parallel_loop3A_758 : i32 to index
        %parallel_loop3A_762 = tpu.vector_load %arg10[%parallel_loop3A_760, %parallel_loop3A_761] {strides = array<i32>} : memref<16x1024xf32, #tpu.memory_space<vmem>>, vector<16xf32>,
        tpu.vector_store %arg10[%parallel_loop3A_760, %parallel_loop3A_761], %parallel_loop3A_759 {add = true, strides = array<i32>} : memref<16x1024xf32, #tpu.memory_space<vmem>>, vector<16xf32>,
      } {sc.loop_unroll_factor = 4 : i64, sc.parallel_access}
      %scan3A_737 = arith.constant 0 : i32
      scf.yield %scan3A_737 : i32
    }
    %scan3A_116 = arith.constant 32 : i32
    %add3A_117 = arith.constant 32 : i32
    %add3A_118 = arith.addi %mul3A_2, %add3A_117 : i32
    %dma_start3A_119 = arith.constant 0 : i32
    %dma_start3A_120 = arith.constant 0 : i32
    %dma_start3A_121 = tpu.memref_slice %arg5[%dma_start3A_119, %add3A_118, %dma_start3A_120] : memref<4x2048x1024xf32, #tpu.memory_space<hbm>> -> memref<1x16x1024xf32, #tpu.memory_space<hbm>>
    %dma_start3A_122 = tpu.memref_squeeze %dma_start3A_121 : memref<1x16x1024xf32, #tpu.memory_space<hbm>> -> memref<16x1024xf32, #tpu.memory_space<hbm>>
    %dma_start3A_123 = arith.constant 0 : i32
    %dma_start3A_124 = tpu.memref_slice %arg5[%dma_start3A_119, %add3A_118, %dma_start3A_123] : memref<4x2048x1024xf32, #tpu.memory_space<hbm>> -> memref<1x16x1024xf32, #tpu.memory_space<hbm>>
    %dma_start3A_125 = tpu.memref_squeeze %dma_start3A_124 : memref<1x16x1024xf32, #tpu.memory_space<hbm>> -> memref<16x1024xf32, #tpu.memory_space<hbm>>
    tpu.enqueue_dma source(%arg10 : memref<16x1024xf32, #tpu.memory_space<vmem>>) target(%dma_start3A_125 : memref<16x1024xf32, #tpu.memory_space<hbm>>) target_semaphore(%arg16 : memref<!tpu.dma_semaphore, #tpu.memory_space<semaphore_mem>>)
    %add3A_126 = arith.constant 16 : i32
    %add3A_127 = arith.addi %mul3A_2, %add3A_126 : i32
    %dma_wait3A_128 = arith.constant 0 : i32
    %dma_wait3A_129 = arith.constant 0 : i32
    %dma_wait3A_130 = tpu.memref_slice %arg5[%dma_wait3A_128, %add3A_127, %dma_wait3A_129] : memref<4x2048x1024xf32, #tpu.memory_space<hbm>> -> memref<1x16x1024xf32, #tpu.memory_space<hbm>>
    %dma_wait3A_131 = tpu.memref_squeeze %dma_wait3A_130 : memref<1x16x1024xf32, #tpu.memory_space<hbm>> -> memref<16x1024xf32, #tpu.memory_space<hbm>>
    %dma_wait3A_132 = arith.constant 0 : i32
    %dma_wait3A_133 = tpu.memref_slice %arg5[%dma_wait3A_128, %add3A_127, %dma_wait3A_132] : memref<4x2048x1024xf32, #tpu.memory_space<hbm>> -> memref<1x16x1024xf32, #tpu.memory_space<hbm>>
    %dma_wait3A_134 = tpu.memref_squeeze %dma_wait3A_133 : memref<1x16x1024xf32, #tpu.memory_space<hbm>> -> memref<16x1024xf32, #tpu.memory_space<hbm>>
    tpu.wait_dma2 semaphore(%arg15 : memref<!tpu.dma_semaphore, #tpu.memory_space<semaphore_mem>>) src(%arg9 : memref<16x1024xf32, #tpu.memory_space<vmem>>) dst(%dma_wait3A_134 : memref<16x1024xf32, #tpu.memory_space<hbm>>)
    %add3A_135 = arith.constant 0 : i32
    %add3A_136 = arith.addi %mul3A_2, %add3A_135 : i32
    %dma_start3A_137 = arith.constant 1 : i32
    %dma_start3A_138 = arith.constant 0 : i32
    %dma_start3A_139 = tpu.memref_slice %arg2[%dma_start3A_137, %add3A_136, %dma_start3A_138] : memref<4x2048x1024xf32, #tpu.memory_space<hbm>> -> memref<1x16x1024xf32, #tpu.memory_space<hbm>>
    %dma_start3A_140 = tpu.memref_squeeze %dma_start3A_139 : memref<1x16x1024xf32, #tpu.memory_space<hbm>> -> memref<16x1024xf32, #tpu.memory_space<hbm>>
    %dma_start3A_141 = arith.constant 0 : i32
    %dma_start3A_142 = tpu.memref_slice %arg2[%dma_start3A_137, %add3A_136, %dma_start3A_141] : memref<4x2048x1024xf32, #tpu.memory_space<hbm>> -> memref<1x16x1024xf32, #tpu.memory_space<hbm>>
    %dma_start3A_143 = tpu.memref_squeeze %dma_start3A_142 : memref<1x16x1024xf32, #tpu.memory_space<hbm>> -> memref<16x1024xf32, #tpu.memory_space<hbm>>
    tpu.enqueue_dma source(%dma_start3A_143 : memref<16x1024xf32, #tpu.memory_space<hbm>>) target(%arg9 : memref<16x1024xf32, #tpu.memory_space<vmem>>) target_semaphore(%arg12 : memref<!tpu.dma_semaphore, #tpu.memory_space<semaphore_mem>>)
    %add3A_144 = arith.constant 48 : i32
    %add3A_145 = arith.addi %mul3A_2, %add3A_144 : i32
    %dma_wait3A_146 = arith.constant 0 : i32
    %dma_wait3A_147 = arith.constant 0 : i32
    %dma_wait3A_148 = tpu.memref_slice %arg2[%dma_wait3A_146, %add3A_145, %dma_wait3A_147] : memref<4x2048x1024xf32, #tpu.memory_space<hbm>> -> memref<1x16x1024xf32, #tpu.memory_space<hbm>>
    %dma_wait3A_149 = tpu.memref_squeeze %dma_wait3A_148 : memref<1x16x1024xf32, #tpu.memory_space<hbm>> -> memref<16x1024xf32, #tpu.memory_space<hbm>>
    %dma_wait3A_150 = arith.constant 0 : i32
    %dma_wait3A_151 = tpu.memref_slice %arg2[%dma_wait3A_146, %add3A_145, %dma_wait3A_150] : memref<4x2048x1024xf32, #tpu.memory_space<hbm>> -> memref<1x16x1024xf32, #tpu.memory_space<hbm>>
    %dma_wait3A_152 = tpu.memref_squeeze %dma_wait3A_151 : memref<1x16x1024xf32, #tpu.memory_space<hbm>> -> memref<16x1024xf32, #tpu.memory_space<hbm>>
    tpu.wait_dma2 semaphore(%arg11 : memref<!tpu.dma_semaphore, #tpu.memory_space<semaphore_mem>>) src(%dma_wait3A_152 : memref<16x1024xf32, #tpu.memory_space<hbm>>) dst(%arg8 : memref<16x1024xf32, #tpu.memory_space<vmem>>)
    %add3A_153 = arith.constant 48 : i32
    %add3A_154 = arith.addi %mul3A_2, %add3A_153 : i32
    %scan3A_155 = arith.constant 0 : i32
    %scan3A_156 = arith.constant 0 : i32
    %scan3A_157 = arith.constant 32 : i32
    %scan3A_158 = arith.addi %scan3A_156, %scan3A_157 : i32
    %scan3A_159 = arith.constant 1 : i32
    %scan3A_160 = scf.for %scan3A_720 = %scan3A_156 to %scan3A_158 step %scan3A_159 iter_args(%scan3A_721 = %scan3A_155) -> (i32)  : i32 {
      %mul3A_722 = arith.constant 32 : i32
      %mul3A_723 = arith.muli %scan3A_720, %mul3A_722 : i32
      %get3A = arith.constant 0 : i32
      %get3A_724 = arith.index_cast %get3A : i32 to index
      %get3A_725 = arith.index_cast %mul3A_723 : i32 to index
      %get3A_726 = tpu.vector_load %arg7[%get3A_724, %get3A_725] {strides = array<i32>} : memref<3x1024xf32, #tpu.memory_space<vmem>>, vector<16xf32>,
      %mul3A_727 = arith.constant 32 : i32
      %mul3A_728 = arith.muli %scan3A_720, %mul3A_727 : i32
      %add3A_729 = arith.constant 16 : i32
      %add3A_730 = arith.addi %mul3A_728, %add3A_729 : i32
      %get3A_731 = arith.constant 0 : i32
      %get3A_732 = arith.index_cast %get3A_731 : i32 to index
      %get3A_733 = arith.index_cast %add3A_730 : i32 to index
      %get3A_734 = tpu.vector_load %arg7[%get3A_732, %get3A_733] {strides = array<i32>} : memref<3x1024xf32, #tpu.memory_space<vmem>>, vector<16xf32>,
      %parallel_loop3A = arith.constant 0 : i32
      %parallel_loop3A_735 = arith.constant 16 : i32
      %parallel_loop3A_736 = arith.constant 1 : i32
      scf.for %parallel_loop3A_738 = %parallel_loop3A to %parallel_loop3A_735 step %parallel_loop3A_736  : i32 {
        %parallel_loop3A_739 = arith.constant 48 : i32
        %parallel_loop3A_740 = arith.addi %parallel_loop3A_739, %parallel_loop3A_738 : i32
        %parallel_loop3A_741 = arith.constant 16 : i32
        %parallel_loop3A_742 = arith.muli %scan3A_720, %parallel_loop3A_741 : i32
        %parallel_loop3A_743 = arith.index_cast %parallel_loop3A_740 : i32 to index
        %parallel_loop3A_744 = arith.index_cast %parallel_loop3A_742 : i32 to index
        %parallel_loop3A_745 = tpu.vector_load %arg6[%parallel_loop3A_743, %parallel_loop3A_744] {strides = array<i32>} : memref<64x512xi32, #tpu.memory_space<vmem>>, vector<16xi32>,
        %parallel_loop3A_746 = vector.bitcast %parallel_loop3A_745 : vector<16xi32> to vector<32xbf16>
        %parallel_loop3A_747 = tpu.unpack_subelements %parallel_loop3A_746, 0 {pack_format = #tpu.pack_format<interleaved>} : vector<32xbf16> -> vector<16xf32>
        %parallel_loop3A_748 = tpu.unpack_subelements %parallel_loop3A_746, 1 {pack_format = #tpu.pack_format<interleaved>} : vector<32xbf16> -> vector<16xf32>
        %parallel_loop3A_749 = arith.constant 32 : i32
        %parallel_loop3A_750 = arith.muli %scan3A_720, %parallel_loop3A_749 : i32
        %parallel_loop3A_751 = arith.addf %parallel_loop3A_747, %get3A_726 : vector<16xf32>
        %parallel_loop3A_752 = arith.index_cast %parallel_loop3A_738 : i32 to index
        %parallel_loop3A_753 = arith.index_cast %parallel_loop3A_750 : i32 to index
        %parallel_loop3A_754 = tpu.vector_load %arg8[%parallel_loop3A_752, %parallel_loop3A_753] {strides = array<i32>} : memref<16x1024xf32, #tpu.memory_space<vmem>>, vector<16xf32>,
        tpu.vector_store %arg8[%parallel_loop3A_752, %parallel_loop3A_753], %parallel_loop3A_751 {add = true, strides = array<i32>} : memref<16x1024xf32, #tpu.memory_space<vmem>>, vector<16xf32>,
        %parallel_loop3A_755 = arith.constant 32 : i32
        %parallel_loop3A_756 = arith.muli %scan3A_720, %parallel_loop3A_755 : i32
        %parallel_loop3A_757 = arith.constant 16 : i32
        %parallel_loop3A_758 = arith.addi %parallel_loop3A_756, %parallel_loop3A_757 : i32
        %parallel_loop3A_759 = arith.addf %parallel_loop3A_748, %get3A_734 : vector<16xf32>
        %parallel_loop3A_760 = arith.index_cast %parallel_loop3A_738 : i32 to index
        %parallel_loop3A_761 = arith.index_cast %parallel_loop3A_758 : i32 to index
        %parallel_loop3A_762 = tpu.vector_load %arg8[%parallel_loop3A_760, %parallel_loop3A_761] {strides = array<i32>} : memref<16x1024xf32, #tpu.memory_space<vmem>>, vector<16xf32>,
        tpu.vector_store %arg8[%parallel_loop3A_760, %parallel_loop3A_761], %parallel_loop3A_759 {add = true, strides = array<i32>} : memref<16x1024xf32, #tpu.memory_space<vmem>>, vector<16xf32>,
      } {sc.loop_unroll_factor = 4 : i64, sc.parallel_access}
      %scan3A_737 = arith.constant 0 : i32
      scf.yield %scan3A_737 : i32
    }
    %scan3A_161 = arith.constant 32 : i32
    %add3A_162 = arith.constant 48 : i32
    %add3A_163 = arith.addi %mul3A_2, %add3A_162 : i32
    %dma_start3A_164 = arith.constant 0 : i32
    %dma_start3A_165 = arith.constant 0 : i32
    %dma_start3A_166 = tpu.memref_slice %arg5[%dma_start3A_164, %add3A_163, %dma_start3A_165] : memref<4x2048x1024xf32, #tpu.memory_space<hbm>> -> memref<1x16x1024xf32, #tpu.memory_space<hbm>>
    %dma_start3A_167 = tpu.memref_squeeze %dma_start3A_166 : memref<1x16x1024xf32, #tpu.memory_space<hbm>> -> memref<16x1024xf32, #tpu.memory_space<hbm>>
    %dma_start3A_168 = arith.constant 0 : i32
    %dma_start3A_169 = tpu.memref_slice %arg5[%dma_start3A_164, %add3A_163, %dma_start3A_168] : memref<4x2048x1024xf32, #tpu.memory_space<hbm>> -> memref<1x16x1024xf32, #tpu.memory_space<hbm>>
    %dma_start3A_170 = tpu.memref_squeeze %dma_start3A_169 : memref<1x16x1024xf32, #tpu.memory_space<hbm>> -> memref<16x1024xf32, #tpu.memory_space<hbm>>
    tpu.enqueue_dma source(%arg8 : memref<16x1024xf32, #tpu.memory_space<vmem>>) target(%dma_start3A_170 : memref<16x1024xf32, #tpu.memory_space<hbm>>) target_semaphore(%arg14 : memref<!tpu.dma_semaphore, #tpu.memory_space<semaphore_mem>>)
    %add3A_171 = arith.constant 32 : i32
    %add3A_172 = arith.addi %mul3A_2, %add3A_171 : i32
    %dma_wait3A_173 = arith.constant 0 : i32
    %dma_wait3A_174 = arith.constant 0 : i32
    %dma_wait3A_175 = tpu.memref_slice %arg5[%dma_wait3A_173, %add3A_172, %dma_wait3A_174] : memref<4x2048x1024xf32, #tpu.memory_space<hbm>> -> memref<1x16x1024xf32, #tpu.memory_space<hbm>>
    %dma_wait3A_176 = tpu.memref_squeeze %dma_wait3A_175 : memref<1x16x1024xf32, #tpu.memory_space<hbm>> -> memref<16x1024xf32, #tpu.memory_space<hbm>>
    %dma_wait3A_177 = arith.constant 0 : i32
    %dma_wait3A_178 = tpu.memref_slice %arg5[%dma_wait3A_173, %add3A_172, %dma_wait3A_177] : memref<4x2048x1024xf32, #tpu.memory_space<hbm>> -> memref<1x16x1024xf32, #tpu.memory_space<hbm>>
    %dma_wait3A_179 = tpu.memref_squeeze %dma_wait3A_178 : memref<1x16x1024xf32, #tpu.memory_space<hbm>> -> memref<16x1024xf32, #tpu.memory_space<hbm>>
    tpu.wait_dma2 semaphore(%arg16 : memref<!tpu.dma_semaphore, #tpu.memory_space<semaphore_mem>>) src(%arg10 : memref<16x1024xf32, #tpu.memory_space<vmem>>) dst(%dma_wait3A_179 : memref<16x1024xf32, #tpu.memory_space<hbm>>)
    %add3A_180 = arith.constant 16 : i32
    %add3A_181 = arith.addi %mul3A_2, %add3A_180 : i32
    %dma_start3A_182 = arith.constant 1 : i32
    %dma_start3A_183 = arith.constant 0 : i32
    %dma_start3A_184 = tpu.memref_slice %arg2[%dma_start3A_182, %add3A_181, %dma_start3A_183] : memref<4x2048x1024xf32, #tpu.memory_space<hbm>> -> memref<1x16x1024xf32, #tpu.memory_space<hbm>>
    %dma_start3A_185 = tpu.memref_squeeze %dma_start3A_184 : memref<1x16x1024xf32, #tpu.memory_space<hbm>> -> memref<16x1024xf32, #tpu.memory_space<hbm>>
    %dma_start3A_186 = arith.constant 0 : i32
    %dma_start3A_187 = tpu.memref_slice %arg2[%dma_start3A_182, %add3A_181, %dma_start3A_186] : memref<4x2048x1024xf32, #tpu.memory_space<hbm>> -> memref<1x16x1024xf32, #tpu.memory_space<hbm>>
    %dma_start3A_188 = tpu.memref_squeeze %dma_start3A_187 : memref<1x16x1024xf32, #tpu.memory_space<hbm>> -> memref<16x1024xf32, #tpu.memory_space<hbm>>
    tpu.enqueue_dma source(%dma_start3A_188 : memref<16x1024xf32, #tpu.memory_space<hbm>>) target(%arg10 : memref<16x1024xf32, #tpu.memory_space<vmem>>) target_semaphore(%arg13 : memref<!tpu.dma_semaphore, #tpu.memory_space<semaphore_mem>>)
    %add3A_189 = arith.constant 0 : i32
    %add3A_190 = arith.addi %mul3A_2, %add3A_189 : i32
    %dma_wait3A_191 = arith.constant 1 : i32
    %dma_wait3A_192 = arith.constant 0 : i32
    %dma_wait3A_193 = tpu.memref_slice %arg2[%dma_wait3A_191, %add3A_190, %dma_wait3A_192] : memref<4x2048x1024xf32, #tpu.memory_space<hbm>> -> memref<1x16x1024xf32, #tpu.memory_space<hbm>>
    %dma_wait3A_194 = tpu.memref_squeeze %dma_wait3A_193 : memref<1x16x1024xf32, #tpu.memory_space<hbm>> -> memref<16x1024xf32, #tpu.memory_space<hbm>>
    %dma_wait3A_195 = arith.constant 0 : i32
    %dma_wait3A_196 = tpu.memref_slice %arg2[%dma_wait3A_191, %add3A_190, %dma_wait3A_195] : memref<4x2048x1024xf32, #tpu.memory_space<hbm>> -> memref<1x16x1024xf32, #tpu.memory_space<hbm>>
    %dma_wait3A_197 = tpu.memref_squeeze %dma_wait3A_196 : memref<1x16x1024xf32, #tpu.memory_space<hbm>> -> memref<16x1024xf32, #tpu.memory_space<hbm>>
    tpu.wait_dma2 semaphore(%arg12 : memref<!tpu.dma_semaphore, #tpu.memory_space<semaphore_mem>>) src(%dma_wait3A_197 : memref<16x1024xf32, #tpu.memory_space<hbm>>) dst(%arg9 : memref<16x1024xf32, #tpu.memory_space<vmem>>)
    %add3A_198 = arith.constant 0 : i32
    %add3A_199 = arith.addi %mul3A_2, %add3A_198 : i32
    %scan3A_200 = arith.constant 0 : i32
    %scan3A_201 = arith.constant 0 : i32
    %scan3A_202 = arith.constant 32 : i32
    %scan3A_203 = arith.addi %scan3A_201, %scan3A_202 : i32
    %scan3A_204 = arith.constant 1 : i32
    %scan3A_205 = scf.for %scan3A_720 = %scan3A_201 to %scan3A_203 step %scan3A_204 iter_args(%scan3A_721 = %scan3A_200) -> (i32)  : i32 {
      %mul3A_722 = arith.constant 32 : i32
      %mul3A_723 = arith.muli %scan3A_720, %mul3A_722 : i32
      %get3A = arith.constant 0 : i32
      %get3A_724 = arith.index_cast %get3A : i32 to index
      %get3A_725 = arith.index_cast %mul3A_723 : i32 to index
      %get3A_726 = tpu.vector_load %arg7[%get3A_724, %get3A_725] {strides = array<i32>} : memref<3x1024xf32, #tpu.memory_space<vmem>>, vector<16xf32>,
      %mul3A_727 = arith.constant 32 : i32
      %mul3A_728 = arith.muli %scan3A_720, %mul3A_727 : i32
      %add3A_729 = arith.constant 16 : i32
      %add3A_730 = arith.addi %mul3A_728, %add3A_729 : i32
      %get3A_731 = arith.constant 0 : i32
      %get3A_732 = arith.index_cast %get3A_731 : i32 to index
      %get3A_733 = arith.index_cast %add3A_730 : i32 to index
      %get3A_734 = tpu.vector_load %arg7[%get3A_732, %get3A_733] {strides = array<i32>} : memref<3x1024xf32, #tpu.memory_space<vmem>>, vector<16xf32>,
      %parallel_loop3A = arith.constant 0 : i32
      %parallel_loop3A_735 = arith.constant 16 : i32
      %parallel_loop3A_736 = arith.constant 1 : i32
      scf.for %parallel_loop3A_738 = %parallel_loop3A to %parallel_loop3A_735 step %parallel_loop3A_736  : i32 {
        %parallel_loop3A_739 = arith.constant 0 : i32
        %parallel_loop3A_740 = arith.addi %parallel_loop3A_739, %parallel_loop3A_738 : i32
        %parallel_loop3A_741 = arith.constant 16 : i32
        %parallel_loop3A_742 = arith.muli %scan3A_720, %parallel_loop3A_741 : i32
        %parallel_loop3A_743 = arith.index_cast %parallel_loop3A_740 : i32 to index
        %parallel_loop3A_744 = arith.index_cast %parallel_loop3A_742 : i32 to index
        %parallel_loop3A_745 = tpu.vector_load %arg6[%parallel_loop3A_743, %parallel_loop3A_744] {strides = array<i32>} : memref<64x512xi32, #tpu.memory_space<vmem>>, vector<16xi32>,
        %parallel_loop3A_746 = vector.bitcast %parallel_loop3A_745 : vector<16xi32> to vector<32xbf16>
        %parallel_loop3A_747 = tpu.unpack_subelements %parallel_loop3A_746, 0 {pack_format = #tpu.pack_format<interleaved>} : vector<32xbf16> -> vector<16xf32>
        %parallel_loop3A_748 = tpu.unpack_subelements %parallel_loop3A_746, 1 {pack_format = #tpu.pack_format<interleaved>} : vector<32xbf16> -> vector<16xf32>
        %parallel_loop3A_749 = arith.constant 32 : i32
        %parallel_loop3A_750 = arith.muli %scan3A_720, %parallel_loop3A_749 : i32
        %parallel_loop3A_751 = arith.addf %parallel_loop3A_747, %get3A_726 : vector<16xf32>
        %parallel_loop3A_752 = arith.index_cast %parallel_loop3A_738 : i32 to index
        %parallel_loop3A_753 = arith.index_cast %parallel_loop3A_750 : i32 to index
        %parallel_loop3A_754 = tpu.vector_load %arg9[%parallel_loop3A_752, %parallel_loop3A_753] {strides = array<i32>} : memref<16x1024xf32, #tpu.memory_space<vmem>>, vector<16xf32>,
        tpu.vector_store %arg9[%parallel_loop3A_752, %parallel_loop3A_753], %parallel_loop3A_751 {add = true, strides = array<i32>} : memref<16x1024xf32, #tpu.memory_space<vmem>>, vector<16xf32>,
        %parallel_loop3A_755 = arith.constant 32 : i32
        %parallel_loop3A_756 = arith.muli %scan3A_720, %parallel_loop3A_755 : i32
        %parallel_loop3A_757 = arith.constant 16 : i32
        %parallel_loop3A_758 = arith.addi %parallel_loop3A_756, %parallel_loop3A_757 : i32
        %parallel_loop3A_759 = arith.addf %parallel_loop3A_748, %get3A_734 : vector<16xf32>
        %parallel_loop3A_760 = arith.index_cast %parallel_loop3A_738 : i32 to index
        %parallel_loop3A_761 = arith.index_cast %parallel_loop3A_758 : i32 to index
        %parallel_loop3A_762 = tpu.vector_load %arg9[%parallel_loop3A_760, %parallel_loop3A_761] {strides = array<i32>} : memref<16x1024xf32, #tpu.memory_space<vmem>>, vector<16xf32>,
        tpu.vector_store %arg9[%parallel_loop3A_760, %parallel_loop3A_761], %parallel_loop3A_759 {add = true, strides = array<i32>} : memref<16x1024xf32, #tpu.memory_space<vmem>>, vector<16xf32>,
      } {sc.loop_unroll_factor = 4 : i64, sc.parallel_access}
      %scan3A_737 = arith.constant 0 : i32
      scf.yield %scan3A_737 : i32
    }
    %scan3A_206 = arith.constant 32 : i32
    %add3A_207 = arith.constant 0 : i32
    %add3A_208 = arith.addi %mul3A_2, %add3A_207 : i32
    %dma_start3A_209 = arith.constant 1 : i32
    %dma_start3A_210 = arith.constant 0 : i32
    %dma_start3A_211 = tpu.memref_slice %arg5[%dma_start3A_209, %add3A_208, %dma_start3A_210] : memref<4x2048x1024xf32, #tpu.memory_space<hbm>> -> memref<1x16x1024xf32, #tpu.memory_space<hbm>>
    %dma_start3A_212 = tpu.memref_squeeze %dma_start3A_211 : memref<1x16x1024xf32, #tpu.memory_space<hbm>> -> memref<16x1024xf32, #tpu.memory_space<hbm>>
    %dma_start3A_213 = arith.constant 0 : i32
    %dma_start3A_214 = tpu.memref_slice %arg5[%dma_start3A_209, %add3A_208, %dma_start3A_213] : memref<4x2048x1024xf32, #tpu.memory_space<hbm>> -> memref<1x16x1024xf32, #tpu.memory_space<hbm>>
    %dma_start3A_215 = tpu.memref_squeeze %dma_start3A_214 : memref<1x16x1024xf32, #tpu.memory_space<hbm>> -> memref<16x1024xf32, #tpu.memory_space<hbm>>
    tpu.enqueue_dma source(%arg9 : memref<16x1024xf32, #tpu.memory_space<vmem>>) target(%dma_start3A_215 : memref<16x1024xf32, #tpu.memory_space<hbm>>) target_semaphore(%arg15 : memref<!tpu.dma_semaphore, #tpu.memory_space<semaphore_mem>>)
    %add3A_216 = arith.constant 48 : i32
    %add3A_217 = arith.addi %mul3A_2, %add3A_216 : i32
    %dma_wait3A_218 = arith.constant 0 : i32
    %dma_wait3A_219 = arith.constant 0 : i32
    %dma_wait3A_220 = tpu.memref_slice %arg5[%dma_wait3A_218, %add3A_217, %dma_wait3A_219] : memref<4x2048x1024xf32, #tpu.memory_space<hbm>> -> memref<1x16x1024xf32, #tpu.memory_space<hbm>>
    %dma_wait3A_221 = tpu.memref_squeeze %dma_wait3A_220 : memref<1x16x1024xf32, #tpu.memory_space<hbm>> -> memref<16x1024xf32, #tpu.memory_space<hbm>>
    %dma_wait3A_222 = arith.constant 0 : i32
    %dma_wait3A_223 = tpu.memref_slice %arg5[%dma_wait3A_218, %add3A_217, %dma_wait3A_222] : memref<4x2048x1024xf32, #tpu.memory_space<hbm>> -> memref<1x16x1024xf32, #tpu.memory_space<hbm>>
    %dma_wait3A_224 = tpu.memref_squeeze %dma_wait3A_223 : memref<1x16x1024xf32, #tpu.memory_space<hbm>> -> memref<16x1024xf32, #tpu.memory_space<hbm>>
    tpu.wait_dma2 semaphore(%arg14 : memref<!tpu.dma_semaphore, #tpu.memory_space<semaphore_mem>>) src(%arg8 : memref<16x1024xf32, #tpu.memory_space<vmem>>) dst(%dma_wait3A_224 : memref<16x1024xf32, #tpu.memory_space<hbm>>)
    %add3A_225 = arith.constant 32 : i32
    %add3A_226 = arith.addi %mul3A_2, %add3A_225 : i32
    %dma_start3A_227 = arith.constant 1 : i32
    %dma_start3A_228 = arith.constant 0 : i32
    %dma_start3A_229 = tpu.memref_slice %arg2[%dma_start3A_227, %add3A_226, %dma_start3A_228] : memref<4x2048x1024xf32, #tpu.memory_space<hbm>> -> memref<1x16x1024xf32, #tpu.memory_space<hbm>>
    %dma_start3A_230 = tpu.memref_squeeze %dma_start3A_229 : memref<1x16x1024xf32, #tpu.memory_space<hbm>> -> memref<16x1024xf32, #tpu.memory_space<hbm>>
    %dma_start3A_231 = arith.constant 0 : i32
    %dma_start3A_232 = tpu.memref_slice %arg2[%dma_start3A_227, %add3A_226, %dma_start3A_231] : memref<4x2048x1024xf32, #tpu.memory_space<hbm>> -> memref<1x16x1024xf32, #tpu.memory_space<hbm>>
    %dma_start3A_233 = tpu.memref_squeeze %dma_start3A_232 : memref<1x16x1024xf32, #tpu.memory_space<hbm>> -> memref<16x1024xf32, #tpu.memory_space<hbm>>
    tpu.enqueue_dma source(%dma_start3A_233 : memref<16x1024xf32, #tpu.memory_space<hbm>>) target(%arg8 : memref<16x1024xf32, #tpu.memory_space<vmem>>) target_semaphore(%arg11 : memref<!tpu.dma_semaphore, #tpu.memory_space<semaphore_mem>>)
    %add3A_234 = arith.constant 16 : i32
    %add3A_235 = arith.addi %mul3A_2, %add3A_234 : i32
    %dma_wait3A_236 = arith.constant 1 : i32
    %dma_wait3A_237 = arith.constant 0 : i32
    %dma_wait3A_238 = tpu.memref_slice %arg2[%dma_wait3A_236, %add3A_235, %dma_wait3A_237] : memref<4x2048x1024xf32, #tpu.memory_space<hbm>> -> memref<1x16x1024xf32, #tpu.memory_space<hbm>>
    %dma_wait3A_239 = tpu.memref_squeeze %dma_wait3A_238 : memref<1x16x1024xf32, #tpu.memory_space<hbm>> -> memref<16x1024xf32, #tpu.memory_space<hbm>>
    %dma_wait3A_240 = arith.constant 0 : i32
    %dma_wait3A_241 = tpu.memref_slice %arg2[%dma_wait3A_236, %add3A_235, %dma_wait3A_240] : memref<4x2048x1024xf32, #tpu.memory_space<hbm>> -> memref<1x16x1024xf32, #tpu.memory_space<hbm>>
    %dma_wait3A_242 = tpu.memref_squeeze %dma_wait3A_241 : memref<1x16x1024xf32, #tpu.memory_space<hbm>> -> memref<16x1024xf32, #tpu.memory_space<hbm>>
    tpu.wait_dma2 semaphore(%arg13 : memref<!tpu.dma_semaphore, #tpu.memory_space<semaphore_mem>>) src(%dma_wait3A_242 : memref<16x1024xf32, #tpu.memory_space<hbm>>) dst(%arg10 : memref<16x1024xf32, #tpu.memory_space<vmem>>)
    %add3A_243 = arith.constant 16 : i32
    %add3A_244 = arith.addi %mul3A_2, %add3A_243 : i32
    %scan3A_245 = arith.constant 0 : i32
    %scan3A_246 = arith.constant 0 : i32
    %scan3A_247 = arith.constant 32 : i32
    %scan3A_248 = arith.addi %scan3A_246, %scan3A_247 : i32
    %scan3A_249 = arith.constant 1 : i32
    %scan3A_250 = scf.for %scan3A_720 = %scan3A_246 to %scan3A_248 step %scan3A_249 iter_args(%scan3A_721 = %scan3A_245) -> (i32)  : i32 {
      %mul3A_722 = arith.constant 32 : i32
      %mul3A_723 = arith.muli %scan3A_720, %mul3A_722 : i32
      %get3A = arith.constant 0 : i32
      %get3A_724 = arith.index_cast %get3A : i32 to index
      %get3A_725 = arith.index_cast %mul3A_723 : i32 to index
      %get3A_726 = tpu.vector_load %arg7[%get3A_724, %get3A_725] {strides = array<i32>} : memref<3x1024xf32, #tpu.memory_space<vmem>>, vector<16xf32>,
      %mul3A_727 = arith.constant 32 : i32
      %mul3A_728 = arith.muli %scan3A_720, %mul3A_727 : i32
      %add3A_729 = arith.constant 16 : i32
      %add3A_730 = arith.addi %mul3A_728, %add3A_729 : i32
      %get3A_731 = arith.constant 0 : i32
      %get3A_732 = arith.index_cast %get3A_731 : i32 to index
      %get3A_733 = arith.index_cast %add3A_730 : i32 to index
      %get3A_734 = tpu.vector_load %arg7[%get3A_732, %get3A_733] {strides = array<i32>} : memref<3x1024xf32, #tpu.memory_space<vmem>>, vector<16xf32>,
      %parallel_loop3A = arith.constant 0 : i32
      %parallel_loop3A_735 = arith.constant 16 : i32
      %parallel_loop3A_736 = arith.constant 1 : i32
      scf.for %parallel_loop3A_738 = %parallel_loop3A to %parallel_loop3A_735 step %parallel_loop3A_736  : i32 {
        %parallel_loop3A_739 = arith.constant 16 : i32
        %parallel_loop3A_740 = arith.addi %parallel_loop3A_739, %parallel_loop3A_738 : i32
        %parallel_loop3A_741 = arith.constant 16 : i32
        %parallel_loop3A_742 = arith.muli %scan3A_720, %parallel_loop3A_741 : i32
        %parallel_loop3A_743 = arith.index_cast %parallel_loop3A_740 : i32 to index
        %parallel_loop3A_744 = arith.index_cast %parallel_loop3A_742 : i32 to index
        %parallel_loop3A_745 = tpu.vector_load %arg6[%parallel_loop3A_743, %parallel_loop3A_744] {strides = array<i32>} : memref<64x512xi32, #tpu.memory_space<vmem>>, vector<16xi32>,
        %parallel_loop3A_746 = vector.bitcast %parallel_loop3A_745 : vector<16xi32> to vector<32xbf16>
        %parallel_loop3A_747 = tpu.unpack_subelements %parallel_loop3A_746, 0 {pack_format = #tpu.pack_format<interleaved>} : vector<32xbf16> -> vector<16xf32>
        %parallel_loop3A_748 = tpu.unpack_subelements %parallel_loop3A_746, 1 {pack_format = #tpu.pack_format<interleaved>} : vector<32xbf16> -> vector<16xf32>
        %parallel_loop3A_749 = arith.constant 32 : i32
        %parallel_loop3A_750 = arith.muli %scan3A_720, %parallel_loop3A_749 : i32
        %parallel_loop3A_751 = arith.addf %parallel_loop3A_747, %get3A_726 : vector<16xf32>
        %parallel_loop3A_752 = arith.index_cast %parallel_loop3A_738 : i32 to index
        %parallel_loop3A_753 = arith.index_cast %parallel_loop3A_750 : i32 to index
        %parallel_loop3A_754 = tpu.vector_load %arg10[%parallel_loop3A_752, %parallel_loop3A_753] {strides = array<i32>} : memref<16x1024xf32, #tpu.memory_space<vmem>>, vector<16xf32>,
        tpu.vector_store %arg10[%parallel_loop3A_752, %parallel_loop3A_753], %parallel_loop3A_751 {add = true, strides = array<i32>} : memref<16x1024xf32, #tpu.memory_space<vmem>>, vector<16xf32>,
        %parallel_loop3A_755 = arith.constant 32 : i32
        %parallel_loop3A_756 = arith.muli %scan3A_720, %parallel_loop3A_755 : i32
        %parallel_loop3A_757 = arith.constant 16 : i32
        %parallel_loop3A_758 = arith.addi %parallel_loop3A_756, %parallel_loop3A_757 : i32
        %parallel_loop3A_759 = arith.addf %parallel_loop3A_748, %get3A_734 : vector<16xf32>
        %parallel_loop3A_760 = arith.index_cast %parallel_loop3A_738 : i32 to index
        %parallel_loop3A_761 = arith.index_cast %parallel_loop3A_758 : i32 to index
        %parallel_loop3A_762 = tpu.vector_load %arg10[%parallel_loop3A_760, %parallel_loop3A_761] {strides = array<i32>} : memref<16x1024xf32, #tpu.memory_space<vmem>>, vector<16xf32>,
        tpu.vector_store %arg10[%parallel_loop3A_760, %parallel_loop3A_761], %parallel_loop3A_759 {add = true, strides = array<i32>} : memref<16x1024xf32, #tpu.memory_space<vmem>>, vector<16xf32>,
      } {sc.loop_unroll_factor = 4 : i64, sc.parallel_access}
      %scan3A_737 = arith.constant 0 : i32
      scf.yield %scan3A_737 : i32
    }
    %scan3A_251 = arith.constant 32 : i32
    %add3A_252 = arith.constant 16 : i32
    %add3A_253 = arith.addi %mul3A_2, %add3A_252 : i32
    %dma_start3A_254 = arith.constant 1 : i32
    %dma_start3A_255 = arith.constant 0 : i32
    %dma_start3A_256 = tpu.memref_slice %arg5[%dma_start3A_254, %add3A_253, %dma_start3A_255] : memref<4x2048x1024xf32, #tpu.memory_space<hbm>> -> memref<1x16x1024xf32, #tpu.memory_space<hbm>>
    %dma_start3A_257 = tpu.memref_squeeze %dma_start3A_256 : memref<1x16x1024xf32, #tpu.memory_space<hbm>> -> memref<16x1024xf32, #tpu.memory_space<hbm>>
    %dma_start3A_258 = arith.constant 0 : i32
    %dma_start3A_259 = tpu.memref_slice %arg5[%dma_start3A_254, %add3A_253, %dma_start3A_258] : memref<4x2048x1024xf32, #tpu.memory_space<hbm>> -> memref<1x16x1024xf32, #tpu.memory_space<hbm>>
    %dma_start3A_260 = tpu.memref_squeeze %dma_start3A_259 : memref<1x16x1024xf32, #tpu.memory_space<hbm>> -> memref<16x1024xf32, #tpu.memory_space<hbm>>
    tpu.enqueue_dma source(%arg10 : memref<16x1024xf32, #tpu.memory_space<vmem>>) target(%dma_start3A_260 : memref<16x1024xf32, #tpu.memory_space<hbm>>) target_semaphore(%arg16 : memref<!tpu.dma_semaphore, #tpu.memory_space<semaphore_mem>>)
    %add3A_261 = arith.constant 0 : i32
    %add3A_262 = arith.addi %mul3A_2, %add3A_261 : i32
    %dma_wait3A_263 = arith.constant 1 : i32
    %dma_wait3A_264 = arith.constant 0 : i32
    %dma_wait3A_265 = tpu.memref_slice %arg5[%dma_wait3A_263, %add3A_262, %dma_wait3A_264] : memref<4x2048x1024xf32, #tpu.memory_space<hbm>> -> memref<1x16x1024xf32, #tpu.memory_space<hbm>>
    %dma_wait3A_266 = tpu.memref_squeeze %dma_wait3A_265 : memref<1x16x1024xf32, #tpu.memory_space<hbm>> -> memref<16x1024xf32, #tpu.memory_space<hbm>>
    %dma_wait3A_267 = arith.constant 0 : i32
    %dma_wait3A_268 = tpu.memref_slice %arg5[%dma_wait3A_263, %add3A_262, %dma_wait3A_267] : memref<4x2048x1024xf32, #tpu.memory_space<hbm>> -> memref<1x16x1024xf32, #tpu.memory_space<hbm>>
    %dma_wait3A_269 = tpu.memref_squeeze %dma_wait3A_268 : memref<1x16x1024xf32, #tpu.memory_space<hbm>> -> memref<16x1024xf32, #tpu.memory_space<hbm>>
    tpu.wait_dma2 semaphore(%arg15 : memref<!tpu.dma_semaphore, #tpu.memory_space<semaphore_mem>>) src(%arg9 : memref<16x1024xf32, #tpu.memory_space<vmem>>) dst(%dma_wait3A_269 : memref<16x1024xf32, #tpu.memory_space<hbm>>)
    %add3A_270 = arith.constant 48 : i32
    %add3A_271 = arith.addi %mul3A_2, %add3A_270 : i32
    %dma_start3A_272 = arith.constant 1 : i32
    %dma_start3A_273 = arith.constant 0 : i32
    %dma_start3A_274 = tpu.memref_slice %arg2[%dma_start3A_272, %add3A_271, %dma_start3A_273] : memref<4x2048x1024xf32, #tpu.memory_space<hbm>> -> memref<1x16x1024xf32, #tpu.memory_space<hbm>>
    %dma_start3A_275 = tpu.memref_squeeze %dma_start3A_274 : memref<1x16x1024xf32, #tpu.memory_space<hbm>> -> memref<16x1024xf32, #tpu.memory_space<hbm>>
    %dma_start3A_276 = arith.constant 0 : i32
    %dma_start3A_277 = tpu.memref_slice %arg2[%dma_start3A_272, %add3A_271, %dma_start3A_276] : memref<4x2048x1024xf32, #tpu.memory_space<hbm>> -> memref<1x16x1024xf32, #tpu.memory_space<hbm>>
    %dma_start3A_278 = tpu.memref_squeeze %dma_start3A_277 : memref<1x16x1024xf32, #tpu.memory_space<hbm>> -> memref<16x1024xf32, #tpu.memory_space<hbm>>
    tpu.enqueue_dma source(%dma_start3A_278 : memref<16x1024xf32, #tpu.memory_space<hbm>>) target(%arg9 : memref<16x1024xf32, #tpu.memory_space<vmem>>) target_semaphore(%arg12 : memref<!tpu.dma_semaphore, #tpu.memory_space<semaphore_mem>>)
    %add3A_279 = arith.constant 32 : i32
    %add3A_280 = arith.addi %mul3A_2, %add3A_279 : i32
    %dma_wait3A_281 = arith.constant 1 : i32
    %dma_wait3A_282 = arith.constant 0 : i32
    %dma_wait3A_283 = tpu.memref_slice %arg2[%dma_wait3A_281, %add3A_280, %dma_wait3A_282] : memref<4x2048x1024xf32, #tpu.memory_space<hbm>> -> memref<1x16x1024xf32, #tpu.memory_space<hbm>>
    %dma_wait3A_284 = tpu.memref_squeeze %dma_wait3A_283 : memref<1x16x1024xf32, #tpu.memory_space<hbm>> -> memref<16x1024xf32, #tpu.memory_space<hbm>>
    %dma_wait3A_285 = arith.constant 0 : i32
    %dma_wait3A_286 = tpu.memref_slice %arg2[%dma_wait3A_281, %add3A_280, %dma_wait3A_285] : memref<4x2048x1024xf32, #tpu.memory_space<hbm>> -> memref<1x16x1024xf32, #tpu.memory_space<hbm>>
    %dma_wait3A_287 = tpu.memref_squeeze %dma_wait3A_286 : memref<1x16x1024xf32, #tpu.memory_space<hbm>> -> memref<16x1024xf32, #tpu.memory_space<hbm>>
    tpu.wait_dma2 semaphore(%arg11 : memref<!tpu.dma_semaphore, #tpu.memory_space<semaphore_mem>>) src(%dma_wait3A_287 : memref<16x1024xf32, #tpu.memory_space<hbm>>) dst(%arg8 : memref<16x1024xf32, #tpu.memory_space<vmem>>)
    %add3A_288 = arith.constant 32 : i32
    %add3A_289 = arith.addi %mul3A_2, %add3A_288 : i32
    %scan3A_290 = arith.constant 0 : i32
    %scan3A_291 = arith.constant 0 : i32
    %scan3A_292 = arith.constant 32 : i32
    %scan3A_293 = arith.addi %scan3A_291, %scan3A_292 : i32
    %scan3A_294 = arith.constant 1 : i32
    %scan3A_295 = scf.for %scan3A_720 = %scan3A_291 to %scan3A_293 step %scan3A_294 iter_args(%scan3A_721 = %scan3A_290) -> (i32)  : i32 {
      %mul3A_722 = arith.constant 32 : i32
      %mul3A_723 = arith.muli %scan3A_720, %mul3A_722 : i32
      %get3A = arith.constant 0 : i32
      %get3A_724 = arith.index_cast %get3A : i32 to index
      %get3A_725 = arith.index_cast %mul3A_723 : i32 to index
      %get3A_726 = tpu.vector_load %arg7[%get3A_724, %get3A_725] {strides = array<i32>} : memref<3x1024xf32, #tpu.memory_space<vmem>>, vector<16xf32>,
      %mul3A_727 = arith.constant 32 : i32
      %mul3A_728 = arith.muli %scan3A_720, %mul3A_727 : i32
      %add3A_729 = arith.constant 16 : i32
      %add3A_730 = arith.addi %mul3A_728, %add3A_729 : i32
      %get3A_731 = arith.constant 0 : i32
      %get3A_732 = arith.index_cast %get3A_731 : i32 to index
      %get3A_733 = arith.index_cast %add3A_730 : i32 to index
      %get3A_734 = tpu.vector_load %arg7[%get3A_732, %get3A_733] {strides = array<i32>} : memref<3x1024xf32, #tpu.memory_space<vmem>>, vector<16xf32>,
      %parallel_loop3A = arith.constant 0 : i32
      %parallel_loop3A_735 = arith.constant 16 : i32
      %parallel_loop3A_736 = arith.constant 1 : i32
      scf.for %parallel_loop3A_738 = %parallel_loop3A to %parallel_loop3A_735 step %parallel_loop3A_736  : i32 {
        %parallel_loop3A_739 = arith.constant 32 : i32
        %parallel_loop3A_740 = arith.addi %parallel_loop3A_739, %parallel_loop3A_738 : i32
        %parallel_loop3A_741 = arith.constant 16 : i32
        %parallel_loop3A_742 = arith.muli %scan3A_720, %parallel_loop3A_741 : i32
        %parallel_loop3A_743 = arith.index_cast %parallel_loop3A_740 : i32 to index
        %parallel_loop3A_744 = arith.index_cast %parallel_loop3A_742 : i32 to index
        %parallel_loop3A_745 = tpu.vector_load %arg6[%parallel_loop3A_743, %parallel_loop3A_744] {strides = array<i32>} : memref<64x512xi32, #tpu.memory_space<vmem>>, vector<16xi32>,
        %parallel_loop3A_746 = vector.bitcast %parallel_loop3A_745 : vector<16xi32> to vector<32xbf16>
        %parallel_loop3A_747 = tpu.unpack_subelements %parallel_loop3A_746, 0 {pack_format = #tpu.pack_format<interleaved>} : vector<32xbf16> -> vector<16xf32>
        %parallel_loop3A_748 = tpu.unpack_subelements %parallel_loop3A_746, 1 {pack_format = #tpu.pack_format<interleaved>} : vector<32xbf16> -> vector<16xf32>
        %parallel_loop3A_749 = arith.constant 32 : i32
        %parallel_loop3A_750 = arith.muli %scan3A_720, %parallel_loop3A_749 : i32
        %parallel_loop3A_751 = arith.addf %parallel_loop3A_747, %get3A_726 : vector<16xf32>
        %parallel_loop3A_752 = arith.index_cast %parallel_loop3A_738 : i32 to index
        %parallel_loop3A_753 = arith.index_cast %parallel_loop3A_750 : i32 to index
        %parallel_loop3A_754 = tpu.vector_load %arg8[%parallel_loop3A_752, %parallel_loop3A_753] {strides = array<i32>} : memref<16x1024xf32, #tpu.memory_space<vmem>>, vector<16xf32>,
        tpu.vector_store %arg8[%parallel_loop3A_752, %parallel_loop3A_753], %parallel_loop3A_751 {add = true, strides = array<i32>} : memref<16x1024xf32, #tpu.memory_space<vmem>>, vector<16xf32>,
        %parallel_loop3A_755 = arith.constant 32 : i32
        %parallel_loop3A_756 = arith.muli %scan3A_720, %parallel_loop3A_755 : i32
        %parallel_loop3A_757 = arith.constant 16 : i32
        %parallel_loop3A_758 = arith.addi %parallel_loop3A_756, %parallel_loop3A_757 : i32
        %parallel_loop3A_759 = arith.addf %parallel_loop3A_748, %get3A_734 : vector<16xf32>
        %parallel_loop3A_760 = arith.index_cast %parallel_loop3A_738 : i32 to index
        %parallel_loop3A_761 = arith.index_cast %parallel_loop3A_758 : i32 to index
        %parallel_loop3A_762 = tpu.vector_load %arg8[%parallel_loop3A_760, %parallel_loop3A_761] {strides = array<i32>} : memref<16x1024xf32, #tpu.memory_space<vmem>>, vector<16xf32>,
        tpu.vector_store %arg8[%parallel_loop3A_760, %parallel_loop3A_761], %parallel_loop3A_759 {add = true, strides = array<i32>} : memref<16x1024xf32, #tpu.memory_space<vmem>>, vector<16xf32>,
      } {sc.loop_unroll_factor = 4 : i64, sc.parallel_access}
      %scan3A_737 = arith.constant 0 : i32
      scf.yield %scan3A_737 : i32
    }
    %scan3A_296 = arith.constant 32 : i32
    %add3A_297 = arith.constant 32 : i32
    %add3A_298 = arith.addi %mul3A_2, %add3A_297 : i32
    %dma_start3A_299 = arith.constant 1 : i32
    %dma_start3A_300 = arith.constant 0 : i32
    %dma_start3A_301 = tpu.memref_slice %arg5[%dma_start3A_299, %add3A_298, %dma_start3A_300] : memref<4x2048x1024xf32, #tpu.memory_space<hbm>> -> memref<1x16x1024xf32, #tpu.memory_space<hbm>>
    %dma_start3A_302 = tpu.memref_squeeze %dma_start3A_301 : memref<1x16x1024xf32, #tpu.memory_space<hbm>> -> memref<16x1024xf32, #tpu.memory_space<hbm>>
    %dma_start3A_303 = arith.constant 0 : i32
    %dma_start3A_304 = tpu.memref_slice %arg5[%dma_start3A_299, %add3A_298, %dma_start3A_303] : memref<4x2048x1024xf32, #tpu.memory_space<hbm>> -> memref<1x16x1024xf32, #tpu.memory_space<hbm>>
    %dma_start3A_305 = tpu.memref_squeeze %dma_start3A_304 : memref<1x16x1024xf32, #tpu.memory_space<hbm>> -> memref<16x1024xf32, #tpu.memory_space<hbm>>
    tpu.enqueue_dma source(%arg8 : memref<16x1024xf32, #tpu.memory_space<vmem>>) target(%dma_start3A_305 : memref<16x1024xf32, #tpu.memory_space<hbm>>) target_semaphore(%arg14 : memref<!tpu.dma_semaphore, #tpu.memory_space<semaphore_mem>>)
    %add3A_306 = arith.constant 16 : i32
    %add3A_307 = arith.addi %mul3A_2, %add3A_306 : i32
    %dma_wait3A_308 = arith.constant 1 : i32
    %dma_wait3A_309 = arith.constant 0 : i32
    %dma_wait3A_310 = tpu.memref_slice %arg5[%dma_wait3A_308, %add3A_307, %dma_wait3A_309] : memref<4x2048x1024xf32, #tpu.memory_space<hbm>> -> memref<1x16x1024xf32, #tpu.memory_space<hbm>>
    %dma_wait3A_311 = tpu.memref_squeeze %dma_wait3A_310 : memref<1x16x1024xf32, #tpu.memory_space<hbm>> -> memref<16x1024xf32, #tpu.memory_space<hbm>>
    %dma_wait3A_312 = arith.constant 0 : i32
    %dma_wait3A_313 = tpu.memref_slice %arg5[%dma_wait3A_308, %add3A_307, %dma_wait3A_312] : memref<4x2048x1024xf32, #tpu.memory_space<hbm>> -> memref<1x16x1024xf32, #tpu.memory_space<hbm>>
    %dma_wait3A_314 = tpu.memref_squeeze %dma_wait3A_313 : memref<1x16x1024xf32, #tpu.memory_space<hbm>> -> memref<16x1024xf32, #tpu.memory_space<hbm>>
    tpu.wait_dma2 semaphore(%arg16 : memref<!tpu.dma_semaphore, #tpu.memory_space<semaphore_mem>>) src(%arg10 : memref<16x1024xf32, #tpu.memory_space<vmem>>) dst(%dma_wait3A_314 : memref<16x1024xf32, #tpu.memory_space<hbm>>)
    %add3A_315 = arith.constant 0 : i32
    %add3A_316 = arith.addi %mul3A_2, %add3A_315 : i32
    %dma_start3A_317 = arith.constant 2 : i32
    %dma_start3A_318 = arith.constant 0 : i32
    %dma_start3A_319 = tpu.memref_slice %arg2[%dma_start3A_317, %add3A_316, %dma_start3A_318] : memref<4x2048x1024xf32, #tpu.memory_space<hbm>> -> memref<1x16x1024xf32, #tpu.memory_space<hbm>>
    %dma_start3A_320 = tpu.memref_squeeze %dma_start3A_319 : memref<1x16x1024xf32, #tpu.memory_space<hbm>> -> memref<16x1024xf32, #tpu.memory_space<hbm>>
    %dma_start3A_321 = arith.constant 0 : i32
    %dma_start3A_322 = tpu.memref_slice %arg2[%dma_start3A_317, %add3A_316, %dma_start3A_321] : memref<4x2048x1024xf32, #tpu.memory_space<hbm>> -> memref<1x16x1024xf32, #tpu.memory_space<hbm>>
    %dma_start3A_323 = tpu.memref_squeeze %dma_start3A_322 : memref<1x16x1024xf32, #tpu.memory_space<hbm>> -> memref<16x1024xf32, #tpu.memory_space<hbm>>
    tpu.enqueue_dma source(%dma_start3A_323 : memref<16x1024xf32, #tpu.memory_space<hbm>>) target(%arg10 : memref<16x1024xf32, #tpu.memory_space<vmem>>) target_semaphore(%arg13 : memref<!tpu.dma_semaphore, #tpu.memory_space<semaphore_mem>>)
    %add3A_324 = arith.constant 48 : i32
    %add3A_325 = arith.addi %mul3A_2, %add3A_324 : i32
    %dma_wait3A_326 = arith.constant 1 : i32
    %dma_wait3A_327 = arith.constant 0 : i32
    %dma_wait3A_328 = tpu.memref_slice %arg2[%dma_wait3A_326, %add3A_325, %dma_wait3A_327] : memref<4x2048x1024xf32, #tpu.memory_space<hbm>> -> memref<1x16x1024xf32, #tpu.memory_space<hbm>>
    %dma_wait3A_329 = tpu.memref_squeeze %dma_wait3A_328 : memref<1x16x1024xf32, #tpu.memory_space<hbm>> -> memref<16x1024xf32, #tpu.memory_space<hbm>>
    %dma_wait3A_330 = arith.constant 0 : i32
    %dma_wait3A_331 = tpu.memref_slice %arg2[%dma_wait3A_326, %add3A_325, %dma_wait3A_330] : memref<4x2048x1024xf32, #tpu.memory_space<hbm>> -> memref<1x16x1024xf32, #tpu.memory_space<hbm>>
    %dma_wait3A_332 = tpu.memref_squeeze %dma_wait3A_331 : memref<1x16x1024xf32, #tpu.memory_space<hbm>> -> memref<16x1024xf32, #tpu.memory_space<hbm>>
    tpu.wait_dma2 semaphore(%arg12 : memref<!tpu.dma_semaphore, #tpu.memory_space<semaphore_mem>>) src(%dma_wait3A_332 : memref<16x1024xf32, #tpu.memory_space<hbm>>) dst(%arg9 : memref<16x1024xf32, #tpu.memory_space<vmem>>)
    %add3A_333 = arith.constant 48 : i32
    %add3A_334 = arith.addi %mul3A_2, %add3A_333 : i32
    %scan3A_335 = arith.constant 0 : i32
    %scan3A_336 = arith.constant 0 : i32
    %scan3A_337 = arith.constant 32 : i32
    %scan3A_338 = arith.addi %scan3A_336, %scan3A_337 : i32
    %scan3A_339 = arith.constant 1 : i32
    %scan3A_340 = scf.for %scan3A_720 = %scan3A_336 to %scan3A_338 step %scan3A_339 iter_args(%scan3A_721 = %scan3A_335) -> (i32)  : i32 {
      %mul3A_722 = arith.constant 32 : i32
      %mul3A_723 = arith.muli %scan3A_720, %mul3A_722 : i32
      %get3A = arith.constant 0 : i32
      %get3A_724 = arith.index_cast %get3A : i32 to index
      %get3A_725 = arith.index_cast %mul3A_723 : i32 to index
      %get3A_726 = tpu.vector_load %arg7[%get3A_724, %get3A_725] {strides = array<i32>} : memref<3x1024xf32, #tpu.memory_space<vmem>>, vector<16xf32>,
      %mul3A_727 = arith.constant 32 : i32
      %mul3A_728 = arith.muli %scan3A_720, %mul3A_727 : i32
      %add3A_729 = arith.constant 16 : i32
      %add3A_730 = arith.addi %mul3A_728, %add3A_729 : i32
      %get3A_731 = arith.constant 0 : i32
      %get3A_732 = arith.index_cast %get3A_731 : i32 to index
      %get3A_733 = arith.index_cast %add3A_730 : i32 to index
      %get3A_734 = tpu.vector_load %arg7[%get3A_732, %get3A_733] {strides = array<i32>} : memref<3x1024xf32, #tpu.memory_space<vmem>>, vector<16xf32>,
      %parallel_loop3A = arith.constant 0 : i32
      %parallel_loop3A_735 = arith.constant 16 : i32
      %parallel_loop3A_736 = arith.constant 1 : i32
      scf.for %parallel_loop3A_738 = %parallel_loop3A to %parallel_loop3A_735 step %parallel_loop3A_736  : i32 {
        %parallel_loop3A_739 = arith.constant 48 : i32
        %parallel_loop3A_740 = arith.addi %parallel_loop3A_739, %parallel_loop3A_738 : i32
        %parallel_loop3A_741 = arith.constant 16 : i32
        %parallel_loop3A_742 = arith.muli %scan3A_720, %parallel_loop3A_741 : i32
        %parallel_loop3A_743 = arith.index_cast %parallel_loop3A_740 : i32 to index
        %parallel_loop3A_744 = arith.index_cast %parallel_loop3A_742 : i32 to index
        %parallel_loop3A_745 = tpu.vector_load %arg6[%parallel_loop3A_743, %parallel_loop3A_744] {strides = array<i32>} : memref<64x512xi32, #tpu.memory_space<vmem>>, vector<16xi32>,
        %parallel_loop3A_746 = vector.bitcast %parallel_loop3A_745 : vector<16xi32> to vector<32xbf16>
        %parallel_loop3A_747 = tpu.unpack_subelements %parallel_loop3A_746, 0 {pack_format = #tpu.pack_format<interleaved>} : vector<32xbf16> -> vector<16xf32>
        %parallel_loop3A_748 = tpu.unpack_subelements %parallel_loop3A_746, 1 {pack_format = #tpu.pack_format<interleaved>} : vector<32xbf16> -> vector<16xf32>
        %parallel_loop3A_749 = arith.constant 32 : i32
        %parallel_loop3A_750 = arith.muli %scan3A_720, %parallel_loop3A_749 : i32
        %parallel_loop3A_751 = arith.addf %parallel_loop3A_747, %get3A_726 : vector<16xf32>
        %parallel_loop3A_752 = arith.index_cast %parallel_loop3A_738 : i32 to index
        %parallel_loop3A_753 = arith.index_cast %parallel_loop3A_750 : i32 to index
        %parallel_loop3A_754 = tpu.vector_load %arg9[%parallel_loop3A_752, %parallel_loop3A_753] {strides = array<i32>} : memref<16x1024xf32, #tpu.memory_space<vmem>>, vector<16xf32>,
        tpu.vector_store %arg9[%parallel_loop3A_752, %parallel_loop3A_753], %parallel_loop3A_751 {add = true, strides = array<i32>} : memref<16x1024xf32, #tpu.memory_space<vmem>>, vector<16xf32>,
        %parallel_loop3A_755 = arith.constant 32 : i32
        %parallel_loop3A_756 = arith.muli %scan3A_720, %parallel_loop3A_755 : i32
        %parallel_loop3A_757 = arith.constant 16 : i32
        %parallel_loop3A_758 = arith.addi %parallel_loop3A_756, %parallel_loop3A_757 : i32
        %parallel_loop3A_759 = arith.addf %parallel_loop3A_748, %get3A_734 : vector<16xf32>
        %parallel_loop3A_760 = arith.index_cast %parallel_loop3A_738 : i32 to index
        %parallel_loop3A_761 = arith.index_cast %parallel_loop3A_758 : i32 to index
        %parallel_loop3A_762 = tpu.vector_load %arg9[%parallel_loop3A_760, %parallel_loop3A_761] {strides = array<i32>} : memref<16x1024xf32, #tpu.memory_space<vmem>>, vector<16xf32>,
        tpu.vector_store %arg9[%parallel_loop3A_760, %parallel_loop3A_761], %parallel_loop3A_759 {add = true, strides = array<i32>} : memref<16x1024xf32, #tpu.memory_space<vmem>>, vector<16xf32>,
      } {sc.loop_unroll_factor = 4 : i64, sc.parallel_access}
      %scan3A_737 = arith.constant 0 : i32
      scf.yield %scan3A_737 : i32
    }
    %scan3A_341 = arith.constant 32 : i32
    %add3A_342 = arith.constant 48 : i32
    %add3A_343 = arith.addi %mul3A_2, %add3A_342 : i32
    %dma_start3A_344 = arith.constant 1 : i32
    %dma_start3A_345 = arith.constant 0 : i32
    %dma_start3A_346 = tpu.memref_slice %arg5[%dma_start3A_344, %add3A_343, %dma_start3A_345] : memref<4x2048x1024xf32, #tpu.memory_space<hbm>> -> memref<1x16x1024xf32, #tpu.memory_space<hbm>>
    %dma_start3A_347 = tpu.memref_squeeze %dma_start3A_346 : memref<1x16x1024xf32, #tpu.memory_space<hbm>> -> memref<16x1024xf32, #tpu.memory_space<hbm>>
    %dma_start3A_348 = arith.constant 0 : i32
    %dma_start3A_349 = tpu.memref_slice %arg5[%dma_start3A_344, %add3A_343, %dma_start3A_348] : memref<4x2048x1024xf32, #tpu.memory_space<hbm>> -> memref<1x16x1024xf32, #tpu.memory_space<hbm>>
    %dma_start3A_350 = tpu.memref_squeeze %dma_start3A_349 : memref<1x16x1024xf32, #tpu.memory_space<hbm>> -> memref<16x1024xf32, #tpu.memory_space<hbm>>
    tpu.enqueue_dma source(%arg9 : memref<16x1024xf32, #tpu.memory_space<vmem>>) target(%dma_start3A_350 : memref<16x1024xf32, #tpu.memory_space<hbm>>) target_semaphore(%arg15 : memref<!tpu.dma_semaphore, #tpu.memory_space<semaphore_mem>>)
    %add3A_351 = arith.constant 32 : i32
    %add3A_352 = arith.addi %mul3A_2, %add3A_351 : i32
    %dma_wait3A_353 = arith.constant 1 : i32
    %dma_wait3A_354 = arith.constant 0 : i32
    %dma_wait3A_355 = tpu.memref_slice %arg5[%dma_wait3A_353, %add3A_352, %dma_wait3A_354] : memref<4x2048x1024xf32, #tpu.memory_space<hbm>> -> memref<1x16x1024xf32, #tpu.memory_space<hbm>>
    %dma_wait3A_356 = tpu.memref_squeeze %dma_wait3A_355 : memref<1x16x1024xf32, #tpu.memory_space<hbm>> -> memref<16x1024xf32, #tpu.memory_space<hbm>>
    %dma_wait3A_357 = arith.constant 0 : i32
    %dma_wait3A_358 = tpu.memref_slice %arg5[%dma_wait3A_353, %add3A_352, %dma_wait3A_357] : memref<4x2048x1024xf32, #tpu.memory_space<hbm>> -> memref<1x16x1024xf32, #tpu.memory_space<hbm>>
    %dma_wait3A_359 = tpu.memref_squeeze %dma_wait3A_358 : memref<1x16x1024xf32, #tpu.memory_space<hbm>> -> memref<16x1024xf32, #tpu.memory_space<hbm>>
    tpu.wait_dma2 semaphore(%arg14 : memref<!tpu.dma_semaphore, #tpu.memory_space<semaphore_mem>>) src(%arg8 : memref<16x1024xf32, #tpu.memory_space<vmem>>) dst(%dma_wait3A_359 : memref<16x1024xf32, #tpu.memory_space<hbm>>)
    %add3A_360 = arith.constant 16 : i32
    %add3A_361 = arith.addi %mul3A_2, %add3A_360 : i32
    %dma_start3A_362 = arith.constant 2 : i32
    %dma_start3A_363 = arith.constant 0 : i32
    %dma_start3A_364 = tpu.memref_slice %arg2[%dma_start3A_362, %add3A_361, %dma_start3A_363] : memref<4x2048x1024xf32, #tpu.memory_space<hbm>> -> memref<1x16x1024xf32, #tpu.memory_space<hbm>>
    %dma_start3A_365 = tpu.memref_squeeze %dma_start3A_364 : memref<1x16x1024xf32, #tpu.memory_space<hbm>> -> memref<16x1024xf32, #tpu.memory_space<hbm>>
    %dma_start3A_366 = arith.constant 0 : i32
    %dma_start3A_367 = tpu.memref_slice %arg2[%dma_start3A_362, %add3A_361, %dma_start3A_366] : memref<4x2048x1024xf32, #tpu.memory_space<hbm>> -> memref<1x16x1024xf32, #tpu.memory_space<hbm>>
    %dma_start3A_368 = tpu.memref_squeeze %dma_start3A_367 : memref<1x16x1024xf32, #tpu.memory_space<hbm>> -> memref<16x1024xf32, #tpu.memory_space<hbm>>
    tpu.enqueue_dma source(%dma_start3A_368 : memref<16x1024xf32, #tpu.memory_space<hbm>>) target(%arg8 : memref<16x1024xf32, #tpu.memory_space<vmem>>) target_semaphore(%arg11 : memref<!tpu.dma_semaphore, #tpu.memory_space<semaphore_mem>>)
    %add3A_369 = arith.constant 0 : i32
    %add3A_370 = arith.addi %mul3A_2, %add3A_369 : i32
    %dma_wait3A_371 = arith.constant 2 : i32
    %dma_wait3A_372 = arith.constant 0 : i32
    %dma_wait3A_373 = tpu.memref_slice %arg2[%dma_wait3A_371, %add3A_370, %dma_wait3A_372] : memref<4x2048x1024xf32, #tpu.memory_space<hbm>> -> memref<1x16x1024xf32, #tpu.memory_space<hbm>>
    %dma_wait3A_374 = tpu.memref_squeeze %dma_wait3A_373 : memref<1x16x1024xf32, #tpu.memory_space<hbm>> -> memref<16x1024xf32, #tpu.memory_space<hbm>>
    %dma_wait3A_375 = arith.constant 0 : i32
    %dma_wait3A_376 = tpu.memref_slice %arg2[%dma_wait3A_371, %add3A_370, %dma_wait3A_375] : memref<4x2048x1024xf32, #tpu.memory_space<hbm>> -> memref<1x16x1024xf32, #tpu.memory_space<hbm>>
    %dma_wait3A_377 = tpu.memref_squeeze %dma_wait3A_376 : memref<1x16x1024xf32, #tpu.memory_space<hbm>> -> memref<16x1024xf32, #tpu.memory_space<hbm>>
    tpu.wait_dma2 semaphore(%arg13 : memref<!tpu.dma_semaphore, #tpu.memory_space<semaphore_mem>>) src(%dma_wait3A_377 : memref<16x1024xf32, #tpu.memory_space<hbm>>) dst(%arg10 : memref<16x1024xf32, #tpu.memory_space<vmem>>)
    %add3A_378 = arith.constant 0 : i32
    %add3A_379 = arith.addi %mul3A_2, %add3A_378 : i32
    %scan3A_380 = arith.constant 0 : i32
    %scan3A_381 = arith.constant 0 : i32
    %scan3A_382 = arith.constant 32 : i32
    %scan3A_383 = arith.addi %scan3A_381, %scan3A_382 : i32
    %scan3A_384 = arith.constant 1 : i32
    %scan3A_385 = scf.for %scan3A_720 = %scan3A_381 to %scan3A_383 step %scan3A_384 iter_args(%scan3A_721 = %scan3A_380) -> (i32)  : i32 {
      %mul3A_722 = arith.constant 32 : i32
      %mul3A_723 = arith.muli %scan3A_720, %mul3A_722 : i32
      %get3A = arith.constant 0 : i32
      %get3A_724 = arith.index_cast %get3A : i32 to index
      %get3A_725 = arith.index_cast %mul3A_723 : i32 to index
      %get3A_726 = tpu.vector_load %arg7[%get3A_724, %get3A_725] {strides = array<i32>} : memref<3x1024xf32, #tpu.memory_space<vmem>>, vector<16xf32>,
      %mul3A_727 = arith.constant 32 : i32
      %mul3A_728 = arith.muli %scan3A_720, %mul3A_727 : i32
      %add3A_729 = arith.constant 16 : i32
      %add3A_730 = arith.addi %mul3A_728, %add3A_729 : i32
      %get3A_731 = arith.constant 0 : i32
      %get3A_732 = arith.index_cast %get3A_731 : i32 to index
      %get3A_733 = arith.index_cast %add3A_730 : i32 to index
      %get3A_734 = tpu.vector_load %arg7[%get3A_732, %get3A_733] {strides = array<i32>} : memref<3x1024xf32, #tpu.memory_space<vmem>>, vector<16xf32>,
      %parallel_loop3A = arith.constant 0 : i32
      %parallel_loop3A_735 = arith.constant 16 : i32
      %parallel_loop3A_736 = arith.constant 1 : i32
      scf.for %parallel_loop3A_738 = %parallel_loop3A to %parallel_loop3A_735 step %parallel_loop3A_736  : i32 {
        %parallel_loop3A_739 = arith.constant 0 : i32
        %parallel_loop3A_740 = arith.addi %parallel_loop3A_739, %parallel_loop3A_738 : i32
        %parallel_loop3A_741 = arith.constant 16 : i32
        %parallel_loop3A_742 = arith.muli %scan3A_720, %parallel_loop3A_741 : i32
        %parallel_loop3A_743 = arith.index_cast %parallel_loop3A_740 : i32 to index
        %parallel_loop3A_744 = arith.index_cast %parallel_loop3A_742 : i32 to index
        %parallel_loop3A_745 = tpu.vector_load %arg6[%parallel_loop3A_743, %parallel_loop3A_744] {strides = array<i32>} : memref<64x512xi32, #tpu.memory_space<vmem>>, vector<16xi32>,
        %parallel_loop3A_746 = vector.bitcast %parallel_loop3A_745 : vector<16xi32> to vector<32xbf16>
        %parallel_loop3A_747 = tpu.unpack_subelements %parallel_loop3A_746, 0 {pack_format = #tpu.pack_format<interleaved>} : vector<32xbf16> -> vector<16xf32>
        %parallel_loop3A_748 = tpu.unpack_subelements %parallel_loop3A_746, 1 {pack_format = #tpu.pack_format<interleaved>} : vector<32xbf16> -> vector<16xf32>
        %parallel_loop3A_749 = arith.constant 32 : i32
        %parallel_loop3A_750 = arith.muli %scan3A_720, %parallel_loop3A_749 : i32
        %parallel_loop3A_751 = arith.addf %parallel_loop3A_747, %get3A_726 : vector<16xf32>
        %parallel_loop3A_752 = arith.index_cast %parallel_loop3A_738 : i32 to index
        %parallel_loop3A_753 = arith.index_cast %parallel_loop3A_750 : i32 to index
        %parallel_loop3A_754 = tpu.vector_load %arg10[%parallel_loop3A_752, %parallel_loop3A_753] {strides = array<i32>} : memref<16x1024xf32, #tpu.memory_space<vmem>>, vector<16xf32>,
        tpu.vector_store %arg10[%parallel_loop3A_752, %parallel_loop3A_753], %parallel_loop3A_751 {add = true, strides = array<i32>} : memref<16x1024xf32, #tpu.memory_space<vmem>>, vector<16xf32>,
        %parallel_loop3A_755 = arith.constant 32 : i32
        %parallel_loop3A_756 = arith.muli %scan3A_720, %parallel_loop3A_755 : i32
        %parallel_loop3A_757 = arith.constant 16 : i32
        %parallel_loop3A_758 = arith.addi %parallel_loop3A_756, %parallel_loop3A_757 : i32
        %parallel_loop3A_759 = arith.addf %parallel_loop3A_748, %get3A_734 : vector<16xf32>
        %parallel_loop3A_760 = arith.index_cast %parallel_loop3A_738 : i32 to index
        %parallel_loop3A_761 = arith.index_cast %parallel_loop3A_758 : i32 to index
        %parallel_loop3A_762 = tpu.vector_load %arg10[%parallel_loop3A_760, %parallel_loop3A_761] {strides = array<i32>} : memref<16x1024xf32, #tpu.memory_space<vmem>>, vector<16xf32>,
        tpu.vector_store %arg10[%parallel_loop3A_760, %parallel_loop3A_761], %parallel_loop3A_759 {add = true, strides = array<i32>} : memref<16x1024xf32, #tpu.memory_space<vmem>>, vector<16xf32>,
      } {sc.loop_unroll_factor = 4 : i64, sc.parallel_access}
      %scan3A_737 = arith.constant 0 : i32
      scf.yield %scan3A_737 : i32
    }
    %scan3A_386 = arith.constant 32 : i32
    %add3A_387 = arith.constant 0 : i32
    %add3A_388 = arith.addi %mul3A_2, %add3A_387 : i32
    %dma_start3A_389 = arith.constant 2 : i32
    %dma_start3A_390 = arith.constant 0 : i32
    %dma_start3A_391 = tpu.memref_slice %arg5[%dma_start3A_389, %add3A_388, %dma_start3A_390] : memref<4x2048x1024xf32, #tpu.memory_space<hbm>> -> memref<1x16x1024xf32, #tpu.memory_space<hbm>>
    %dma_start3A_392 = tpu.memref_squeeze %dma_start3A_391 : memref<1x16x1024xf32, #tpu.memory_space<hbm>> -> memref<16x1024xf32, #tpu.memory_space<hbm>>
    %dma_start3A_393 = arith.constant 0 : i32
    %dma_start3A_394 = tpu.memref_slice %arg5[%dma_start3A_389, %add3A_388, %dma_start3A_393] : memref<4x2048x1024xf32, #tpu.memory_space<hbm>> -> memref<1x16x1024xf32, #tpu.memory_space<hbm>>
    %dma_start3A_395 = tpu.memref_squeeze %dma_start3A_394 : memref<1x16x1024xf32, #tpu.memory_space<hbm>> -> memref<16x1024xf32, #tpu.memory_space<hbm>>
    tpu.enqueue_dma source(%arg10 : memref<16x1024xf32, #tpu.memory_space<vmem>>) target(%dma_start3A_395 : memref<16x1024xf32, #tpu.memory_space<hbm>>) target_semaphore(%arg16 : memref<!tpu.dma_semaphore, #tpu.memory_space<semaphore_mem>>)
    %add3A_396 = arith.constant 48 : i32
    %add3A_397 = arith.addi %mul3A_2, %add3A_396 : i32
    %dma_wait3A_398 = arith.constant 1 : i32
    %dma_wait3A_399 = arith.constant 0 : i32
    %dma_wait3A_400 = tpu.memref_slice %arg5[%dma_wait3A_398, %add3A_397, %dma_wait3A_399] : memref<4x2048x1024xf32, #tpu.memory_space<hbm>> -> memref<1x16x1024xf32, #tpu.memory_space<hbm>>
    %dma_wait3A_401 = tpu.memref_squeeze %dma_wait3A_400 : memref<1x16x1024xf32, #tpu.memory_space<hbm>> -> memref<16x1024xf32, #tpu.memory_space<hbm>>
    %dma_wait3A_402 = arith.constant 0 : i32
    %dma_wait3A_403 = tpu.memref_slice %arg5[%dma_wait3A_398, %add3A_397, %dma_wait3A_402] : memref<4x2048x1024xf32, #tpu.memory_space<hbm>> -> memref<1x16x1024xf32, #tpu.memory_space<hbm>>
    %dma_wait3A_404 = tpu.memref_squeeze %dma_wait3A_403 : memref<1x16x1024xf32, #tpu.memory_space<hbm>> -> memref<16x1024xf32, #tpu.memory_space<hbm>>
    tpu.wait_dma2 semaphore(%arg15 : memref<!tpu.dma_semaphore, #tpu.memory_space<semaphore_mem>>) src(%arg9 : memref<16x1024xf32, #tpu.memory_space<vmem>>) dst(%dma_wait3A_404 : memref<16x1024xf32, #tpu.memory_space<hbm>>)
    %add3A_405 = arith.constant 32 : i32
    %add3A_406 = arith.addi %mul3A_2, %add3A_405 : i32
    %dma_start3A_407 = arith.constant 2 : i32
    %dma_start3A_408 = arith.constant 0 : i32
    %dma_start3A_409 = tpu.memref_slice %arg2[%dma_start3A_407, %add3A_406, %dma_start3A_408] : memref<4x2048x1024xf32, #tpu.memory_space<hbm>> -> memref<1x16x1024xf32, #tpu.memory_space<hbm>>
    %dma_start3A_410 = tpu.memref_squeeze %dma_start3A_409 : memref<1x16x1024xf32, #tpu.memory_space<hbm>> -> memref<16x1024xf32, #tpu.memory_space<hbm>>
    %dma_start3A_411 = arith.constant 0 : i32
    %dma_start3A_412 = tpu.memref_slice %arg2[%dma_start3A_407, %add3A_406, %dma_start3A_411] : memref<4x2048x1024xf32, #tpu.memory_space<hbm>> -> memref<1x16x1024xf32, #tpu.memory_space<hbm>>
    %dma_start3A_413 = tpu.memref_squeeze %dma_start3A_412 : memref<1x16x1024xf32, #tpu.memory_space<hbm>> -> memref<16x1024xf32, #tpu.memory_space<hbm>>
    tpu.enqueue_dma source(%dma_start3A_413 : memref<16x1024xf32, #tpu.memory_space<hbm>>) target(%arg9 : memref<16x1024xf32, #tpu.memory_space<vmem>>) target_semaphore(%arg12 : memref<!tpu.dma_semaphore, #tpu.memory_space<semaphore_mem>>)
    %add3A_414 = arith.constant 16 : i32
    %add3A_415 = arith.addi %mul3A_2, %add3A_414 : i32
    %dma_wait3A_416 = arith.constant 2 : i32
    %dma_wait3A_417 = arith.constant 0 : i32
    %dma_wait3A_418 = tpu.memref_slice %arg2[%dma_wait3A_416, %add3A_415, %dma_wait3A_417] : memref<4x2048x1024xf32, #tpu.memory_space<hbm>> -> memref<1x16x1024xf32, #tpu.memory_space<hbm>>
    %dma_wait3A_419 = tpu.memref_squeeze %dma_wait3A_418 : memref<1x16x1024xf32, #tpu.memory_space<hbm>> -> memref<16x1024xf32, #tpu.memory_space<hbm>>
    %dma_wait3A_420 = arith.constant 0 : i32
    %dma_wait3A_421 = tpu.memref_slice %arg2[%dma_wait3A_416, %add3A_415, %dma_wait3A_420] : memref<4x2048x1024xf32, #tpu.memory_space<hbm>> -> memref<1x16x1024xf32, #tpu.memory_space<hbm>>
    %dma_wait3A_422 = tpu.memref_squeeze %dma_wait3A_421 : memref<1x16x1024xf32, #tpu.memory_space<hbm>> -> memref<16x1024xf32, #tpu.memory_space<hbm>>
    tpu.wait_dma2 semaphore(%arg11 : memref<!tpu.dma_semaphore, #tpu.memory_space<semaphore_mem>>) src(%dma_wait3A_422 : memref<16x1024xf32, #tpu.memory_space<hbm>>) dst(%arg8 : memref<16x1024xf32, #tpu.memory_space<vmem>>)
    %add3A_423 = arith.constant 16 : i32
    %add3A_424 = arith.addi %mul3A_2, %add3A_423 : i32
    %scan3A_425 = arith.constant 0 : i32
    %scan3A_426 = arith.constant 0 : i32
    %scan3A_427 = arith.constant 32 : i32
    %scan3A_428 = arith.addi %scan3A_426, %scan3A_427 : i32
    %scan3A_429 = arith.constant 1 : i32
    %scan3A_430 = scf.for %scan3A_720 = %scan3A_426 to %scan3A_428 step %scan3A_429 iter_args(%scan3A_721 = %scan3A_425) -> (i32)  : i32 {
      %mul3A_722 = arith.constant 32 : i32
      %mul3A_723 = arith.muli %scan3A_720, %mul3A_722 : i32
      %get3A = arith.constant 0 : i32
      %get3A_724 = arith.index_cast %get3A : i32 to index
      %get3A_725 = arith.index_cast %mul3A_723 : i32 to index
      %get3A_726 = tpu.vector_load %arg7[%get3A_724, %get3A_725] {strides = array<i32>} : memref<3x1024xf32, #tpu.memory_space<vmem>>, vector<16xf32>,
      %mul3A_727 = arith.constant 32 : i32
      %mul3A_728 = arith.muli %scan3A_720, %mul3A_727 : i32
      %add3A_729 = arith.constant 16 : i32
      %add3A_730 = arith.addi %mul3A_728, %add3A_729 : i32
      %get3A_731 = arith.constant 0 : i32
      %get3A_732 = arith.index_cast %get3A_731 : i32 to index
      %get3A_733 = arith.index_cast %add3A_730 : i32 to index
      %get3A_734 = tpu.vector_load %arg7[%get3A_732, %get3A_733] {strides = array<i32>} : memref<3x1024xf32, #tpu.memory_space<vmem>>, vector<16xf32>,
      %parallel_loop3A = arith.constant 0 : i32
      %parallel_loop3A_735 = arith.constant 16 : i32
      %parallel_loop3A_736 = arith.constant 1 : i32
      scf.for %parallel_loop3A_738 = %parallel_loop3A to %parallel_loop3A_735 step %parallel_loop3A_736  : i32 {
        %parallel_loop3A_739 = arith.constant 16 : i32
        %parallel_loop3A_740 = arith.addi %parallel_loop3A_739, %parallel_loop3A_738 : i32
        %parallel_loop3A_741 = arith.constant 16 : i32
        %parallel_loop3A_742 = arith.muli %scan3A_720, %parallel_loop3A_741 : i32
        %parallel_loop3A_743 = arith.index_cast %parallel_loop3A_740 : i32 to index
        %parallel_loop3A_744 = arith.index_cast %parallel_loop3A_742 : i32 to index
        %parallel_loop3A_745 = tpu.vector_load %arg6[%parallel_loop3A_743, %parallel_loop3A_744] {strides = array<i32>} : memref<64x512xi32, #tpu.memory_space<vmem>>, vector<16xi32>,
        %parallel_loop3A_746 = vector.bitcast %parallel_loop3A_745 : vector<16xi32> to vector<32xbf16>
        %parallel_loop3A_747 = tpu.unpack_subelements %parallel_loop3A_746, 0 {pack_format = #tpu.pack_format<interleaved>} : vector<32xbf16> -> vector<16xf32>
        %parallel_loop3A_748 = tpu.unpack_subelements %parallel_loop3A_746, 1 {pack_format = #tpu.pack_format<interleaved>} : vector<32xbf16> -> vector<16xf32>
        %parallel_loop3A_749 = arith.constant 32 : i32
        %parallel_loop3A_750 = arith.muli %scan3A_720, %parallel_loop3A_749 : i32
        %parallel_loop3A_751 = arith.addf %parallel_loop3A_747, %get3A_726 : vector<16xf32>
        %parallel_loop3A_752 = arith.index_cast %parallel_loop3A_738 : i32 to index
        %parallel_loop3A_753 = arith.index_cast %parallel_loop3A_750 : i32 to index
        %parallel_loop3A_754 = tpu.vector_load %arg8[%parallel_loop3A_752, %parallel_loop3A_753] {strides = array<i32>} : memref<16x1024xf32, #tpu.memory_space<vmem>>, vector<16xf32>,
        tpu.vector_store %arg8[%parallel_loop3A_752, %parallel_loop3A_753], %parallel_loop3A_751 {add = true, strides = array<i32>} : memref<16x1024xf32, #tpu.memory_space<vmem>>, vector<16xf32>,
        %parallel_loop3A_755 = arith.constant 32 : i32
        %parallel_loop3A_756 = arith.muli %scan3A_720, %parallel_loop3A_755 : i32
        %parallel_loop3A_757 = arith.constant 16 : i32
        %parallel_loop3A_758 = arith.addi %parallel_loop3A_756, %parallel_loop3A_757 : i32
        %parallel_loop3A_759 = arith.addf %parallel_loop3A_748, %get3A_734 : vector<16xf32>
        %parallel_loop3A_760 = arith.index_cast %parallel_loop3A_738 : i32 to index
        %parallel_loop3A_761 = arith.index_cast %parallel_loop3A_758 : i32 to index
        %parallel_loop3A_762 = tpu.vector_load %arg8[%parallel_loop3A_760, %parallel_loop3A_761] {strides = array<i32>} : memref<16x1024xf32, #tpu.memory_space<vmem>>, vector<16xf32>,
        tpu.vector_store %arg8[%parallel_loop3A_760, %parallel_loop3A_761], %parallel_loop3A_759 {add = true, strides = array<i32>} : memref<16x1024xf32, #tpu.memory_space<vmem>>, vector<16xf32>,
      } {sc.loop_unroll_factor = 4 : i64, sc.parallel_access}
      %scan3A_737 = arith.constant 0 : i32
      scf.yield %scan3A_737 : i32
    }
    %scan3A_431 = arith.constant 32 : i32
    %add3A_432 = arith.constant 16 : i32
    %add3A_433 = arith.addi %mul3A_2, %add3A_432 : i32
    %dma_start3A_434 = arith.constant 2 : i32
    %dma_start3A_435 = arith.constant 0 : i32
    %dma_start3A_436 = tpu.memref_slice %arg5[%dma_start3A_434, %add3A_433, %dma_start3A_435] : memref<4x2048x1024xf32, #tpu.memory_space<hbm>> -> memref<1x16x1024xf32, #tpu.memory_space<hbm>>
    %dma_start3A_437 = tpu.memref_squeeze %dma_start3A_436 : memref<1x16x1024xf32, #tpu.memory_space<hbm>> -> memref<16x1024xf32, #tpu.memory_space<hbm>>
    %dma_start3A_438 = arith.constant 0 : i32
    %dma_start3A_439 = tpu.memref_slice %arg5[%dma_start3A_434, %add3A_433, %dma_start3A_438] : memref<4x2048x1024xf32, #tpu.memory_space<hbm>> -> memref<1x16x1024xf32, #tpu.memory_space<hbm>>
    %dma_start3A_440 = tpu.memref_squeeze %dma_start3A_439 : memref<1x16x1024xf32, #tpu.memory_space<hbm>> -> memref<16x1024xf32, #tpu.memory_space<hbm>>
    tpu.enqueue_dma source(%arg8 : memref<16x1024xf32, #tpu.memory_space<vmem>>) target(%dma_start3A_440 : memref<16x1024xf32, #tpu.memory_space<hbm>>) target_semaphore(%arg14 : memref<!tpu.dma_semaphore, #tpu.memory_space<semaphore_mem>>)
    %add3A_441 = arith.constant 0 : i32
    %add3A_442 = arith.addi %mul3A_2, %add3A_441 : i32
    %dma_wait3A_443 = arith.constant 2 : i32
    %dma_wait3A_444 = arith.constant 0 : i32
    %dma_wait3A_445 = tpu.memref_slice %arg5[%dma_wait3A_443, %add3A_442, %dma_wait3A_444] : memref<4x2048x1024xf32, #tpu.memory_space<hbm>> -> memref<1x16x1024xf32, #tpu.memory_space<hbm>>
    %dma_wait3A_446 = tpu.memref_squeeze %dma_wait3A_445 : memref<1x16x1024xf32, #tpu.memory_space<hbm>> -> memref<16x1024xf32, #tpu.memory_space<hbm>>
    %dma_wait3A_447 = arith.constant 0 : i32
    %dma_wait3A_448 = tpu.memref_slice %arg5[%dma_wait3A_443, %add3A_442, %dma_wait3A_447] : memref<4x2048x1024xf32, #tpu.memory_space<hbm>> -> memref<1x16x1024xf32, #tpu.memory_space<hbm>>
    %dma_wait3A_449 = tpu.memref_squeeze %dma_wait3A_448 : memref<1x16x1024xf32, #tpu.memory_space<hbm>> -> memref<16x1024xf32, #tpu.memory_space<hbm>>
    tpu.wait_dma2 semaphore(%arg16 : memref<!tpu.dma_semaphore, #tpu.memory_space<semaphore_mem>>) src(%arg10 : memref<16x1024xf32, #tpu.memory_space<vmem>>) dst(%dma_wait3A_449 : memref<16x1024xf32, #tpu.memory_space<hbm>>)
    %add3A_450 = arith.constant 48 : i32
    %add3A_451 = arith.addi %mul3A_2, %add3A_450 : i32
    %dma_start3A_452 = arith.constant 2 : i32
    %dma_start3A_453 = arith.constant 0 : i32
    %dma_start3A_454 = tpu.memref_slice %arg2[%dma_start3A_452, %add3A_451, %dma_start3A_453] : memref<4x2048x1024xf32, #tpu.memory_space<hbm>> -> memref<1x16x1024xf32, #tpu.memory_space<hbm>>
    %dma_start3A_455 = tpu.memref_squeeze %dma_start3A_454 : memref<1x16x1024xf32, #tpu.memory_space<hbm>> -> memref<16x1024xf32, #tpu.memory_space<hbm>>
    %dma_start3A_456 = arith.constant 0 : i32
    %dma_start3A_457 = tpu.memref_slice %arg2[%dma_start3A_452, %add3A_451, %dma_start3A_456] : memref<4x2048x1024xf32, #tpu.memory_space<hbm>> -> memref<1x16x1024xf32, #tpu.memory_space<hbm>>
    %dma_start3A_458 = tpu.memref_squeeze %dma_start3A_457 : memref<1x16x1024xf32, #tpu.memory_space<hbm>> -> memref<16x1024xf32, #tpu.memory_space<hbm>>
    tpu.enqueue_dma source(%dma_start3A_458 : memref<16x1024xf32, #tpu.memory_space<hbm>>) target(%arg10 : memref<16x1024xf32, #tpu.memory_space<vmem>>) target_semaphore(%arg13 : memref<!tpu.dma_semaphore, #tpu.memory_space<semaphore_mem>>)
    %add3A_459 = arith.constant 32 : i32
    %add3A_460 = arith.addi %mul3A_2, %add3A_459 : i32
    %dma_wait3A_461 = arith.constant 2 : i32
    %dma_wait3A_462 = arith.constant 0 : i32
    %dma_wait3A_463 = tpu.memref_slice %arg2[%dma_wait3A_461, %add3A_460, %dma_wait3A_462] : memref<4x2048x1024xf32, #tpu.memory_space<hbm>> -> memref<1x16x1024xf32, #tpu.memory_space<hbm>>
    %dma_wait3A_464 = tpu.memref_squeeze %dma_wait3A_463 : memref<1x16x1024xf32, #tpu.memory_space<hbm>> -> memref<16x1024xf32, #tpu.memory_space<hbm>>
    %dma_wait3A_465 = arith.constant 0 : i32
    %dma_wait3A_466 = tpu.memref_slice %arg2[%dma_wait3A_461, %add3A_460, %dma_wait3A_465] : memref<4x2048x1024xf32, #tpu.memory_space<hbm>> -> memref<1x16x1024xf32, #tpu.memory_space<hbm>>
    %dma_wait3A_467 = tpu.memref_squeeze %dma_wait3A_466 : memref<1x16x1024xf32, #tpu.memory_space<hbm>> -> memref<16x1024xf32, #tpu.memory_space<hbm>>
    tpu.wait_dma2 semaphore(%arg12 : memref<!tpu.dma_semaphore, #tpu.memory_space<semaphore_mem>>) src(%dma_wait3A_467 : memref<16x1024xf32, #tpu.memory_space<hbm>>) dst(%arg9 : memref<16x1024xf32, #tpu.memory_space<vmem>>)
    %add3A_468 = arith.constant 32 : i32
    %add3A_469 = arith.addi %mul3A_2, %add3A_468 : i32
    %scan3A_470 = arith.constant 0 : i32
    %scan3A_471 = arith.constant 0 : i32
    %scan3A_472 = arith.constant 32 : i32
    %scan3A_473 = arith.addi %scan3A_471, %scan3A_472 : i32
    %scan3A_474 = arith.constant 1 : i32
    %scan3A_475 = scf.for %scan3A_720 = %scan3A_471 to %scan3A_473 step %scan3A_474 iter_args(%scan3A_721 = %scan3A_470) -> (i32)  : i32 {
      %mul3A_722 = arith.constant 32 : i32
      %mul3A_723 = arith.muli %scan3A_720, %mul3A_722 : i32
      %get3A = arith.constant 0 : i32
      %get3A_724 = arith.index_cast %get3A : i32 to index
      %get3A_725 = arith.index_cast %mul3A_723 : i32 to index
      %get3A_726 = tpu.vector_load %arg7[%get3A_724, %get3A_725] {strides = array<i32>} : memref<3x1024xf32, #tpu.memory_space<vmem>>, vector<16xf32>,
      %mul3A_727 = arith.constant 32 : i32
      %mul3A_728 = arith.muli %scan3A_720, %mul3A_727 : i32
      %add3A_729 = arith.constant 16 : i32
      %add3A_730 = arith.addi %mul3A_728, %add3A_729 : i32
      %get3A_731 = arith.constant 0 : i32
      %get3A_732 = arith.index_cast %get3A_731 : i32 to index
      %get3A_733 = arith.index_cast %add3A_730 : i32 to index
      %get3A_734 = tpu.vector_load %arg7[%get3A_732, %get3A_733] {strides = array<i32>} : memref<3x1024xf32, #tpu.memory_space<vmem>>, vector<16xf32>,
      %parallel_loop3A = arith.constant 0 : i32
      %parallel_loop3A_735 = arith.constant 16 : i32
      %parallel_loop3A_736 = arith.constant 1 : i32
      scf.for %parallel_loop3A_738 = %parallel_loop3A to %parallel_loop3A_735 step %parallel_loop3A_736  : i32 {
        %parallel_loop3A_739 = arith.constant 32 : i32
        %parallel_loop3A_740 = arith.addi %parallel_loop3A_739, %parallel_loop3A_738 : i32
        %parallel_loop3A_741 = arith.constant 16 : i32
        %parallel_loop3A_742 = arith.muli %scan3A_720, %parallel_loop3A_741 : i32
        %parallel_loop3A_743 = arith.index_cast %parallel_loop3A_740 : i32 to index
        %parallel_loop3A_744 = arith.index_cast %parallel_loop3A_742 : i32 to index
        %parallel_loop3A_745 = tpu.vector_load %arg6[%parallel_loop3A_743, %parallel_loop3A_744] {strides = array<i32>} : memref<64x512xi32, #tpu.memory_space<vmem>>, vector<16xi32>,
        %parallel_loop3A_746 = vector.bitcast %parallel_loop3A_745 : vector<16xi32> to vector<32xbf16>
        %parallel_loop3A_747 = tpu.unpack_subelements %parallel_loop3A_746, 0 {pack_format = #tpu.pack_format<interleaved>} : vector<32xbf16> -> vector<16xf32>
        %parallel_loop3A_748 = tpu.unpack_subelements %parallel_loop3A_746, 1 {pack_format = #tpu.pack_format<interleaved>} : vector<32xbf16> -> vector<16xf32>
        %parallel_loop3A_749 = arith.constant 32 : i32
        %parallel_loop3A_750 = arith.muli %scan3A_720, %parallel_loop3A_749 : i32
        %parallel_loop3A_751 = arith.addf %parallel_loop3A_747, %get3A_726 : vector<16xf32>
        %parallel_loop3A_752 = arith.index_cast %parallel_loop3A_738 : i32 to index
        %parallel_loop3A_753 = arith.index_cast %parallel_loop3A_750 : i32 to index
        %parallel_loop3A_754 = tpu.vector_load %arg9[%parallel_loop3A_752, %parallel_loop3A_753] {strides = array<i32>} : memref<16x1024xf32, #tpu.memory_space<vmem>>, vector<16xf32>,
        tpu.vector_store %arg9[%parallel_loop3A_752, %parallel_loop3A_753], %parallel_loop3A_751 {add = true, strides = array<i32>} : memref<16x1024xf32, #tpu.memory_space<vmem>>, vector<16xf32>,
        %parallel_loop3A_755 = arith.constant 32 : i32
        %parallel_loop3A_756 = arith.muli %scan3A_720, %parallel_loop3A_755 : i32
        %parallel_loop3A_757 = arith.constant 16 : i32
        %parallel_loop3A_758 = arith.addi %parallel_loop3A_756, %parallel_loop3A_757 : i32
        %parallel_loop3A_759 = arith.addf %parallel_loop3A_748, %get3A_734 : vector<16xf32>
        %parallel_loop3A_760 = arith.index_cast %parallel_loop3A_738 : i32 to index
        %parallel_loop3A_761 = arith.index_cast %parallel_loop3A_758 : i32 to index
        %parallel_loop3A_762 = tpu.vector_load %arg9[%parallel_loop3A_760, %parallel_loop3A_761] {strides = array<i32>} : memref<16x1024xf32, #tpu.memory_space<vmem>>, vector<16xf32>,
        tpu.vector_store %arg9[%parallel_loop3A_760, %parallel_loop3A_761], %parallel_loop3A_759 {add = true, strides = array<i32>} : memref<16x1024xf32, #tpu.memory_space<vmem>>, vector<16xf32>,
      } {sc.loop_unroll_factor = 4 : i64, sc.parallel_access}
      %scan3A_737 = arith.constant 0 : i32
      scf.yield %scan3A_737 : i32
    }
    %scan3A_476 = arith.constant 32 : i32
    %add3A_477 = arith.constant 32 : i32
    %add3A_478 = arith.addi %mul3A_2, %add3A_477 : i32
    %dma_start3A_479 = arith.constant 2 : i32
    %dma_start3A_480 = arith.constant 0 : i32
    %dma_start3A_481 = tpu.memref_slice %arg5[%dma_start3A_479, %add3A_478, %dma_start3A_480] : memref<4x2048x1024xf32, #tpu.memory_space<hbm>> -> memref<1x16x1024xf32, #tpu.memory_space<hbm>>
    %dma_start3A_482 = tpu.memref_squeeze %dma_start3A_481 : memref<1x16x1024xf32, #tpu.memory_space<hbm>> -> memref<16x1024xf32, #tpu.memory_space<hbm>>
    %dma_start3A_483 = arith.constant 0 : i32
    %dma_start3A_484 = tpu.memref_slice %arg5[%dma_start3A_479, %add3A_478, %dma_start3A_483] : memref<4x2048x1024xf32, #tpu.memory_space<hbm>> -> memref<1x16x1024xf32, #tpu.memory_space<hbm>>
    %dma_start3A_485 = tpu.memref_squeeze %dma_start3A_484 : memref<1x16x1024xf32, #tpu.memory_space<hbm>> -> memref<16x1024xf32, #tpu.memory_space<hbm>>
    tpu.enqueue_dma source(%arg9 : memref<16x1024xf32, #tpu.memory_space<vmem>>) target(%dma_start3A_485 : memref<16x1024xf32, #tpu.memory_space<hbm>>) target_semaphore(%arg15 : memref<!tpu.dma_semaphore, #tpu.memory_space<semaphore_mem>>)
    %add3A_486 = arith.constant 16 : i32
    %add3A_487 = arith.addi %mul3A_2, %add3A_486 : i32
    %dma_wait3A_488 = arith.constant 2 : i32
    %dma_wait3A_489 = arith.constant 0 : i32
    %dma_wait3A_490 = tpu.memref_slice %arg5[%dma_wait3A_488, %add3A_487, %dma_wait3A_489] : memref<4x2048x1024xf32, #tpu.memory_space<hbm>> -> memref<1x16x1024xf32, #tpu.memory_space<hbm>>
    %dma_wait3A_491 = tpu.memref_squeeze %dma_wait3A_490 : memref<1x16x1024xf32, #tpu.memory_space<hbm>> -> memref<16x1024xf32, #tpu.memory_space<hbm>>
    %dma_wait3A_492 = arith.constant 0 : i32
    %dma_wait3A_493 = tpu.memref_slice %arg5[%dma_wait3A_488, %add3A_487, %dma_wait3A_492] : memref<4x2048x1024xf32, #tpu.memory_space<hbm>> -> memref<1x16x1024xf32, #tpu.memory_space<hbm>>
    %dma_wait3A_494 = tpu.memref_squeeze %dma_wait3A_493 : memref<1x16x1024xf32, #tpu.memory_space<hbm>> -> memref<16x1024xf32, #tpu.memory_space<hbm>>
    tpu.wait_dma2 semaphore(%arg14 : memref<!tpu.dma_semaphore, #tpu.memory_space<semaphore_mem>>) src(%arg8 : memref<16x1024xf32, #tpu.memory_space<vmem>>) dst(%dma_wait3A_494 : memref<16x1024xf32, #tpu.memory_space<hbm>>)
    %add3A_495 = arith.constant 0 : i32
    %add3A_496 = arith.addi %mul3A_2, %add3A_495 : i32
    %dma_start3A_497 = arith.constant 3 : i32
    %dma_start3A_498 = arith.constant 0 : i32
    %dma_start3A_499 = tpu.memref_slice %arg2[%dma_start3A_497, %add3A_496, %dma_start3A_498] : memref<4x2048x1024xf32, #tpu.memory_space<hbm>> -> memref<1x16x1024xf32, #tpu.memory_space<hbm>>
    %dma_start3A_500 = tpu.memref_squeeze %dma_start3A_499 : memref<1x16x1024xf32, #tpu.memory_space<hbm>> -> memref<16x1024xf32, #tpu.memory_space<hbm>>
    %dma_start3A_501 = arith.constant 0 : i32
    %dma_start3A_502 = tpu.memref_slice %arg2[%dma_start3A_497, %add3A_496, %dma_start3A_501] : memref<4x2048x1024xf32, #tpu.memory_space<hbm>> -> memref<1x16x1024xf32, #tpu.memory_space<hbm>>
    %dma_start3A_503 = tpu.memref_squeeze %dma_start3A_502 : memref<1x16x1024xf32, #tpu.memory_space<hbm>> -> memref<16x1024xf32, #tpu.memory_space<hbm>>
    tpu.enqueue_dma source(%dma_start3A_503 : memref<16x1024xf32, #tpu.memory_space<hbm>>) target(%arg8 : memref<16x1024xf32, #tpu.memory_space<vmem>>) target_semaphore(%arg11 : memref<!tpu.dma_semaphore, #tpu.memory_space<semaphore_mem>>)
    %add3A_504 = arith.constant 48 : i32
    %add3A_505 = arith.addi %mul3A_2, %add3A_504 : i32
    %dma_wait3A_506 = arith.constant 2 : i32
    %dma_wait3A_507 = arith.constant 0 : i32
    %dma_wait3A_508 = tpu.memref_slice %arg2[%dma_wait3A_506, %add3A_505, %dma_wait3A_507] : memref<4x2048x1024xf32, #tpu.memory_space<hbm>> -> memref<1x16x1024xf32, #tpu.memory_space<hbm>>
    %dma_wait3A_509 = tpu.memref_squeeze %dma_wait3A_508 : memref<1x16x1024xf32, #tpu.memory_space<hbm>> -> memref<16x1024xf32, #tpu.memory_space<hbm>>
    %dma_wait3A_510 = arith.constant 0 : i32
    %dma_wait3A_511 = tpu.memref_slice %arg2[%dma_wait3A_506, %add3A_505, %dma_wait3A_510] : memref<4x2048x1024xf32, #tpu.memory_space<hbm>> -> memref<1x16x1024xf32, #tpu.memory_space<hbm>>
    %dma_wait3A_512 = tpu.memref_squeeze %dma_wait3A_511 : memref<1x16x1024xf32, #tpu.memory_space<hbm>> -> memref<16x1024xf32, #tpu.memory_space<hbm>>
    tpu.wait_dma2 semaphore(%arg13 : memref<!tpu.dma_semaphore, #tpu.memory_space<semaphore_mem>>) src(%dma_wait3A_512 : memref<16x1024xf32, #tpu.memory_space<hbm>>) dst(%arg10 : memref<16x1024xf32, #tpu.memory_space<vmem>>)
    %add3A_513 = arith.constant 48 : i32
    %add3A_514 = arith.addi %mul3A_2, %add3A_513 : i32
    %scan3A_515 = arith.constant 0 : i32
    %scan3A_516 = arith.constant 0 : i32
    %scan3A_517 = arith.constant 32 : i32
    %scan3A_518 = arith.addi %scan3A_516, %scan3A_517 : i32
    %scan3A_519 = arith.constant 1 : i32
    %scan3A_520 = scf.for %scan3A_720 = %scan3A_516 to %scan3A_518 step %scan3A_519 iter_args(%scan3A_721 = %scan3A_515) -> (i32)  : i32 {
      %mul3A_722 = arith.constant 32 : i32
      %mul3A_723 = arith.muli %scan3A_720, %mul3A_722 : i32
      %get3A = arith.constant 0 : i32
      %get3A_724 = arith.index_cast %get3A : i32 to index
      %get3A_725 = arith.index_cast %mul3A_723 : i32 to index
      %get3A_726 = tpu.vector_load %arg7[%get3A_724, %get3A_725] {strides = array<i32>} : memref<3x1024xf32, #tpu.memory_space<vmem>>, vector<16xf32>,
      %mul3A_727 = arith.constant 32 : i32
      %mul3A_728 = arith.muli %scan3A_720, %mul3A_727 : i32
      %add3A_729 = arith.constant 16 : i32
      %add3A_730 = arith.addi %mul3A_728, %add3A_729 : i32
      %get3A_731 = arith.constant 0 : i32
      %get3A_732 = arith.index_cast %get3A_731 : i32 to index
      %get3A_733 = arith.index_cast %add3A_730 : i32 to index
      %get3A_734 = tpu.vector_load %arg7[%get3A_732, %get3A_733] {strides = array<i32>} : memref<3x1024xf32, #tpu.memory_space<vmem>>, vector<16xf32>,
      %parallel_loop3A = arith.constant 0 : i32
      %parallel_loop3A_735 = arith.constant 16 : i32
      %parallel_loop3A_736 = arith.constant 1 : i32
      scf.for %parallel_loop3A_738 = %parallel_loop3A to %parallel_loop3A_735 step %parallel_loop3A_736  : i32 {
        %parallel_loop3A_739 = arith.constant 48 : i32
        %parallel_loop3A_740 = arith.addi %parallel_loop3A_739, %parallel_loop3A_738 : i32
        %parallel_loop3A_741 = arith.constant 16 : i32
        %parallel_loop3A_742 = arith.muli %scan3A_720, %parallel_loop3A_741 : i32
        %parallel_loop3A_743 = arith.index_cast %parallel_loop3A_740 : i32 to index
        %parallel_loop3A_744 = arith.index_cast %parallel_loop3A_742 : i32 to index
        %parallel_loop3A_745 = tpu.vector_load %arg6[%parallel_loop3A_743, %parallel_loop3A_744] {strides = array<i32>} : memref<64x512xi32, #tpu.memory_space<vmem>>, vector<16xi32>,
        %parallel_loop3A_746 = vector.bitcast %parallel_loop3A_745 : vector<16xi32> to vector<32xbf16>
        %parallel_loop3A_747 = tpu.unpack_subelements %parallel_loop3A_746, 0 {pack_format = #tpu.pack_format<interleaved>} : vector<32xbf16> -> vector<16xf32>
        %parallel_loop3A_748 = tpu.unpack_subelements %parallel_loop3A_746, 1 {pack_format = #tpu.pack_format<interleaved>} : vector<32xbf16> -> vector<16xf32>
        %parallel_loop3A_749 = arith.constant 32 : i32
        %parallel_loop3A_750 = arith.muli %scan3A_720, %parallel_loop3A_749 : i32
        %parallel_loop3A_751 = arith.addf %parallel_loop3A_747, %get3A_726 : vector<16xf32>
        %parallel_loop3A_752 = arith.index_cast %parallel_loop3A_738 : i32 to index
        %parallel_loop3A_753 = arith.index_cast %parallel_loop3A_750 : i32 to index
        %parallel_loop3A_754 = tpu.vector_load %arg10[%parallel_loop3A_752, %parallel_loop3A_753] {strides = array<i32>} : memref<16x1024xf32, #tpu.memory_space<vmem>>, vector<16xf32>,
        tpu.vector_store %arg10[%parallel_loop3A_752, %parallel_loop3A_753], %parallel_loop3A_751 {add = true, strides = array<i32>} : memref<16x1024xf32, #tpu.memory_space<vmem>>, vector<16xf32>,
        %parallel_loop3A_755 = arith.constant 32 : i32
        %parallel_loop3A_756 = arith.muli %scan3A_720, %parallel_loop3A_755 : i32
        %parallel_loop3A_757 = arith.constant 16 : i32
        %parallel_loop3A_758 = arith.addi %parallel_loop3A_756, %parallel_loop3A_757 : i32
        %parallel_loop3A_759 = arith.addf %parallel_loop3A_748, %get3A_734 : vector<16xf32>
        %parallel_loop3A_760 = arith.index_cast %parallel_loop3A_738 : i32 to index
        %parallel_loop3A_761 = arith.index_cast %parallel_loop3A_758 : i32 to index
        %parallel_loop3A_762 = tpu.vector_load %arg10[%parallel_loop3A_760, %parallel_loop3A_761] {strides = array<i32>} : memref<16x1024xf32, #tpu.memory_space<vmem>>, vector<16xf32>,
        tpu.vector_store %arg10[%parallel_loop3A_760, %parallel_loop3A_761], %parallel_loop3A_759 {add = true, strides = array<i32>} : memref<16x1024xf32, #tpu.memory_space<vmem>>, vector<16xf32>,
      } {sc.loop_unroll_factor = 4 : i64, sc.parallel_access}
      %scan3A_737 = arith.constant 0 : i32
      scf.yield %scan3A_737 : i32
    }
    %scan3A_521 = arith.constant 32 : i32
    %add3A_522 = arith.constant 48 : i32
    %add3A_523 = arith.addi %mul3A_2, %add3A_522 : i32
    %dma_start3A_524 = arith.constant 2 : i32
    %dma_start3A_525 = arith.constant 0 : i32
    %dma_start3A_526 = tpu.memref_slice %arg5[%dma_start3A_524, %add3A_523, %dma_start3A_525] : memref<4x2048x1024xf32, #tpu.memory_space<hbm>> -> memref<1x16x1024xf32, #tpu.memory_space<hbm>>
    %dma_start3A_527 = tpu.memref_squeeze %dma_start3A_526 : memref<1x16x1024xf32, #tpu.memory_space<hbm>> -> memref<16x1024xf32, #tpu.memory_space<hbm>>
    %dma_start3A_528 = arith.constant 0 : i32
    %dma_start3A_529 = tpu.memref_slice %arg5[%dma_start3A_524, %add3A_523, %dma_start3A_528] : memref<4x2048x1024xf32, #tpu.memory_space<hbm>> -> memref<1x16x1024xf32, #tpu.memory_space<hbm>>
    %dma_start3A_530 = tpu.memref_squeeze %dma_start3A_529 : memref<1x16x1024xf32, #tpu.memory_space<hbm>> -> memref<16x1024xf32, #tpu.memory_space<hbm>>
    tpu.enqueue_dma source(%arg10 : memref<16x1024xf32, #tpu.memory_space<vmem>>) target(%dma_start3A_530 : memref<16x1024xf32, #tpu.memory_space<hbm>>) target_semaphore(%arg16 : memref<!tpu.dma_semaphore, #tpu.memory_space<semaphore_mem>>)
    %add3A_531 = arith.constant 32 : i32
    %add3A_532 = arith.addi %mul3A_2, %add3A_531 : i32
    %dma_wait3A_533 = arith.constant 2 : i32
    %dma_wait3A_534 = arith.constant 0 : i32
    %dma_wait3A_535 = tpu.memref_slice %arg5[%dma_wait3A_533, %add3A_532, %dma_wait3A_534] : memref<4x2048x1024xf32, #tpu.memory_space<hbm>> -> memref<1x16x1024xf32, #tpu.memory_space<hbm>>
    %dma_wait3A_536 = tpu.memref_squeeze %dma_wait3A_535 : memref<1x16x1024xf32, #tpu.memory_space<hbm>> -> memref<16x1024xf32, #tpu.memory_space<hbm>>
    %dma_wait3A_537 = arith.constant 0 : i32
    %dma_wait3A_538 = tpu.memref_slice %arg5[%dma_wait3A_533, %add3A_532, %dma_wait3A_537] : memref<4x2048x1024xf32, #tpu.memory_space<hbm>> -> memref<1x16x1024xf32, #tpu.memory_space<hbm>>
    %dma_wait3A_539 = tpu.memref_squeeze %dma_wait3A_538 : memref<1x16x1024xf32, #tpu.memory_space<hbm>> -> memref<16x1024xf32, #tpu.memory_space<hbm>>
    tpu.wait_dma2 semaphore(%arg15 : memref<!tpu.dma_semaphore, #tpu.memory_space<semaphore_mem>>) src(%arg9 : memref<16x1024xf32, #tpu.memory_space<vmem>>) dst(%dma_wait3A_539 : memref<16x1024xf32, #tpu.memory_space<hbm>>)
    %add3A_540 = arith.constant 16 : i32
    %add3A_541 = arith.addi %mul3A_2, %add3A_540 : i32
    %dma_start3A_542 = arith.constant 3 : i32
    %dma_start3A_543 = arith.constant 0 : i32
    %dma_start3A_544 = tpu.memref_slice %arg2[%dma_start3A_542, %add3A_541, %dma_start3A_543] : memref<4x2048x1024xf32, #tpu.memory_space<hbm>> -> memref<1x16x1024xf32, #tpu.memory_space<hbm>>
    %dma_start3A_545 = tpu.memref_squeeze %dma_start3A_544 : memref<1x16x1024xf32, #tpu.memory_space<hbm>> -> memref<16x1024xf32, #tpu.memory_space<hbm>>
    %dma_start3A_546 = arith.constant 0 : i32
    %dma_start3A_547 = tpu.memref_slice %arg2[%dma_start3A_542, %add3A_541, %dma_start3A_546] : memref<4x2048x1024xf32, #tpu.memory_space<hbm>> -> memref<1x16x1024xf32, #tpu.memory_space<hbm>>
    %dma_start3A_548 = tpu.memref_squeeze %dma_start3A_547 : memref<1x16x1024xf32, #tpu.memory_space<hbm>> -> memref<16x1024xf32, #tpu.memory_space<hbm>>
    tpu.enqueue_dma source(%dma_start3A_548 : memref<16x1024xf32, #tpu.memory_space<hbm>>) target(%arg9 : memref<16x1024xf32, #tpu.memory_space<vmem>>) target_semaphore(%arg12 : memref<!tpu.dma_semaphore, #tpu.memory_space<semaphore_mem>>)
    %add3A_549 = arith.constant 0 : i32
    %add3A_550 = arith.addi %mul3A_2, %add3A_549 : i32
    %dma_wait3A_551 = arith.constant 3 : i32
    %dma_wait3A_552 = arith.constant 0 : i32
    %dma_wait3A_553 = tpu.memref_slice %arg2[%dma_wait3A_551, %add3A_550, %dma_wait3A_552] : memref<4x2048x1024xf32, #tpu.memory_space<hbm>> -> memref<1x16x1024xf32, #tpu.memory_space<hbm>>
    %dma_wait3A_554 = tpu.memref_squeeze %dma_wait3A_553 : memref<1x16x1024xf32, #tpu.memory_space<hbm>> -> memref<16x1024xf32, #tpu.memory_space<hbm>>
    %dma_wait3A_555 = arith.constant 0 : i32
    %dma_wait3A_556 = tpu.memref_slice %arg2[%dma_wait3A_551, %add3A_550, %dma_wait3A_555] : memref<4x2048x1024xf32, #tpu.memory_space<hbm>> -> memref<1x16x1024xf32, #tpu.memory_space<hbm>>
    %dma_wait3A_557 = tpu.memref_squeeze %dma_wait3A_556 : memref<1x16x1024xf32, #tpu.memory_space<hbm>> -> memref<16x1024xf32, #tpu.memory_space<hbm>>
    tpu.wait_dma2 semaphore(%arg11 : memref<!tpu.dma_semaphore, #tpu.memory_space<semaphore_mem>>) src(%dma_wait3A_557 : memref<16x1024xf32, #tpu.memory_space<hbm>>) dst(%arg8 : memref<16x1024xf32, #tpu.memory_space<vmem>>)
    %add3A_558 = arith.constant 0 : i32
    %add3A_559 = arith.addi %mul3A_2, %add3A_558 : i32
    %scan3A_560 = arith.constant 0 : i32
    %scan3A_561 = arith.constant 0 : i32
    %scan3A_562 = arith.constant 32 : i32
    %scan3A_563 = arith.addi %scan3A_561, %scan3A_562 : i32
    %scan3A_564 = arith.constant 1 : i32
    %scan3A_565 = scf.for %scan3A_720 = %scan3A_561 to %scan3A_563 step %scan3A_564 iter_args(%scan3A_721 = %scan3A_560) -> (i32)  : i32 {
      %mul3A_722 = arith.constant 32 : i32
      %mul3A_723 = arith.muli %scan3A_720, %mul3A_722 : i32
      %get3A = arith.constant 0 : i32
      %get3A_724 = arith.index_cast %get3A : i32 to index
      %get3A_725 = arith.index_cast %mul3A_723 : i32 to index
      %get3A_726 = tpu.vector_load %arg7[%get3A_724, %get3A_725] {strides = array<i32>} : memref<3x1024xf32, #tpu.memory_space<vmem>>, vector<16xf32>,
      %mul3A_727 = arith.constant 32 : i32
      %mul3A_728 = arith.muli %scan3A_720, %mul3A_727 : i32
      %add3A_729 = arith.constant 16 : i32
      %add3A_730 = arith.addi %mul3A_728, %add3A_729 : i32
      %get3A_731 = arith.constant 0 : i32
      %get3A_732 = arith.index_cast %get3A_731 : i32 to index
      %get3A_733 = arith.index_cast %add3A_730 : i32 to index
      %get3A_734 = tpu.vector_load %arg7[%get3A_732, %get3A_733] {strides = array<i32>} : memref<3x1024xf32, #tpu.memory_space<vmem>>, vector<16xf32>,
      %parallel_loop3A = arith.constant 0 : i32
      %parallel_loop3A_735 = arith.constant 16 : i32
      %parallel_loop3A_736 = arith.constant 1 : i32
      scf.for %parallel_loop3A_738 = %parallel_loop3A to %parallel_loop3A_735 step %parallel_loop3A_736  : i32 {
        %parallel_loop3A_739 = arith.constant 0 : i32
        %parallel_loop3A_740 = arith.addi %parallel_loop3A_739, %parallel_loop3A_738 : i32
        %parallel_loop3A_741 = arith.constant 16 : i32
        %parallel_loop3A_742 = arith.muli %scan3A_720, %parallel_loop3A_741 : i32
        %parallel_loop3A_743 = arith.index_cast %parallel_loop3A_740 : i32 to index
        %parallel_loop3A_744 = arith.index_cast %parallel_loop3A_742 : i32 to index
        %parallel_loop3A_745 = tpu.vector_load %arg6[%parallel_loop3A_743, %parallel_loop3A_744] {strides = array<i32>} : memref<64x512xi32, #tpu.memory_space<vmem>>, vector<16xi32>,
        %parallel_loop3A_746 = vector.bitcast %parallel_loop3A_745 : vector<16xi32> to vector<32xbf16>
        %parallel_loop3A_747 = tpu.unpack_subelements %parallel_loop3A_746, 0 {pack_format = #tpu.pack_format<interleaved>} : vector<32xbf16> -> vector<16xf32>
        %parallel_loop3A_748 = tpu.unpack_subelements %parallel_loop3A_746, 1 {pack_format = #tpu.pack_format<interleaved>} : vector<32xbf16> -> vector<16xf32>
        %parallel_loop3A_749 = arith.constant 32 : i32
        %parallel_loop3A_750 = arith.muli %scan3A_720, %parallel_loop3A_749 : i32
        %parallel_loop3A_751 = arith.addf %parallel_loop3A_747, %get3A_726 : vector<16xf32>
        %parallel_loop3A_752 = arith.index_cast %parallel_loop3A_738 : i32 to index
        %parallel_loop3A_753 = arith.index_cast %parallel_loop3A_750 : i32 to index
        %parallel_loop3A_754 = tpu.vector_load %arg8[%parallel_loop3A_752, %parallel_loop3A_753] {strides = array<i32>} : memref<16x1024xf32, #tpu.memory_space<vmem>>, vector<16xf32>,
        tpu.vector_store %arg8[%parallel_loop3A_752, %parallel_loop3A_753], %parallel_loop3A_751 {add = true, strides = array<i32>} : memref<16x1024xf32, #tpu.memory_space<vmem>>, vector<16xf32>,
        %parallel_loop3A_755 = arith.constant 32 : i32
        %parallel_loop3A_756 = arith.muli %scan3A_720, %parallel_loop3A_755 : i32
        %parallel_loop3A_757 = arith.constant 16 : i32
        %parallel_loop3A_758 = arith.addi %parallel_loop3A_756, %parallel_loop3A_757 : i32
        %parallel_loop3A_759 = arith.addf %parallel_loop3A_748, %get3A_734 : vector<16xf32>
        %parallel_loop3A_760 = arith.index_cast %parallel_loop3A_738 : i32 to index
        %parallel_loop3A_761 = arith.index_cast %parallel_loop3A_758 : i32 to index
        %parallel_loop3A_762 = tpu.vector_load %arg8[%parallel_loop3A_760, %parallel_loop3A_761] {strides = array<i32>} : memref<16x1024xf32, #tpu.memory_space<vmem>>, vector<16xf32>,
        tpu.vector_store %arg8[%parallel_loop3A_760, %parallel_loop3A_761], %parallel_loop3A_759 {add = true, strides = array<i32>} : memref<16x1024xf32, #tpu.memory_space<vmem>>, vector<16xf32>,
      } {sc.loop_unroll_factor = 4 : i64, sc.parallel_access}
      %scan3A_737 = arith.constant 0 : i32
      scf.yield %scan3A_737 : i32
    }
    %scan3A_566 = arith.constant 32 : i32
    %add3A_567 = arith.constant 0 : i32
    %add3A_568 = arith.addi %mul3A_2, %add3A_567 : i32
    %dma_start3A_569 = arith.constant 3 : i32
    %dma_start3A_570 = arith.constant 0 : i32
    %dma_start3A_571 = tpu.memref_slice %arg5[%dma_start3A_569, %add3A_568, %dma_start3A_570] : memref<4x2048x1024xf32, #tpu.memory_space<hbm>> -> memref<1x16x1024xf32, #tpu.memory_space<hbm>>
    %dma_start3A_572 = tpu.memref_squeeze %dma_start3A_571 : memref<1x16x1024xf32, #tpu.memory_space<hbm>> -> memref<16x1024xf32, #tpu.memory_space<hbm>>
    %dma_start3A_573 = arith.constant 0 : i32
    %dma_start3A_574 = tpu.memref_slice %arg5[%dma_start3A_569, %add3A_568, %dma_start3A_573] : memref<4x2048x1024xf32, #tpu.memory_space<hbm>> -> memref<1x16x1024xf32, #tpu.memory_space<hbm>>
    %dma_start3A_575 = tpu.memref_squeeze %dma_start3A_574 : memref<1x16x1024xf32, #tpu.memory_space<hbm>> -> memref<16x1024xf32, #tpu.memory_space<hbm>>
    tpu.enqueue_dma source(%arg8 : memref<16x1024xf32, #tpu.memory_space<vmem>>) target(%dma_start3A_575 : memref<16x1024xf32, #tpu.memory_space<hbm>>) target_semaphore(%arg14 : memref<!tpu.dma_semaphore, #tpu.memory_space<semaphore_mem>>)
    %add3A_576 = arith.constant 48 : i32
    %add3A_577 = arith.addi %mul3A_2, %add3A_576 : i32
    %dma_wait3A_578 = arith.constant 2 : i32
    %dma_wait3A_579 = arith.constant 0 : i32
    %dma_wait3A_580 = tpu.memref_slice %arg5[%dma_wait3A_578, %add3A_577, %dma_wait3A_579] : memref<4x2048x1024xf32, #tpu.memory_space<hbm>> -> memref<1x16x1024xf32, #tpu.memory_space<hbm>>
    %dma_wait3A_581 = tpu.memref_squeeze %dma_wait3A_580 : memref<1x16x1024xf32, #tpu.memory_space<hbm>> -> memref<16x1024xf32, #tpu.memory_space<hbm>>
    %dma_wait3A_582 = arith.constant 0 : i32
    %dma_wait3A_583 = tpu.memref_slice %arg5[%dma_wait3A_578, %add3A_577, %dma_wait3A_582] : memref<4x2048x1024xf32, #tpu.memory_space<hbm>> -> memref<1x16x1024xf32, #tpu.memory_space<hbm>>
    %dma_wait3A_584 = tpu.memref_squeeze %dma_wait3A_583 : memref<1x16x1024xf32, #tpu.memory_space<hbm>> -> memref<16x1024xf32, #tpu.memory_space<hbm>>
    tpu.wait_dma2 semaphore(%arg16 : memref<!tpu.dma_semaphore, #tpu.memory_space<semaphore_mem>>) src(%arg10 : memref<16x1024xf32, #tpu.memory_space<vmem>>) dst(%dma_wait3A_584 : memref<16x1024xf32, #tpu.memory_space<hbm>>)
    %add3A_585 = arith.constant 32 : i32
    %add3A_586 = arith.addi %mul3A_2, %add3A_585 : i32
    %dma_start3A_587 = arith.constant 3 : i32
    %dma_start3A_588 = arith.constant 0 : i32
    %dma_start3A_589 = tpu.memref_slice %arg2[%dma_start3A_587, %add3A_586, %dma_start3A_588] : memref<4x2048x1024xf32, #tpu.memory_space<hbm>> -> memref<1x16x1024xf32, #tpu.memory_space<hbm>>
    %dma_start3A_590 = tpu.memref_squeeze %dma_start3A_589 : memref<1x16x1024xf32, #tpu.memory_space<hbm>> -> memref<16x1024xf32, #tpu.memory_space<hbm>>
    %dma_start3A_591 = arith.constant 0 : i32
    %dma_start3A_592 = tpu.memref_slice %arg2[%dma_start3A_587, %add3A_586, %dma_start3A_591] : memref<4x2048x1024xf32, #tpu.memory_space<hbm>> -> memref<1x16x1024xf32, #tpu.memory_space<hbm>>
    %dma_start3A_593 = tpu.memref_squeeze %dma_start3A_592 : memref<1x16x1024xf32, #tpu.memory_space<hbm>> -> memref<16x1024xf32, #tpu.memory_space<hbm>>
    tpu.enqueue_dma source(%dma_start3A_593 : memref<16x1024xf32, #tpu.memory_space<hbm>>) target(%arg10 : memref<16x1024xf32, #tpu.memory_space<vmem>>) target_semaphore(%arg13 : memref<!tpu.dma_semaphore, #tpu.memory_space<semaphore_mem>>)
    %add3A_594 = arith.constant 16 : i32
    %add3A_595 = arith.addi %mul3A_2, %add3A_594 : i32
    %dma_wait3A_596 = arith.constant 3 : i32
    %dma_wait3A_597 = arith.constant 0 : i32
    %dma_wait3A_598 = tpu.memref_slice %arg2[%dma_wait3A_596, %add3A_595, %dma_wait3A_597] : memref<4x2048x1024xf32, #tpu.memory_space<hbm>> -> memref<1x16x1024xf32, #tpu.memory_space<hbm>>
    %dma_wait3A_599 = tpu.memref_squeeze %dma_wait3A_598 : memref<1x16x1024xf32, #tpu.memory_space<hbm>> -> memref<16x1024xf32, #tpu.memory_space<hbm>>
    %dma_wait3A_600 = arith.constant 0 : i32
    %dma_wait3A_601 = tpu.memref_slice %arg2[%dma_wait3A_596, %add3A_595, %dma_wait3A_600] : memref<4x2048x1024xf32, #tpu.memory_space<hbm>> -> memref<1x16x1024xf32, #tpu.memory_space<hbm>>
    %dma_wait3A_602 = tpu.memref_squeeze %dma_wait3A_601 : memref<1x16x1024xf32, #tpu.memory_space<hbm>> -> memref<16x1024xf32, #tpu.memory_space<hbm>>
    tpu.wait_dma2 semaphore(%arg12 : memref<!tpu.dma_semaphore, #tpu.memory_space<semaphore_mem>>) src(%dma_wait3A_602 : memref<16x1024xf32, #tpu.memory_space<hbm>>) dst(%arg9 : memref<16x1024xf32, #tpu.memory_space<vmem>>)
    %add3A_603 = arith.constant 16 : i32
    %add3A_604 = arith.addi %mul3A_2, %add3A_603 : i32
    %scan3A_605 = arith.constant 0 : i32
    %scan3A_606 = arith.constant 0 : i32
    %scan3A_607 = arith.constant 32 : i32
    %scan3A_608 = arith.addi %scan3A_606, %scan3A_607 : i32
    %scan3A_609 = arith.constant 1 : i32
    %scan3A_610 = scf.for %scan3A_720 = %scan3A_606 to %scan3A_608 step %scan3A_609 iter_args(%scan3A_721 = %scan3A_605) -> (i32)  : i32 {
      %mul3A_722 = arith.constant 32 : i32
      %mul3A_723 = arith.muli %scan3A_720, %mul3A_722 : i32
      %get3A = arith.constant 0 : i32
      %get3A_724 = arith.index_cast %get3A : i32 to index
      %get3A_725 = arith.index_cast %mul3A_723 : i32 to index
      %get3A_726 = tpu.vector_load %arg7[%get3A_724, %get3A_725] {strides = array<i32>} : memref<3x1024xf32, #tpu.memory_space<vmem>>, vector<16xf32>,
      %mul3A_727 = arith.constant 32 : i32
      %mul3A_728 = arith.muli %scan3A_720, %mul3A_727 : i32
      %add3A_729 = arith.constant 16 : i32
      %add3A_730 = arith.addi %mul3A_728, %add3A_729 : i32
      %get3A_731 = arith.constant 0 : i32
      %get3A_732 = arith.index_cast %get3A_731 : i32 to index
      %get3A_733 = arith.index_cast %add3A_730 : i32 to index
      %get3A_734 = tpu.vector_load %arg7[%get3A_732, %get3A_733] {strides = array<i32>} : memref<3x1024xf32, #tpu.memory_space<vmem>>, vector<16xf32>,
      %parallel_loop3A = arith.constant 0 : i32
      %parallel_loop3A_735 = arith.constant 16 : i32
      %parallel_loop3A_736 = arith.constant 1 : i32
      scf.for %parallel_loop3A_738 = %parallel_loop3A to %parallel_loop3A_735 step %parallel_loop3A_736  : i32 {
        %parallel_loop3A_739 = arith.constant 16 : i32
        %parallel_loop3A_740 = arith.addi %parallel_loop3A_739, %parallel_loop3A_738 : i32
        %parallel_loop3A_741 = arith.constant 16 : i32
        %parallel_loop3A_742 = arith.muli %scan3A_720, %parallel_loop3A_741 : i32
        %parallel_loop3A_743 = arith.index_cast %parallel_loop3A_740 : i32 to index
        %parallel_loop3A_744 = arith.index_cast %parallel_loop3A_742 : i32 to index
        %parallel_loop3A_745 = tpu.vector_load %arg6[%parallel_loop3A_743, %parallel_loop3A_744] {strides = array<i32>} : memref<64x512xi32, #tpu.memory_space<vmem>>, vector<16xi32>,
        %parallel_loop3A_746 = vector.bitcast %parallel_loop3A_745 : vector<16xi32> to vector<32xbf16>
        %parallel_loop3A_747 = tpu.unpack_subelements %parallel_loop3A_746, 0 {pack_format = #tpu.pack_format<interleaved>} : vector<32xbf16> -> vector<16xf32>
        %parallel_loop3A_748 = tpu.unpack_subelements %parallel_loop3A_746, 1 {pack_format = #tpu.pack_format<interleaved>} : vector<32xbf16> -> vector<16xf32>
        %parallel_loop3A_749 = arith.constant 32 : i32
        %parallel_loop3A_750 = arith.muli %scan3A_720, %parallel_loop3A_749 : i32
        %parallel_loop3A_751 = arith.addf %parallel_loop3A_747, %get3A_726 : vector<16xf32>
        %parallel_loop3A_752 = arith.index_cast %parallel_loop3A_738 : i32 to index
        %parallel_loop3A_753 = arith.index_cast %parallel_loop3A_750 : i32 to index
        %parallel_loop3A_754 = tpu.vector_load %arg9[%parallel_loop3A_752, %parallel_loop3A_753] {strides = array<i32>} : memref<16x1024xf32, #tpu.memory_space<vmem>>, vector<16xf32>,
        tpu.vector_store %arg9[%parallel_loop3A_752, %parallel_loop3A_753], %parallel_loop3A_751 {add = true, strides = array<i32>} : memref<16x1024xf32, #tpu.memory_space<vmem>>, vector<16xf32>,
        %parallel_loop3A_755 = arith.constant 32 : i32
        %parallel_loop3A_756 = arith.muli %scan3A_720, %parallel_loop3A_755 : i32
        %parallel_loop3A_757 = arith.constant 16 : i32
        %parallel_loop3A_758 = arith.addi %parallel_loop3A_756, %parallel_loop3A_757 : i32
        %parallel_loop3A_759 = arith.addf %parallel_loop3A_748, %get3A_734 : vector<16xf32>
        %parallel_loop3A_760 = arith.index_cast %parallel_loop3A_738 : i32 to index
        %parallel_loop3A_761 = arith.index_cast %parallel_loop3A_758 : i32 to index
        %parallel_loop3A_762 = tpu.vector_load %arg9[%parallel_loop3A_760, %parallel_loop3A_761] {strides = array<i32>} : memref<16x1024xf32, #tpu.memory_space<vmem>>, vector<16xf32>,
        tpu.vector_store %arg9[%parallel_loop3A_760, %parallel_loop3A_761], %parallel_loop3A_759 {add = true, strides = array<i32>} : memref<16x1024xf32, #tpu.memory_space<vmem>>, vector<16xf32>,
      } {sc.loop_unroll_factor = 4 : i64, sc.parallel_access}
      %scan3A_737 = arith.constant 0 : i32
      scf.yield %scan3A_737 : i32
    }
    %scan3A_611 = arith.constant 32 : i32
    %add3A_612 = arith.constant 16 : i32
    %add3A_613 = arith.addi %mul3A_2, %add3A_612 : i32
    %dma_start3A_614 = arith.constant 3 : i32
    %dma_start3A_615 = arith.constant 0 : i32
    %dma_start3A_616 = tpu.memref_slice %arg5[%dma_start3A_614, %add3A_613, %dma_start3A_615] : memref<4x2048x1024xf32, #tpu.memory_space<hbm>> -> memref<1x16x1024xf32, #tpu.memory_space<hbm>>
    %dma_start3A_617 = tpu.memref_squeeze %dma_start3A_616 : memref<1x16x1024xf32, #tpu.memory_space<hbm>> -> memref<16x1024xf32, #tpu.memory_space<hbm>>
    %dma_start3A_618 = arith.constant 0 : i32
    %dma_start3A_619 = tpu.memref_slice %arg5[%dma_start3A_614, %add3A_613, %dma_start3A_618] : memref<4x2048x1024xf32, #tpu.memory_space<hbm>> -> memref<1x16x1024xf32, #tpu.memory_space<hbm>>
    %dma_start3A_620 = tpu.memref_squeeze %dma_start3A_619 : memref<1x16x1024xf32, #tpu.memory_space<hbm>> -> memref<16x1024xf32, #tpu.memory_space<hbm>>
    tpu.enqueue_dma source(%arg9 : memref<16x1024xf32, #tpu.memory_space<vmem>>) target(%dma_start3A_620 : memref<16x1024xf32, #tpu.memory_space<hbm>>) target_semaphore(%arg15 : memref<!tpu.dma_semaphore, #tpu.memory_space<semaphore_mem>>)
    %add3A_621 = arith.constant 0 : i32
    %add3A_622 = arith.addi %mul3A_2, %add3A_621 : i32
    %dma_wait3A_623 = arith.constant 3 : i32
    %dma_wait3A_624 = arith.constant 0 : i32
    %dma_wait3A_625 = tpu.memref_slice %arg5[%dma_wait3A_623, %add3A_622, %dma_wait3A_624] : memref<4x2048x1024xf32, #tpu.memory_space<hbm>> -> memref<1x16x1024xf32, #tpu.memory_space<hbm>>
    %dma_wait3A_626 = tpu.memref_squeeze %dma_wait3A_625 : memref<1x16x1024xf32, #tpu.memory_space<hbm>> -> memref<16x1024xf32, #tpu.memory_space<hbm>>
    %dma_wait3A_627 = arith.constant 0 : i32
    %dma_wait3A_628 = tpu.memref_slice %arg5[%dma_wait3A_623, %add3A_622, %dma_wait3A_627] : memref<4x2048x1024xf32, #tpu.memory_space<hbm>> -> memref<1x16x1024xf32, #tpu.memory_space<hbm>>
    %dma_wait3A_629 = tpu.memref_squeeze %dma_wait3A_628 : memref<1x16x1024xf32, #tpu.memory_space<hbm>> -> memref<16x1024xf32, #tpu.memory_space<hbm>>
    tpu.wait_dma2 semaphore(%arg14 : memref<!tpu.dma_semaphore, #tpu.memory_space<semaphore_mem>>) src(%arg8 : memref<16x1024xf32, #tpu.memory_space<vmem>>) dst(%dma_wait3A_629 : memref<16x1024xf32, #tpu.memory_space<hbm>>)
    %add3A_630 = arith.constant 48 : i32
    %add3A_631 = arith.addi %mul3A_2, %add3A_630 : i32
    %dma_start3A_632 = arith.constant 3 : i32
    %dma_start3A_633 = arith.constant 0 : i32
    %dma_start3A_634 = tpu.memref_slice %arg2[%dma_start3A_632, %add3A_631, %dma_start3A_633] : memref<4x2048x1024xf32, #tpu.memory_space<hbm>> -> memref<1x16x1024xf32, #tpu.memory_space<hbm>>
    %dma_start3A_635 = tpu.memref_squeeze %dma_start3A_634 : memref<1x16x1024xf32, #tpu.memory_space<hbm>> -> memref<16x1024xf32, #tpu.memory_space<hbm>>
    %dma_start3A_636 = arith.constant 0 : i32
    %dma_start3A_637 = tpu.memref_slice %arg2[%dma_start3A_632, %add3A_631, %dma_start3A_636] : memref<4x2048x1024xf32, #tpu.memory_space<hbm>> -> memref<1x16x1024xf32, #tpu.memory_space<hbm>>
    %dma_start3A_638 = tpu.memref_squeeze %dma_start3A_637 : memref<1x16x1024xf32, #tpu.memory_space<hbm>> -> memref<16x1024xf32, #tpu.memory_space<hbm>>
    tpu.enqueue_dma source(%dma_start3A_638 : memref<16x1024xf32, #tpu.memory_space<hbm>>) target(%arg8 : memref<16x1024xf32, #tpu.memory_space<vmem>>) target_semaphore(%arg11 : memref<!tpu.dma_semaphore, #tpu.memory_space<semaphore_mem>>)
    %add3A_639 = arith.constant 32 : i32
    %add3A_640 = arith.addi %mul3A_2, %add3A_639 : i32
    %dma_wait3A_641 = arith.constant 3 : i32
    %dma_wait3A_642 = arith.constant 0 : i32
    %dma_wait3A_643 = tpu.memref_slice %arg2[%dma_wait3A_641, %add3A_640, %dma_wait3A_642] : memref<4x2048x1024xf32, #tpu.memory_space<hbm>> -> memref<1x16x1024xf32, #tpu.memory_space<hbm>>
    %dma_wait3A_644 = tpu.memref_squeeze %dma_wait3A_643 : memref<1x16x1024xf32, #tpu.memory_space<hbm>> -> memref<16x1024xf32, #tpu.memory_space<hbm>>
    %dma_wait3A_645 = arith.constant 0 : i32
    %dma_wait3A_646 = tpu.memref_slice %arg2[%dma_wait3A_641, %add3A_640, %dma_wait3A_645] : memref<4x2048x1024xf32, #tpu.memory_space<hbm>> -> memref<1x16x1024xf32, #tpu.memory_space<hbm>>
    %dma_wait3A_647 = tpu.memref_squeeze %dma_wait3A_646 : memref<1x16x1024xf32, #tpu.memory_space<hbm>> -> memref<16x1024xf32, #tpu.memory_space<hbm>>
    tpu.wait_dma2 semaphore(%arg13 : memref<!tpu.dma_semaphore, #tpu.memory_space<semaphore_mem>>) src(%dma_wait3A_647 : memref<16x1024xf32, #tpu.memory_space<hbm>>) dst(%arg10 : memref<16x1024xf32, #tpu.memory_space<vmem>>)
    %add3A_648 = arith.constant 32 : i32
    %add3A_649 = arith.addi %mul3A_2, %add3A_648 : i32
    %scan3A_650 = arith.constant 0 : i32
    %scan3A_651 = arith.constant 0 : i32
    %scan3A_652 = arith.constant 32 : i32
    %scan3A_653 = arith.addi %scan3A_651, %scan3A_652 : i32
    %scan3A_654 = arith.constant 1 : i32
    %scan3A_655 = scf.for %scan3A_720 = %scan3A_651 to %scan3A_653 step %scan3A_654 iter_args(%scan3A_721 = %scan3A_650) -> (i32)  : i32 {
      %mul3A_722 = arith.constant 32 : i32
      %mul3A_723 = arith.muli %scan3A_720, %mul3A_722 : i32
      %get3A = arith.constant 0 : i32
      %get3A_724 = arith.index_cast %get3A : i32 to index
      %get3A_725 = arith.index_cast %mul3A_723 : i32 to index
      %get3A_726 = tpu.vector_load %arg7[%get3A_724, %get3A_725] {strides = array<i32>} : memref<3x1024xf32, #tpu.memory_space<vmem>>, vector<16xf32>,
      %mul3A_727 = arith.constant 32 : i32
      %mul3A_728 = arith.muli %scan3A_720, %mul3A_727 : i32
      %add3A_729 = arith.constant 16 : i32
      %add3A_730 = arith.addi %mul3A_728, %add3A_729 : i32
      %get3A_731 = arith.constant 0 : i32
      %get3A_732 = arith.index_cast %get3A_731 : i32 to index
      %get3A_733 = arith.index_cast %add3A_730 : i32 to index
      %get3A_734 = tpu.vector_load %arg7[%get3A_732, %get3A_733] {strides = array<i32>} : memref<3x1024xf32, #tpu.memory_space<vmem>>, vector<16xf32>,
      %parallel_loop3A = arith.constant 0 : i32
      %parallel_loop3A_735 = arith.constant 16 : i32
      %parallel_loop3A_736 = arith.constant 1 : i32
      scf.for %parallel_loop3A_738 = %parallel_loop3A to %parallel_loop3A_735 step %parallel_loop3A_736  : i32 {
        %parallel_loop3A_739 = arith.constant 32 : i32
        %parallel_loop3A_740 = arith.addi %parallel_loop3A_739, %parallel_loop3A_738 : i32
        %parallel_loop3A_741 = arith.constant 16 : i32
        %parallel_loop3A_742 = arith.muli %scan3A_720, %parallel_loop3A_741 : i32
        %parallel_loop3A_743 = arith.index_cast %parallel_loop3A_740 : i32 to index
        %parallel_loop3A_744 = arith.index_cast %parallel_loop3A_742 : i32 to index
        %parallel_loop3A_745 = tpu.vector_load %arg6[%parallel_loop3A_743, %parallel_loop3A_744] {strides = array<i32>} : memref<64x512xi32, #tpu.memory_space<vmem>>, vector<16xi32>,
        %parallel_loop3A_746 = vector.bitcast %parallel_loop3A_745 : vector<16xi32> to vector<32xbf16>
        %parallel_loop3A_747 = tpu.unpack_subelements %parallel_loop3A_746, 0 {pack_format = #tpu.pack_format<interleaved>} : vector<32xbf16> -> vector<16xf32>
        %parallel_loop3A_748 = tpu.unpack_subelements %parallel_loop3A_746, 1 {pack_format = #tpu.pack_format<interleaved>} : vector<32xbf16> -> vector<16xf32>
        %parallel_loop3A_749 = arith.constant 32 : i32
        %parallel_loop3A_750 = arith.muli %scan3A_720, %parallel_loop3A_749 : i32
        %parallel_loop3A_751 = arith.addf %parallel_loop3A_747, %get3A_726 : vector<16xf32>
        %parallel_loop3A_752 = arith.index_cast %parallel_loop3A_738 : i32 to index
        %parallel_loop3A_753 = arith.index_cast %parallel_loop3A_750 : i32 to index
        %parallel_loop3A_754 = tpu.vector_load %arg10[%parallel_loop3A_752, %parallel_loop3A_753] {strides = array<i32>} : memref<16x1024xf32, #tpu.memory_space<vmem>>, vector<16xf32>,
        tpu.vector_store %arg10[%parallel_loop3A_752, %parallel_loop3A_753], %parallel_loop3A_751 {add = true, strides = array<i32>} : memref<16x1024xf32, #tpu.memory_space<vmem>>, vector<16xf32>,
        %parallel_loop3A_755 = arith.constant 32 : i32
        %parallel_loop3A_756 = arith.muli %scan3A_720, %parallel_loop3A_755 : i32
        %parallel_loop3A_757 = arith.constant 16 : i32
        %parallel_loop3A_758 = arith.addi %parallel_loop3A_756, %parallel_loop3A_757 : i32
        %parallel_loop3A_759 = arith.addf %parallel_loop3A_748, %get3A_734 : vector<16xf32>
        %parallel_loop3A_760 = arith.index_cast %parallel_loop3A_738 : i32 to index
        %parallel_loop3A_761 = arith.index_cast %parallel_loop3A_758 : i32 to index
        %parallel_loop3A_762 = tpu.vector_load %arg10[%parallel_loop3A_760, %parallel_loop3A_761] {strides = array<i32>} : memref<16x1024xf32, #tpu.memory_space<vmem>>, vector<16xf32>,
        tpu.vector_store %arg10[%parallel_loop3A_760, %parallel_loop3A_761], %parallel_loop3A_759 {add = true, strides = array<i32>} : memref<16x1024xf32, #tpu.memory_space<vmem>>, vector<16xf32>,
      } {sc.loop_unroll_factor = 4 : i64, sc.parallel_access}
      %scan3A_737 = arith.constant 0 : i32
      scf.yield %scan3A_737 : i32
    }
    %scan3A_656 = arith.constant 32 : i32
    %add3A_657 = arith.constant 32 : i32
    %add3A_658 = arith.addi %mul3A_2, %add3A_657 : i32
    %dma_start3A_659 = arith.constant 3 : i32
    %dma_start3A_660 = arith.constant 0 : i32
    %dma_start3A_661 = tpu.memref_slice %arg5[%dma_start3A_659, %add3A_658, %dma_start3A_660] : memref<4x2048x1024xf32, #tpu.memory_space<hbm>> -> memref<1x16x1024xf32, #tpu.memory_space<hbm>>
    %dma_start3A_662 = tpu.memref_squeeze %dma_start3A_661 : memref<1x16x1024xf32, #tpu.memory_space<hbm>> -> memref<16x1024xf32, #tpu.memory_space<hbm>>
    %dma_start3A_663 = arith.constant 0 : i32
    %dma_start3A_664 = tpu.memref_slice %arg5[%dma_start3A_659, %add3A_658, %dma_start3A_663] : memref<4x2048x1024xf32, #tpu.memory_space<hbm>> -> memref<1x16x1024xf32, #tpu.memory_space<hbm>>
    %dma_start3A_665 = tpu.memref_squeeze %dma_start3A_664 : memref<1x16x1024xf32, #tpu.memory_space<hbm>> -> memref<16x1024xf32, #tpu.memory_space<hbm>>
    tpu.enqueue_dma source(%arg10 : memref<16x1024xf32, #tpu.memory_space<vmem>>) target(%dma_start3A_665 : memref<16x1024xf32, #tpu.memory_space<hbm>>) target_semaphore(%arg16 : memref<!tpu.dma_semaphore, #tpu.memory_space<semaphore_mem>>)
    %add3A_666 = arith.constant 48 : i32
    %add3A_667 = arith.addi %mul3A_2, %add3A_666 : i32
    %dma_wait3A_668 = arith.constant 3 : i32
    %dma_wait3A_669 = arith.constant 0 : i32
    %dma_wait3A_670 = tpu.memref_slice %arg2[%dma_wait3A_668, %add3A_667, %dma_wait3A_669] : memref<4x2048x1024xf32, #tpu.memory_space<hbm>> -> memref<1x16x1024xf32, #tpu.memory_space<hbm>>
    %dma_wait3A_671 = tpu.memref_squeeze %dma_wait3A_670 : memref<1x16x1024xf32, #tpu.memory_space<hbm>> -> memref<16x1024xf32, #tpu.memory_space<hbm>>
    %dma_wait3A_672 = arith.constant 0 : i32
    %dma_wait3A_673 = tpu.memref_slice %arg2[%dma_wait3A_668, %add3A_667, %dma_wait3A_672] : memref<4x2048x1024xf32, #tpu.memory_space<hbm>> -> memref<1x16x1024xf32, #tpu.memory_space<hbm>>
    %dma_wait3A_674 = tpu.memref_squeeze %dma_wait3A_673 : memref<1x16x1024xf32, #tpu.memory_space<hbm>> -> memref<16x1024xf32, #tpu.memory_space<hbm>>
    tpu.wait_dma2 semaphore(%arg11 : memref<!tpu.dma_semaphore, #tpu.memory_space<semaphore_mem>>) src(%dma_wait3A_674 : memref<16x1024xf32, #tpu.memory_space<hbm>>) dst(%arg8 : memref<16x1024xf32, #tpu.memory_space<vmem>>)
    %add3A_675 = arith.constant 48 : i32
    %add3A_676 = arith.addi %mul3A_2, %add3A_675 : i32
    %scan3A_677 = arith.constant 0 : i32
    %scan3A_678 = arith.constant 0 : i32
    %scan3A_679 = arith.constant 32 : i32
    %scan3A_680 = arith.addi %scan3A_678, %scan3A_679 : i32
    %scan3A_681 = arith.constant 1 : i32
    %scan3A_682 = scf.for %scan3A_720 = %scan3A_678 to %scan3A_680 step %scan3A_681 iter_args(%scan3A_721 = %scan3A_677) -> (i32)  : i32 {
      %mul3A_722 = arith.constant 32 : i32
      %mul3A_723 = arith.muli %scan3A_720, %mul3A_722 : i32
      %get3A = arith.constant 0 : i32
      %get3A_724 = arith.index_cast %get3A : i32 to index
      %get3A_725 = arith.index_cast %mul3A_723 : i32 to index
      %get3A_726 = tpu.vector_load %arg7[%get3A_724, %get3A_725] {strides = array<i32>} : memref<3x1024xf32, #tpu.memory_space<vmem>>, vector<16xf32>,
      %mul3A_727 = arith.constant 32 : i32
      %mul3A_728 = arith.muli %scan3A_720, %mul3A_727 : i32
      %add3A_729 = arith.constant 16 : i32
      %add3A_730 = arith.addi %mul3A_728, %add3A_729 : i32
      %get3A_731 = arith.constant 0 : i32
      %get3A_732 = arith.index_cast %get3A_731 : i32 to index
      %get3A_733 = arith.index_cast %add3A_730 : i32 to index
      %get3A_734 = tpu.vector_load %arg7[%get3A_732, %get3A_733] {strides = array<i32>} : memref<3x1024xf32, #tpu.memory_space<vmem>>, vector<16xf32>,
      %parallel_loop3A = arith.constant 0 : i32
      %parallel_loop3A_735 = arith.constant 16 : i32
      %parallel_loop3A_736 = arith.constant 1 : i32
      scf.for %parallel_loop3A_738 = %parallel_loop3A to %parallel_loop3A_735 step %parallel_loop3A_736  : i32 {
        %parallel_loop3A_739 = arith.constant 48 : i32
        %parallel_loop3A_740 = arith.addi %parallel_loop3A_739, %parallel_loop3A_738 : i32
        %parallel_loop3A_741 = arith.constant 16 : i32
        %parallel_loop3A_742 = arith.muli %scan3A_720, %parallel_loop3A_741 : i32
        %parallel_loop3A_743 = arith.index_cast %parallel_loop3A_740 : i32 to index
        %parallel_loop3A_744 = arith.index_cast %parallel_loop3A_742 : i32 to index
        %parallel_loop3A_745 = tpu.vector_load %arg6[%parallel_loop3A_743, %parallel_loop3A_744] {strides = array<i32>} : memref<64x512xi32, #tpu.memory_space<vmem>>, vector<16xi32>,
        %parallel_loop3A_746 = vector.bitcast %parallel_loop3A_745 : vector<16xi32> to vector<32xbf16>
        %parallel_loop3A_747 = tpu.unpack_subelements %parallel_loop3A_746, 0 {pack_format = #tpu.pack_format<interleaved>} : vector<32xbf16> -> vector<16xf32>
        %parallel_loop3A_748 = tpu.unpack_subelements %parallel_loop3A_746, 1 {pack_format = #tpu.pack_format<interleaved>} : vector<32xbf16> -> vector<16xf32>
        %parallel_loop3A_749 = arith.constant 32 : i32
        %parallel_loop3A_750 = arith.muli %scan3A_720, %parallel_loop3A_749 : i32
        %parallel_loop3A_751 = arith.addf %parallel_loop3A_747, %get3A_726 : vector<16xf32>
        %parallel_loop3A_752 = arith.index_cast %parallel_loop3A_738 : i32 to index
        %parallel_loop3A_753 = arith.index_cast %parallel_loop3A_750 : i32 to index
        %parallel_loop3A_754 = tpu.vector_load %arg8[%parallel_loop3A_752, %parallel_loop3A_753] {strides = array<i32>} : memref<16x1024xf32, #tpu.memory_space<vmem>>, vector<16xf32>,
        tpu.vector_store %arg8[%parallel_loop3A_752, %parallel_loop3A_753], %parallel_loop3A_751 {add = true, strides = array<i32>} : memref<16x1024xf32, #tpu.memory_space<vmem>>, vector<16xf32>,
        %parallel_loop3A_755 = arith.constant 32 : i32
        %parallel_loop3A_756 = arith.muli %scan3A_720, %parallel_loop3A_755 : i32
        %parallel_loop3A_757 = arith.constant 16 : i32
        %parallel_loop3A_758 = arith.addi %parallel_loop3A_756, %parallel_loop3A_757 : i32
        %parallel_loop3A_759 = arith.addf %parallel_loop3A_748, %get3A_734 : vector<16xf32>
        %parallel_loop3A_760 = arith.index_cast %parallel_loop3A_738 : i32 to index
        %parallel_loop3A_761 = arith.index_cast %parallel_loop3A_758 : i32 to index
        %parallel_loop3A_762 = tpu.vector_load %arg8[%parallel_loop3A_760, %parallel_loop3A_761] {strides = array<i32>} : memref<16x1024xf32, #tpu.memory_space<vmem>>, vector<16xf32>,
        tpu.vector_store %arg8[%parallel_loop3A_760, %parallel_loop3A_761], %parallel_loop3A_759 {add = true, strides = array<i32>} : memref<16x1024xf32, #tpu.memory_space<vmem>>, vector<16xf32>,
      } {sc.loop_unroll_factor = 4 : i64, sc.parallel_access}
      %scan3A_737 = arith.constant 0 : i32
      scf.yield %scan3A_737 : i32
    }
    %scan3A_683 = arith.constant 32 : i32
    %add3A_684 = arith.constant 48 : i32
    %add3A_685 = arith.addi %mul3A_2, %add3A_684 : i32
    %dma_start3A_686 = arith.constant 3 : i32
    %dma_start3A_687 = arith.constant 0 : i32
    %dma_start3A_688 = tpu.memref_slice %arg5[%dma_start3A_686, %add3A_685, %dma_start3A_687] : memref<4x2048x1024xf32, #tpu.memory_space<hbm>> -> memref<1x16x1024xf32, #tpu.memory_space<hbm>>
    %dma_start3A_689 = tpu.memref_squeeze %dma_start3A_688 : memref<1x16x1024xf32, #tpu.memory_space<hbm>> -> memref<16x1024xf32, #tpu.memory_space<hbm>>
    %dma_start3A_690 = arith.constant 0 : i32
    %dma_start3A_691 = tpu.memref_slice %arg5[%dma_start3A_686, %add3A_685, %dma_start3A_690] : memref<4x2048x1024xf32, #tpu.memory_space<hbm>> -> memref<1x16x1024xf32, #tpu.memory_space<hbm>>
    %dma_start3A_692 = tpu.memref_squeeze %dma_start3A_691 : memref<1x16x1024xf32, #tpu.memory_space<hbm>> -> memref<16x1024xf32, #tpu.memory_space<hbm>>
    tpu.enqueue_dma source(%arg8 : memref<16x1024xf32, #tpu.memory_space<vmem>>) target(%dma_start3A_692 : memref<16x1024xf32, #tpu.memory_space<hbm>>) target_semaphore(%arg14 : memref<!tpu.dma_semaphore, #tpu.memory_space<semaphore_mem>>)
    %add3A_693 = arith.constant 16 : i32
    %add3A_694 = arith.addi %mul3A_2, %add3A_693 : i32
    %dma_wait3A_695 = arith.constant 3 : i32
    %dma_wait3A_696 = arith.constant 0 : i32
    %dma_wait3A_697 = tpu.memref_slice %arg5[%dma_wait3A_695, %add3A_694, %dma_wait3A_696] : memref<4x2048x1024xf32, #tpu.memory_space<hbm>> -> memref<1x16x1024xf32, #tpu.memory_space<hbm>>
    %dma_wait3A_698 = tpu.memref_squeeze %dma_wait3A_697 : memref<1x16x1024xf32, #tpu.memory_space<hbm>> -> memref<16x1024xf32, #tpu.memory_space<hbm>>
    %dma_wait3A_699 = arith.constant 0 : i32
    %dma_wait3A_700 = tpu.memref_slice %arg5[%dma_wait3A_695, %add3A_694, %dma_wait3A_699] : memref<4x2048x1024xf32, #tpu.memory_space<hbm>> -> memref<1x16x1024xf32, #tpu.memory_space<hbm>>
    %dma_wait3A_701 = tpu.memref_squeeze %dma_wait3A_700 : memref<1x16x1024xf32, #tpu.memory_space<hbm>> -> memref<16x1024xf32, #tpu.memory_space<hbm>>
    tpu.wait_dma2 semaphore(%arg15 : memref<!tpu.dma_semaphore, #tpu.memory_space<semaphore_mem>>) src(%arg9 : memref<16x1024xf32, #tpu.memory_space<vmem>>) dst(%dma_wait3A_701 : memref<16x1024xf32, #tpu.memory_space<hbm>>)
    %add3A_702 = arith.constant 32 : i32
    %add3A_703 = arith.addi %mul3A_2, %add3A_702 : i32
    %dma_wait3A_704 = arith.constant 3 : i32
    %dma_wait3A_705 = arith.constant 0 : i32
    %dma_wait3A_706 = tpu.memref_slice %arg5[%dma_wait3A_704, %add3A_703, %dma_wait3A_705] : memref<4x2048x1024xf32, #tpu.memory_space<hbm>> -> memref<1x16x1024xf32, #tpu.memory_space<hbm>>
    %dma_wait3A_707 = tpu.memref_squeeze %dma_wait3A_706 : memref<1x16x1024xf32, #tpu.memory_space<hbm>> -> memref<16x1024xf32, #tpu.memory_space<hbm>>
    %dma_wait3A_708 = arith.constant 0 : i32
    %dma_wait3A_709 = tpu.memref_slice %arg5[%dma_wait3A_704, %add3A_703, %dma_wait3A_708] : memref<4x2048x1024xf32, #tpu.memory_space<hbm>> -> memref<1x16x1024xf32, #tpu.memory_space<hbm>>
    %dma_wait3A_710 = tpu.memref_squeeze %dma_wait3A_709 : memref<1x16x1024xf32, #tpu.memory_space<hbm>> -> memref<16x1024xf32, #tpu.memory_space<hbm>>
    tpu.wait_dma2 semaphore(%arg16 : memref<!tpu.dma_semaphore, #tpu.memory_space<semaphore_mem>>) src(%arg10 : memref<16x1024xf32, #tpu.memory_space<vmem>>) dst(%dma_wait3A_710 : memref<16x1024xf32, #tpu.memory_space<hbm>>)
    %add3A_711 = arith.constant 48 : i32
    %add3A_712 = arith.addi %mul3A_2, %add3A_711 : i32
    %dma_wait3A_713 = arith.constant 3 : i32
    %dma_wait3A_714 = arith.constant 0 : i32
    %dma_wait3A_715 = tpu.memref_slice %arg5[%dma_wait3A_713, %add3A_712, %dma_wait3A_714] : memref<4x2048x1024xf32, #tpu.memory_space<hbm>> -> memref<1x16x1024xf32, #tpu.memory_space<hbm>>
    %dma_wait3A_716 = tpu.memref_squeeze %dma_wait3A_715 : memref<1x16x1024xf32, #tpu.memory_space<hbm>> -> memref<16x1024xf32, #tpu.memory_space<hbm>>
    %dma_wait3A_717 = arith.constant 0 : i32
    %dma_wait3A_718 = tpu.memref_slice %arg5[%dma_wait3A_713, %add3A_712, %dma_wait3A_717] : memref<4x2048x1024xf32, #tpu.memory_space<hbm>> -> memref<1x16x1024xf32, #tpu.memory_space<hbm>>
    %dma_wait3A_719 = tpu.memref_squeeze %dma_wait3A_718 : memref<1x16x1024xf32, #tpu.memory_space<hbm>> -> memref<16x1024xf32, #tpu.memory_space<hbm>>
    tpu.wait_dma2 semaphore(%arg14 : memref<!tpu.dma_semaphore, #tpu.memory_space<semaphore_mem>>) src(%arg8 : memref<16x1024xf32, #tpu.memory_space<vmem>>) dst(%dma_wait3A_719 : memref<16x1024xf32, #tpu.memory_space<hbm>>)
    return
  }
}

module attributes {stable_mosaic.version = 14 : i64} {
  func.func @_tc_body(%arg0: i32, %arg1: memref<4x256x1024xf32, #tpu.memory_space<vmem>>, %arg2: memref<4x256x1024xf32, #tpu.memory_space<vmem>>, %arg3: memref<256x1024xbf16, #tpu.memory_space<vmem>>, %arg4: memref<3x1024xf32, #tpu.memory_space<vmem>>, %arg5: memref<4x256x1024xf32, #tpu.memory_space<vmem>>, %arg6: memref<4x256x1024xf32, #tpu.memory_space<vmem>>) attributes {dimension_semantics = [#tpu.dimension_semantics<arbitrary>], iteration_bounds = array<i64: 8>, scalar_prefetch = 0 : i64, scratch_operands = 0 : i64, tpu.core_type = #tpu.core_type<tc>, window_params = [{transform_indices = @transform_0, window_bounds = array<i64: 4, 256, 1024>}, {transform_indices = @transform_1, window_bounds = array<i64: 4, 256, 1024>}, {transform_indices = @transform_2, window_bounds = array<i64: 256, 1024>}, {pipeline_mode = #tpu.pipeline_mode<synchronous>, transform_indices = @transform_3, window_bounds = array<i64: 3, 1024>}, {transform_indices = @transform_4, window_bounds = array<i64: 4, 256, 1024>}, {transform_indices = @transform_5, window_bounds = array<i64: 4, 256, 1024>}]} {
    %get3A = arith.constant 0 : index
    %get3A_0 = arith.constant 0 : index
    %get3A_1 = vector.load %arg3[%get3A, %get3A_0] : memref<256x1024xbf16, #tpu.memory_space<vmem>>, vector<256x1024xbf16>
    %convert_element_type3A = arith.extf %get3A_1 : vector<256x1024xbf16> to vector<256x1024xf32>
    %get3A_2 = arith.constant 0 : index
    %get3A_3 = arith.constant 0 : index
    %get3A_4 = arith.constant 0 : index
    %get3A_5 = vector.load %arg1[%get3A_2, %get3A_3, %get3A_4] : memref<4x256x1024xf32, #tpu.memory_space<vmem>>, vector<4x256x1024xf32>
    %get3A_6 = arith.constant 1 : index
    %get3A_7 = arith.constant 0 : index
    %get3A_8 = vector.load %arg4[%get3A_6, %get3A_7] : memref<3x1024xf32, #tpu.memory_space<vmem>>, vector<1x1024xf32>
    %get3A_9 = vector.shape_cast %get3A_8 : vector<1x1024xf32> to vector<1024xf32>
    %broadcast_in_dim3A = vector.shape_cast %get3A_9 : vector<1024xf32> to vector<1x1024xf32>
    %add3A = vector.broadcast %broadcast_in_dim3A : vector<1x1024xf32> to vector<256x1024xf32>
    %add3A_10 = arith.addf %convert_element_type3A, %add3A : vector<256x1024xf32>
    %broadcast_in_dim3A_11 = vector.shape_cast %add3A_10 : vector<256x1024xf32> to vector<1x256x1024xf32>
    %add3A_12 = vector.broadcast %broadcast_in_dim3A_11 : vector<1x256x1024xf32> to vector<4x256x1024xf32>
    %add3A_13 = arith.addf %get3A_5, %add3A_12 : vector<4x256x1024xf32>
    %swap3A = arith.constant 0 : index
    %swap3A_14 = arith.constant 0 : index
    %swap3A_15 = arith.constant 0 : index
    %swap3A_16 = vector.load %arg5[%swap3A, %swap3A_14, %swap3A_15] : memref<4x256x1024xf32, #tpu.memory_space<vmem>>, vector<4x256x1024xf32>
    tpu.vector_store %arg5[%swap3A, %swap3A_14, %swap3A_15], %add3A_13 {strides = array<i32>} : memref<4x256x1024xf32, #tpu.memory_space<vmem>>, vector<4x256x1024xf32>,
    %get3A_17 = arith.constant 0 : index
    %get3A_18 = arith.constant 0 : index
    %get3A_19 = arith.constant 0 : index
    %get3A_20 = vector.load %arg2[%get3A_17, %get3A_18, %get3A_19] : memref<4x256x1024xf32, #tpu.memory_space<vmem>>, vector<4x256x1024xf32>
    %get3A_21 = arith.constant 2 : index
    %get3A_22 = arith.constant 0 : index
    %get3A_23 = vector.load %arg4[%get3A_21, %get3A_22] : memref<3x1024xf32, #tpu.memory_space<vmem>>, vector<1x1024xf32>
    %get3A_24 = vector.shape_cast %get3A_23 : vector<1x1024xf32> to vector<1024xf32>
    %broadcast_in_dim3A_25 = vector.shape_cast %get3A_24 : vector<1024xf32> to vector<1x1024xf32>
    %add3A_26 = vector.broadcast %broadcast_in_dim3A_25 : vector<1x1024xf32> to vector<256x1024xf32>
    %add3A_27 = arith.addf %convert_element_type3A, %add3A_26 : vector<256x1024xf32>
    %broadcast_in_dim3A_28 = vector.shape_cast %add3A_27 : vector<256x1024xf32> to vector<1x256x1024xf32>
    %add3A_29 = vector.broadcast %broadcast_in_dim3A_28 : vector<1x256x1024xf32> to vector<4x256x1024xf32>
    %add3A_30 = arith.addf %get3A_20, %add3A_29 : vector<4x256x1024xf32>
    %swap3A_31 = arith.constant 0 : index
    %swap3A_32 = arith.constant 0 : index
    %swap3A_33 = arith.constant 0 : index
    %swap3A_34 = vector.load %arg6[%swap3A_31, %swap3A_32, %swap3A_33] : memref<4x256x1024xf32, #tpu.memory_space<vmem>>, vector<4x256x1024xf32>
    tpu.vector_store %arg6[%swap3A_31, %swap3A_32, %swap3A_33], %add3A_30 {strides = array<i32>} : memref<4x256x1024xf32, #tpu.memory_space<vmem>>, vector<4x256x1024xf32>,
    return
  }
  func.func @transform_0(%arg0: i32) -> (i32, i32, i32) {
    %c0_i32 = arith.constant 0 : i32
    %c0_i32_0 = arith.constant 0 : i32
    %c0_i32_1 = arith.constant 0 : i32
    return %c0_i32, %arg0, %c0_i32_0 : i32, i32, i32
  }
  func.func @transform_1(%arg0: i32) -> (i32, i32, i32) {
    %c0_i32 = arith.constant 0 : i32
    %c0_i32_0 = arith.constant 0 : i32
    %c0_i32_1 = arith.constant 0 : i32
    return %c0_i32, %arg0, %c0_i32_0 : i32, i32, i32
  }
  func.func @transform_2(%arg0: i32) -> (i32, i32) {
    %c0_i32 = arith.constant 0 : i32
    %c0_i32_0 = arith.constant 0 : i32
    return %arg0, %c0_i32 : i32, i32
  }
  func.func @transform_3(%arg0: i32) -> (i32, i32) {
    %c0_i32 = arith.constant 0 : i32
    %c0_i32_0 = arith.constant 0 : i32
    %c0_i32_1 = arith.constant 0 : i32
    return %c0_i32, %c0_i32_0 : i32, i32
  }
  func.func @transform_4(%arg0: i32) -> (i32, i32, i32) {
    %c0_i32 = arith.constant 0 : i32
    %c0_i32_0 = arith.constant 0 : i32
    %c0_i32_1 = arith.constant 0 : i32
    return %c0_i32, %arg0, %c0_i32_0 : i32, i32, i32
  }
  func.func @transform_5(%arg0: i32) -> (i32, i32, i32) {
    %c0_i32 = arith.constant 0 : i32
    %c0_i32_0 = arith.constant 0 : i32
    %c0_i32_1 = arith.constant 0 : i32
    return %c0_i32, %arg0, %c0_i32_0 : i32, i32, i32
  }
}

</mosaic_0001>

<sc_bundles>
// kernel: kernel.4.cloned.1.call-start
scs
__scs_entry_jumppad:
0x0: {  	(pc) =	sbr.rel $0x88, $3  }
0x1: {  	(tag) =	ssettag $0x0;
	lr =	simm.s32 $0x1  }
0x2: {  	[smem:$0x3F9D] =	sst lr;
	_ =	strace $0xD0000000  }
0x3: {  	_ = 	snop  }
0x4: {  	_ = 	snop  }
0x5: {  	_ = 	snop  }
0x6: {  	_ = 	snop  }
0x7: {  	_ = 	snop  }
__scs_overlays_trampoline_lowered:
0x8: {  	[smem:$0x3FAC] =	sst s0  }
0x9: {  	[smem:$0x3FAD] =	sst s1  }
0xa: {  	[smem:$0x3FAE] =	sst s2  }
0xb: {  	[smem:$0x3FAF] =	sst s3  }
0xc: {  	[smem:$0x3FB0] =	sst s4  }
0xd: {  	[smem:$0x3FB1] =	sst s5  }
0xe: {  	[smem:$0x3FB2] =	sst s6  }
0xf: {  	[smem:$0x3FB3] =	sst s7  }
0x10: {  	[smem:$0x3FB4] =	sst s8  }
0x11: {  	[smem:$0x3FB5] =	sst s9;
	s0 =	simm.s32 @!p0 $0x0  }
0x12: {  	s1 =	sld [smem:$0x3F9B];
	s0 =	simm.s32 @p0 $0x1  }
0x13: {  	[smem:$0x3FB6] =	sst s0;
	s0 =	simm.s32 @!p1 $0x0  }
0x14: {  	s2 =	sld [smem:$0x3F9A];
	s0 =	simm.s32 @p1 $0x1  }
0x15: {  	[smem:$0x3FB7] =	sst s0;
	s0 =	simm.s32 @!p2 $0x0  }
0x16: {  	s3 =	sld [smem:$0x3FDB];
	s0 =	simm.s32 @p2 $0x1  }
0x17: {  	s4 =	simm.s32 $0x1BF5;
	[smem:$0x3FB9] =	sst s0  }
0x18: {  	s0 =	sld [smem:$0x3F9C];
	_ =	swait.ge [sflag:s4], $0x0  }
0x19: {  	s7 =	sld [smem:$0x3F9D]  }
0x1a: {  	s8 =	sadd.s32 $0xFFFFE003, lr  }
0x1b: {  	s9 =	sadd.s32 $0xFFFFFEF7, lr;
	s5 =	simm.s32 $0xFFFFFFFF;
	p2 =	slt.u32 s8, $0xFFFFF086  }
0x1c: {  	p1 =	slt.u32 s9, $0xF7A;
	s5 =	simm.s32 @!p2 $0x0  }
0x1d: {  	s5 =	simm.s32 @p1 $0x1;
	p0 =	seq.s32 s7, s2  }
0x1e: {  	s7 =	smul.u32 @!p0 $0xF7A, s2;
	p2 =	seq.s32 @!p0 s5, $0x0  }
0x1f: {  	s9 =	smul.u32 $0xF7A, s1;
	s8 =	simm.s32 @!p0 $0x1BF5;
	p2 =	por !p2, p0  }
0x20: {  	[sflag:s8] =	ssyncset.s32 @!p0 $0xFFFFF086;
	s6 =	sadd.s32 @!p0 s3, s7;
	s7 =	simm.s32 @!p0 $0x108  }
0x21: {  	s3 =	sadd.s32 s3, s9;
	s6 =	sadd.s32 @!p0 $0x88, s6;
	s7 =	simm.s32 @p2 $0x1082  }
0x22: {  	[simem:s7], [sflag:s8] =	dma.local @!p0 [hbm:s6], $0xF7A  }
0x23: {  	s9 =	sor.u32 $0xD0000000, s2;
	s6 =	simm.s32 $0x108;
	_ =	swait.ge @!p0 [sflag:s8], $0x0  }
0x24: {  	s3 =	sadd.s32 $0x88, s3;
	s6 =	simm.s32 @!p1 $0x1082;
	[sflag:s4] =	ssyncset.s32 $0xFFFFF086  }
0x25: {  	[simem:s6], [sflag:s4] =	dma.local [hbm:s3], $0xF7A  }
0x26: {  	[smem:$0x3F9D] =	sst s1;
	(tag) =	ssettag s2;
	_ =	strace s9  }
0x27: {  	s1 =	sld [smem:$0x3FAD]  }
0x28: {  	s2 =	sld [smem:$0x3FAE]  }
0x29: {  	s4 =	sld [smem:$0x3FB0]  }
0x2a: {  	p0 =	seq.s32 s5, $0x0;
	s5 =	sld [smem:$0x3FB1]  }
0x2b: {  	s6 =	sld [smem:$0x3FB2]  }
0x2c: {  	s7 =	sld [smem:$0x3FB3]  }
0x2d: {  	s3 =	simm.s32 $0x108;
	s8 =	sld [smem:$0x3FB4]  }
0x2e: {  	s3 =	simm.s32 @!p0 $0x1082;
	s9 =	sld [smem:$0x3FB5]  }
0x2f: {  	lr =	sadd.s32 s0, s3;
	s0 =	sld [smem:$0x3FAC]  }
0x30: {  	s3 =	sld [smem:$0x3FAF]  }
0x31: {  	[smem:$0x3FB8] =	sst s10  }
0x32: {  	s10 =	sld [smem:$0x3FB6];
	_ =	sdelay $0x3  }
0x33: {  	p0 =	seq.s32 s10, $0x1;
	s10 =	sld [smem:$0x3FB8];
	_ =	sdelay $0x3  }
0x34: {  	[smem:$0x3FB8] =	sst s10  }
0x35: {  	s10 =	sld [smem:$0x3FB7];
	_ =	sdelay $0x3  }
0x36: {  	p1 =	seq.s32 s10, $0x1;
	s10 =	sld [smem:$0x3FB8];
	_ =	sdelay $0x3  }
0x37: {  	[smem:$0x3FB8] =	sst s10  }
0x38: {  	s10 =	sld [smem:$0x3FB9]  }
0x39: {  	_ = 	snop;
	(pc) =	sbr.ind lr, $3  }
0x3a: {  	_ = 	snop  }
0x3b: {  	_ = 	snop  }
0x3c: {  	p2 =	seq.s32 s10, $0x1;
	s10 =	sld [smem:$0x3FB8]  }
0x3d: {  	_ =	shalt  }
0x3e: {  	_ =	shalt  }
0x3f: {  	_ =	shalt  }
0x40: {  	_ =	shalt  }
0x41: {  	_ =	shalt  }
0x42: {  	_ =	shalt  }
0x43: {  	_ =	shalt  }
0x44: {  	_ =	shalt  }
0x45: {  	_ =	shalt  }
0x46: {  	_ =	shalt  }
0x47: {  	_ =	shalt  }
0x48: {  	_ =	shalt  }
0x49: {  	_ =	shalt  }
0x4a: {  	_ =	shalt  }
0x4b: {  	_ =	shalt  }
0x4c: {  	_ =	shalt  }
0x4d: {  	_ =	shalt  }
0x4e: {  	_ =	shalt  }
0x4f: {  	_ =	shalt  }
0x50: {  	_ =	shalt  }
0x51: {  	_ =	shalt  }
0x52: {  	_ =	shalt  }
0x53: {  	_ =	shalt  }
0x54: {  	_ =	shalt  }
0x55: {  	_ =	shalt  }
0x56: {  	_ =	shalt  }
0x57: {  	_ =	shalt  }
0x58: {  	_ =	shalt  }
0x59: {  	_ =	shalt  }
0x5a: {  	_ =	shalt  }
0x5b: {  	_ =	shalt  }
0x5c: {  	_ =	shalt  }
0x5d: {  	_ =	shalt  }
0x5e: {  	_ =	shalt  }
0x5f: {  	_ =	shalt  }
0x60: {  	_ =	shalt  }
0x61: {  	_ =	shalt  }
0x62: {  	_ =	shalt  }
0x63: {  	_ =	shalt  }
0x64: {  	_ =	shalt  }
0x65: {  	_ =	shalt  }
0x66: {  	_ =	shalt  }
0x67: {  	_ =	shalt  }
0x68: {  	_ =	shalt  }
0x69: {  	_ =	shalt  }
0x6a: {  	_ =	shalt  }
0x6b: {  	_ =	shalt  }
0x6c: {  	_ =	shalt  }
0x6d: {  	_ =	shalt  }
0x6e: {  	_ =	shalt  }
0x6f: {  	_ =	shalt  }
0x70: {  	_ =	shalt  }
0x71: {  	_ =	shalt  }
0x72: {  	_ =	shalt  }
0x73: {  	_ =	shalt  }
0x74: {  	_ =	shalt  }
0x75: {  	_ =	shalt  }
0x76: {  	_ =	shalt  }
0x77: {  	_ =	shalt  }
0x78: {  	_ =	shalt  }
0x79: {  	_ =	shalt  }
0x7a: {  	_ =	shalt  }
0x7b: {  	_ =	shalt  }
0x7c: {  	_ =	shalt  }
0x7d: {  	_ =	shalt  }
0x7e: {  	_ =	shalt  }
0x7f: {  	_ =	shalt  }
0x80: {  	_ =	shalt  }
0x81: {  	_ =	shalt  }
0x82: {  	_ =	shalt  }
0x83: {  	_ =	shalt  }
0x84: {  	_ =	shalt  }
0x85: {  	_ =	shalt  }
0x86: {  	_ =	shalt  }
0x87: {  	_ =	shalt  }
.Lfunc_end0:
.L_simem_size_0:
called_computation_lowered:
.L_overlay_start_0:
0x88: {  	s2 =	sld [smem:$0x3FD9]  }
0x89: {  	s3 =	sld [smem:$0x3FFE];
	_ =	sdelay $0x1  }
0x8a: {  	s1 =	srdreg.scid  }
0x8b: {  	s0 =	sand.u32 $0x1, s1  }
0x8c: {  	s14 =	sshll.u32 s0, $0xA;
	s2 =	sadd.s32 s3, s2  }
0x8d: {  	s2 =	sadd.s32 s2, s14  }
0x8e: {  	[smem:$0x3FC4] =	sst s2  }
0x8f: {  	_ = 	snop  }
0x90: {  	s2 =	sld [smem:$0x3FD0];
	_ =	sdelay $0x1  }
0x91: {  	s15 =	sld [smem:$0x3FC9]  }
0x92: {  	s5 =	simm.s32 $0xA;
	s6 =	simm.s32 $0x10;
	s4 =	sld [smem:$0x3FC6]  }
0x93: {  	[smem:s6], [sflag:s5] =	dma.local [hbm:s2], $0x1  }
0x94: {  	_ =	swait.eq [sflag:s5], $0x1  }
0x95: {  	[sflag:s5] =	ssyncset.done $0x0  }
0x96: {  	[sflag:s5] =	ssyncadd.s32 $0xFFFFFFFF  }
0x97: {  	s16 =	sld [smem:$0x10];
	(tm) =	ssettm $0x1  }
0x98: {  	s17 =	sld [smem:$0x3FFB];
	_ =	sdelay $0x3  }
0x99: {  	_ =	strace s17  }
0x9a: {  	s5 =	sld [smem:$0x3FFC];
	_ =	sdelay $0x3  }
0x9b: {  	_ =	strace s5  }
0x9c: {  	s5 =	sld [smem:$0x3FFD];
	_ =	sdelay $0x3  }
0x9d: {  	_ =	strace s5  }
0x9e: {  	_ =	strace $0x8FFFFFFF  }
0x9f: {  	s18 =	sld [smem:$0x3FDB];
	_ =	sdelay $0x1  }
0xa0: {  	s19 =	simm.s32 $_scs_section_size  }
0xa1: {  	s7 =	simm.s32 $_size__tile_overlayer_lowered;
	s8 =	simm.s32 $_tile_overlayer_lowered  }
0xa2: {  	s22 =	simm.s32 $0x1BFF;
	s21 =	sshll.u32 s8, $0x1;
	s5 =	sadd.s32 s19, s18  }
0xa3: {  	s9 =	simm.s32 $0x0;
	s20 =	sshll.u32 s7, $0x1;
	s7 =	sadd.s32 s21, s5  }
0xa4: {  	[timem:s9], [sflag:s22] =	dma.local [hbm:s7], s20  }
0xa5: {  	_ =	swait.ge [sflag:s22], s20  }
0xa6: {  	s6 =	ssub.s32 $0x0, s20;
	[sflag:s22] =	ssyncset.done $0x0  }
0xa7: {  	[sflag:s22] =	ssyncadd.s32 s6;
	_ =	sdelay $0x1  }
0xa8: {  	s23 =	simm.s32 $0x1B8B  }
0xa9: {  	_ =	swait.ge [sflag:s23], $0x1  }
0xaa: {  	[sflag:s23] =	ssyncset.done $0x0  }
0xab: {  	s25 =	simm.s32 $0x1B8E;
	s24 =	sld [smem:$0x3FFE];
	[sflag:s23] =	ssyncadd.s32 $0xFFFFFFFF  }
0xac: {  	s26 =	simm.s32 $execute0_lowered;
	[smem:$0x3FD2] =	sst s25  }
0xad: {  	s7 =	sshll.u32 s26, $0x1;
	_ =	strace $0x80000046;
	[dreg:$0x1] =	wrdreg $0xFFFFFFFF  }
0xae: {  	s28 =	simm.s32 $_size_execute0_lowered;
	s5 =	sadd.s32 s5, s7;
	[dreg:$0x0] =	wrdreg $0x0  }
0xaf: {  	s7 =	sshll.u32 s28, $0x1;
	[dreg:$0x2] =	wrdreg s5  }
0xb0: {  	[dreg:$0x3] =	wrdreg s7  }
0xb1: {  	[dreg:$0x4] =	wrdreg $0xC0  }
0xb2: {  	_ =	task [dreg:s9], $0x5FFFF  }
0xb3: {  	[dreg:$0x1] =	wrdreg $0xFFFFFFFF  }
0xb4: {  	[dreg:$0x0] =	wrdreg $0x60  }
0xb5: {  	[dreg:$0x2] =	wrdreg s15  }
0xb6: {  	[dreg:$0x3] =	wrdreg s4  }
0xb7: {  	[dreg:$0x4] =	wrdreg s24  }
0xb8: {  	[dreg:$0x5] =	wrdreg s16  }
0xb9: {  	[dreg:$0x6] =	wrdreg $0x9  }
0xba: {  	_ =	task.clear_ibuf [dreg:s9], $0x7FFFF;
	_ =	strace $0x90000046  }
0xbb: {  	s29 =	simm.s32 $0x9;
	_ =	strace $0x80000048  }
0xbc: {  	_ =	swait.ge [sflag:s29], $0x1  }
0xbd: {  	[sflag:s29] =	ssyncadd.s32 $0xFFFFFFFF  }
0xbe: {  	_ =	strace $0x90000048  }
0xbf: {  	_ =	sfence  }
0xc0: {  	s30 =	sld [smem:$0x0];
	_ =	sdelay $0x2  }
0xc1: {  	s31 =	sshll.u32 s1, $0xD;
	s1 =	sshrl.u32 s1, $0x2  }
0xc2: {  	s3 =	sand.u32 $0x4000, s31;
	s1 =	sadd.s32 s1, s30  }
0xc3: {  	s0 =	sor.u32 s3, s0;
	s1 =	sshll.u32 s1, $0x11  }
0xc4: {  	s0 =	sor.u32 s1, s0  }
0xc5: {  	s0 =	sadd.s32 $0x8F2B, s0  }
0xc6: {  	[sflag:s0] =	ssyncadd.remote.s32 $0x1  }
0xc7: {  	_ =	sfence.sel $0xFFFF  }
0xc8: {  	[dreg:$0x0] =	wrdreg $0xFFFFFFFF;
	(pc) =	sbr.abs _section_cstart, $3  }
0xc9: {  	[dreg:$0x1] =	wrdreg $0xFFFFFFFF  }
0xca: {  	_ =	task.clear_ibuf [dreg:s9], $0x2FFFF;
	_ =	strace $0x9FFFFFFF  }
0xcb: {  	(tm) =	ssettm $0x7FFFFFFF  }
tec
execute0_lowered:
.L_overlay_start_1:
0x0: {  	(tag) =	ssettag $0x1  }
0x1: {  	s1 =	srdreg.scid  }
0x2: {  	s5 =	stileid.u32;
	s4 =	sand.u32 $0x1, s1  }
0x3: {  	s5 =	sshll.u32 s5, $0x7;
	s6 =	sshll.u32 s4, $0x6  }
0x4: {  	s0 =	rddreg [dreg:$0x0];
	s5 =	sor.u32 s6, s5  }
0x5: {  	s2 =	rddreg [dreg:$0x2];
	s6 =	sshll.u32 s5, $0x6;
	s5 =	sshll.u32 s5, $0x7  }
0x6: {  	s3 =	rddreg [dreg:$0x3];
	s1 =	simm.s32 $0x0;
	s19 =	sor.u32 $0x800, s5  }
0x7: {  	[smem:$0x7FF] =	sst s1;
	s21 =	sor.u32 $0x1000, s5;
	s20 =	sadd.s32 s0, s19  }
0x8: {  	s6 =	sadd.s32 s6, s2;
	s9 =	sadd.s32 s0, s21;
	[dreg:$0x11] =	wrdreg s20  }
0x9: {  	s8 =	sor.u32 $0x1800, s5;
	s2 =	sadd.s32 s3, s19;
	[dreg:$0x12] =	wrdreg s9  }
0xa: {  	s4 =	ssub.s32 $0x2, s4;
	s22 =	sadd.s32 s0, s8;
	[dreg:$0x13] =	wrdreg s2  }
0xb: {  	s24 =	sor.u32 $0x40000, s5;
	s23 =	sadd.s32 s3, s21;
	[dreg:$0x14] =	wrdreg s22  }
0xc: {  	s7 =	sshrl.u32 s4, $0x1;
	s26 =	sadd.s32 s0, s24;
	[dreg:$0x15] =	wrdreg s23  }
0xd: {  	s25 =	sor.u32 $0x40800, s5;
	s8 =	sadd.s32 s3, s8;
	[dreg:$0x16] =	wrdreg s26  }
0xe: {  	s29 =	sor.u32 $0x41000, s5;
	s28 =	sadd.s32 s0, s25;
	[dreg:$0x17] =	wrdreg s8  }
0xf: {  	s7 =	ssub.s32 s4, s7;
	s31 =	sadd.s32 s0, s29;
	[dreg:$0x18] =	wrdreg s28  }
0x10: {  	s10 =	sor.u32 $0x80000, s5;
	s4 =	sadd.s32 s3, s25;
	[dreg:$0x1a] =	wrdreg s31  }
0x11: {  	s11 =	sor.u32 $0x80800, s5;
	s12 =	sadd.s32 s0, s10;
	[dreg:$0x1b] =	wrdreg s4  }
0x12: {  	s14 =	sor.u32 $0x81000, s5;
	s13 =	sadd.s32 s0, s11;
	[dreg:$0x1e] =	wrdreg s12  }
0x13: {  	s16 =	sor.u32 $0x81800, s5;
	s15 =	sadd.s32 s0, s14;
	[smem:$0x7EB] =	sst s13  }
0x14: {  	s18 =	sor.u32 $0xC0000, s5;
	s17 =	sadd.s32 s0, s16;
	[smem:$0x7EE] =	sst s15  }
0x15: {  	s19 =	sadd.s32 s0, s18;
	[smem:$0x7F0] =	sst s17  }
0x16: {  	s30 =	sor.u32 $0x41800, s5;
	s2 =	sadd.s32 s3, s24;
	[smem:$0x7F2] =	sst s19  }
0x17: {  	s9 =	sadd.s32 s0, s30;
	[dreg:$0x19] =	wrdreg s2  }
0x18: {  	s8 =	sadd.s32 s3, s30;
	[dreg:$0x1c] =	wrdreg s9  }
0x19: {  	s4 =	sadd.s32 s3, s11;
	[dreg:$0x1f] =	wrdreg s8  }
0x1a: {  	s22 =	sadd.s32 s0, s5;
	[smem:$0x7ED] =	sst s4  }
0x1b: {  	s23 =	sadd.s32 s3, s5;
	[smem:$0x7F6] =	sst s22  }
0x1c: {  	s20 =	sor.u32 $0xC0800, s5;
	s2 =	sadd.s32 s3, s29;
	[smem:$0x7F7] =	sst s23  }
0x1d: {  	s24 =	sor.u32 $0xC1000, s5;
	s21 =	sadd.s32 s0, s20;
	[dreg:$0x1d] =	wrdreg s2  }
0x1e: {  	s25 =	sor.u32 $0xC1800, s5;
	s26 =	sadd.s32 s0, s24;
	[smem:$0x7F4] =	sst s21  }
0x1f: {  	s30 =	sadd.s32 $0x800, s6;
	s0 =	sadd.s32 s0, s25;
	[smem:$0x7F8] =	sst s26  }
0x20: {  	s31 =	smax.u32 s7, $0x1;
	s28 =	sadd.s32 s3, s24;
	[smem:$0x7F9] =	sst s0  }
0x21: {  	s6 =	simm.s32 $0x7;
	s29 =	sadd.s32 s3, s25;
	[smem:$0x7FA] =	sst s28  }
0x22: {  	s7 =	simm.s32 $0x9000;
	s2 =	sadd.s32 s3, s10;
	[smem:$0x7FB] =	sst s29  }
0x23: {  	s11 =	simm.s32 $0x2;
	[smem:$0x7EC] =	sst s2;
	s2 =	sadd.s32 s3, s14  }
0x24: {  	s12 =	simm.s32 $0x4;
	[smem:$0x7EF] =	sst s2;
	s2 =	sadd.s32 s3, s16  }
0x25: {  	s13 =	simm.s32 $0x3;
	[smem:$0x7F1] =	sst s2;
	s2 =	sadd.s32 s3, s18  }
0x26: {  	s15 =	simm.s32 $0x6;
	[smem:$0x7F3] =	sst s2;
	s2 =	sadd.s32 s3, s20  }
0x27: {  	s8 =	simm.s32 $0xD000;
	s9 =	simm.s32 $0x1;
	[smem:$0x7F5] =	sst s2  }
0x28: {  	s10 =	simm.s32 $0x11000;
	_ =	strace $0x80000047;
	[smem:$0x7FC] =	sst s30  }
0x29: {  	s14 =	simm.s32 $0x5;
	s16 =	simm.s32 $0x0;
	[smem:$0x7FD] =	sst s31  }
.LBB2_1:
0x2a: {  	s0 =	sld [smem:$0x7FC];
	_ =	sdelay $0x2  }
0x2b: {  	[tilespmem:s1], [sflag:$0x7] =	stream.linear.gather [hbm4b:s0+s1], $0x8000, $0x38;
	[tilespmem:$0x15000] =	vst v63  }
0x2c: {  	_ =	swait.ge [sflag:s6], $0x8000  }
0x2d: {  	[sflag:s6] =	ssyncset.done $0x0  }
0x2e: {  	[sflag:s6] =	ssyncadd.s32 $0xFFFF8000  }
0x2f: {  	s2 =	simm.s32 $0x8000;
	s29 =	rddreg [dreg:$0x1]  }
0x30: {  	[tilespmem:s2], [sflag:$0x7] =	stream.linear.gather [hbm4b:s29+s1], $0x1000, $0x38;
	[tilespmem:$0x15000] =	vst v63  }
0x31: {  	_ =	swait.ge [sflag:s6], $0x1000  }
0x32: {  	s30 =	sld [smem:$0x7F6]  }
0x33: {  	[sflag:s6] =	ssyncset.done $0x0  }
0x34: {  	[sflag:s6] =	ssyncadd.s32 $0xFFFFF000  }
0x35: {  	[tilespmem:s7], [sflag:$0x1] =	stream.linear.gather [hbm4b:s30+s1], $0x4000, $0x38;
	[tilespmem:$0x15000] =	vst v63  }
0x36: {  	s31 =	rddreg [dreg:$0x11]  }
0x37: {  	[tilespmem:s8], [sflag:$0x2] =	stream.linear.gather [hbm4b:s31+s1], $0x4000, $0x38;
	[tilespmem:$0x15000] =	vst v63  }
0x38: {  	_ =	swait.ge [sflag:s9], $0x4000  }
0x39: {  	[sflag:s9] =	ssyncset.done $0x0  }
0x3a: {  	s17 =	simm.s32 $0x0;
	[sflag:s9] =	ssyncadd.s32 $0xFFFFC000  }
.LBB2_2:
0x3b: {  	s0 =	sshll.u32 s17, $0x4  }
0x3c: {  	s0 =	sand.u32 $0x70, s0  }
0x3d: {  	s19 =	sshll.u32 s17, $0x7;
	s18 =	sshll.u32 s17, $0x5;
	s21 =	simm.s32 $0x0;
	v1 =	vmov s0  }
0x3e: {  	s31 =	simm.s32 $0x0;
	s20 =	sand.u32 $0x3FFFFE00, s19;
	s18 =	sand.u32 $0x60, s18  }
0x3f: {  	s21 =	sand.u32 $0x3FFFF000, s21;
	s30 =	sadd.s32 $0x8000, s20;
	s20 =	sand.u32 $0xC00, s19  }
0x40: {  	s23 =	sand.u32 $0x200, s31;
	s22 =	sor.u32 s18, s30;
	s24 =	sor.u32 s21, s20  }
0x41: {  	s2 =	sor.u32 $0x80, s23;
	v0 =	vld [tilespmem:s22+$0x0];
	s19 =	sadd.s32 s23, s24  }
0x42: {  	s25 =	sor.u32 $0x100, s23;
	s3 =	sadd.s32 s2, s24;
	v3 =	vld.idx.msk [tilespmem:v1+s19+$0x0 ss:$0x1], $0xffff  }
0x43: {  	s4 =	sadd.s32 s25, s24;
	v4 =	vld.idx.msk [tilespmem:v1+s3+$0x0 ss:$0x1], $0xffff  }
0x44: {  	s5 =	sshll.u32 s17, $0x8;
	v5 =	vld.idx.msk [tilespmem:v1+s4+$0x0 ss:$0x1], $0xffff  }
0x45: {  	s26 =	simm.s32 $0x0;
	s21 =	sand.u32 $0x3FFFFC00, s5  }
0x46: {  	s26 =	sand.u32 $0x3FFFE000, s26;
	s21 =	sadd.s32 $0x9000, s21;
	s19 =	sor.u32 $0x10, s18  }
0x47: {  	s28 =	sor.u32 $0x180, s23;
	s26 =	sadd.s32 s26, s21;
	s0 =	sor.u32 s19, s30;
	v6 =	vunpack.i.l.bf16.f32 v3  }
0x48: {  	s24 =	sadd.s32 s28, s24;
	s22 =	simm.s32 $0x200;
	s29 =	sadd.s32 s23, s26;
	v2 =	vld [tilespmem:s0+$0x0];
	v7 =	vunpack.i.l.bf16.f32 v4;
	v6 =	vadd.f32 v6, v0  }
0x49: {  	s31 =	sadd.s32 s18, s29;
	v9 =	vld.idx.msk [tilespmem:v1+s24+$0x0 ss:$0x1], $0xffff;
	s30 =	simm.s32 $0x800;
	s0 =	sadd.s32 s2, s26;
	v8 =	vunpack.i.l.bf16.f32 v5;
	v7 =	vadd.f32 v7, v0  }
0x4a: {  	s23 =	sadd.s32 s25, s26;
	s24 =	sand.u32 $0x3FFFF000, s30;
	s2 =	sadd.s32 s18, s0;
	[tilespmem:s31+$0x0] =	vst.add.f32.msk $0xffff, v6;
	v6 =	vadd.f32 v8, v0  }
0x4b: {  	s30 =	sadd.s32 s18, s23;
	s24 =	sor.u32 s24, s20;
	s31 =	sand.u32 $0x200, s22;
	[tilespmem:s2+$0x0] =	vst.add.f32.msk $0xffff, v7  }
0x4c: {  	v8 =	vunpack.i.u.bf16.f32 v5;
	s3 =	sadd.s32 s31, s24;
	s2 =	sor.u32 $0x80, s31;
	[tilespmem:s30+$0x0] =	vst.add.f32.msk $0xffff, v6  }
0x4d: {  	v4 =	vunpack.i.u.bf16.f32 v4;
	v8 =	vadd.f32 v8, v2;
	v7 =	vld.idx.msk [tilespmem:v1+s3+$0x0 ss:$0x1], $0xffff;
	s4 =	sadd.s32 s2, s24  }
0x4e: {  	s25 =	sadd.s32 s19, s23;
	s29 =	sadd.s32 s19, s29;
	s30 =	sor.u32 $0x100, s31;
	v6 =	vadd.f32 v4, v2;
	v5 =	vld.idx.msk [tilespmem:v1+s4+$0x0 ss:$0x1], $0xffff  }
0x4f: {  	s0 =	sadd.s32 s19, s0;
	v10 =	vunpack.i.l.bf16.f32 v9;
	s3 =	simm.s32 $0x1000;
	s5 =	sadd.s32 s30, s24;
	[tilespmem:s25+$0x0] =	vst.add.f32.msk $0xffff, v8  }
0x50: {  	v9 =	vunpack.i.u.bf16.f32 v9;
	s4 =	sadd.s32 s28, s26;
	s3 =	sand.u32 $0x3FFFE000, s3;
	s26 =	simm.s32 $0x4;
	[tilespmem:s0+$0x0] =	vst.add.f32.msk $0xffff, v6;
	v6 =	vadd.f32 v10, v0  }
0x51: {  	v8 =	vadd.f32 v9, v2;
	v4 =	vld.idx.msk [tilespmem:v1+s5+$0x0 ss:$0x1], $0xffff;
	s3 =	sadd.s32 s3, s21;
	s5 =	sadd.s32 s18, s4;
	s4 =	sadd.s32 s19, s4  }
0x52: {  	v3 =	vunpack.i.u.bf16.f32 v3;
	s23 =	sadd.s32 s31, s3;
	s28 =	sadd.s32 s2, s3;
	s31 =	sor.u32 $0x180, s31;
	[tilespmem:s5+$0x0] =	vst.add.f32.msk $0xffff, v6  }
0x53: {  	s25 =	sadd.s32 s30, s3;
	s0 =	sadd.s32 s31, s24;
	s24 =	sadd.s32 s31, s3;
	v6 =	vadd.f32 v3, v2;
	v3 =	vunpack.i.u.bf16.f32 v7;
	v7 =	vunpack.i.l.bf16.f32 v7;
	[tilespmem:s4+$0x0] =	vst.add.f32.msk $0xffff, v8  }
.LBB2_3:
0x54: {  	s26 =	sadd.s32 $0x4, s26  }
0x55: {  	v7 =	vadd.f32 v7, v0;
	v8 =	vunpack.i.l.bf16.f32 v5;
	s2 =	sadd.s32 s18, s25;
	s22 =	sadd.s32 $0x200, s22;
	[tilespmem:s29+$0x0] =	vst.add.f32.msk $0xffff, v6;
	s29 =	sadd.s32 s18, s23  }
0x56: {  	v5 =	vunpack.i.u.bf16.f32 v5;
	s3 =	sshll.u32 s26, $0x9;
	s4 =	sshll.u32 s26, $0xA;
	v6 =	vadd.f32 v8, v0;
	v8 =	vunpack.i.l.bf16.f32 v4;
	v9 =	vld.idx.msk [tilespmem:v1+s0+$0x0 ss:$0x1], $0xffff;
	p0 =	slt.u32 s26, $0xC  }
0x57: {  	v10 =	vunpack.i.u.bf16.f32 v4;
	s0 =	sand.u32 $0x3FFFF000, s3;
	s3 =	sand.u32 $0x3FFFE000, s4;
	[tilespmem:s29+$0x0] =	vst.add.f32.msk $0xffff, v7;
	s4 =	sadd.s32 s18, s28;
	v7 =	vadd.f32 v5, v2;
	v4 =	vadd.f32 v8, v0  }
0x58: {  	s29 =	sand.u32 $0x200, s22;
	s0 =	sor.u32 s0, s20;
	s3 =	sadd.s32 s3, s21;
	[tilespmem:s4+$0x0] =	vst.add.f32.msk $0xffff, v6  }
0x59: {  	s31 =	sor.u32 $0x80, s29;
	s4 =	sadd.s32 s29, s0;
	s30 =	sadd.s32 s29, s3;
	[tilespmem:s2+$0x0] =	vst.add.f32.msk $0xffff, v4  }
0x5a: {  	s2 =	sadd.s32 s31, s0;
	v8 =	vld.idx.msk [tilespmem:v1+s4+$0x0 ss:$0x1], $0xffff;
	s4 =	sadd.s32 s31, s3;
	s31 =	sor.u32 $0x100, s29  }
0x5b: {  	s29 =	sor.u32 $0x180, s29;
	v5 =	vld.idx.msk [tilespmem:v1+s2+$0x0 ss:$0x1], $0xffff;
	s2 =	sadd.s32 s31, s0;
	s31 =	sadd.s32 s31, s3  }
.Ltmp0:
0x5c: {  	v6 =	vadd.f32 v10, v2;
	s0 =	sadd.s32 s29, s0;
	v10 =	vunpack.i.u.bf16.f32 v9;
	v9 =	vunpack.i.l.bf16.f32 v9;
	v4 =	vld.idx.msk [tilespmem:v1+s2+$0x0 ss:$0x1], $0xffff;
	s2 =	sadd.s32 s19, s28;
	(pc) =	sbr.rel @p0 .LBB2_3-.Ltmp0, $4  }
0x5d: {  	s3 =	sadd.s32 s29, s3;
	[tilespmem:s2+$0x0] =	vst.add.f32.msk $0xffff, v7;
	s2 =	sadd.s32 s19, s25;
	v7 =	vadd.f32 v9, v0  }
0x5e: {  	s28 =	smov.u32 s4;
	v9 =	vadd.f32 v10, v2;
	s25 =	smov.u32 s31;
	[tilespmem:s2+$0x0] =	vst.add.f32.msk $0xffff, v6;
	s2 =	sadd.s32 s18, s24  }
0x5f: {  	v6 =	vadd.f32 v3, v2;
	[tilespmem:s2+$0x0] =	vst.add.f32.msk $0xffff, v7;
	s2 =	sadd.s32 s19, s24;
	s24 =	smov.u32 s3  }
0x60: {  	s29 =	sadd.s32 s19, s23;
	s23 =	smov.u32 s30;
	v3 =	vunpack.i.u.bf16.f32 v8;
	v7 =	vunpack.i.l.bf16.f32 v8;
	[tilespmem:s2+$0x0] =	vst.add.f32.msk $0xffff, v9  }
0x61: {  	_ =	sdelay $0x3  }
0x62: {  	v1 =	vld.idx.msk [tilespmem:v1+s0+$0x0 ss:$0x1], $0xffff;
	v7 =	vadd.f32 v7, v0;
	v8 =	vunpack.i.l.bf16.f32 v5  }
0x63: {  	[tilespmem:s29+$0x0] =	vst.add.f32.msk $0xffff, v6;
	s21 =	sadd.s32 s18, s23;
	v57 =	vunpack.i.l.bf16.f32 v4;
	v56 =	vadd.f32 v8, v0  }
0x64: {  	s22 =	sadd.s32 s18, s28;
	v59 =	vadd.f32 v57, v0;
	[tilespmem:s21+$0x0] =	vst.add.f32.msk $0xffff, v7  }
0x65: {  	v58 =	vunpack.i.u.bf16.f32 v5;
	s2 =	sadd.s32 s18, s25;
	v63 =	vadd.f32 v3, v2;
	s17 =	sadd.s32 $0x1, s17;
	[tilespmem:s22+$0x0] =	vst.add.f32.msk $0xffff, v56  }
0x66: {  	v60 =	vunpack.i.u.bf16.f32 v4;
	s31 =	sadd.s32 s19, s23;
	v5 =	vadd.f32 v58, v2;
	p0 =	sne.s32 s17, $0x20;
	[tilespmem:s2+$0x0] =	vst.add.f32.msk $0xffff, v59  }
.Ltmp1:
0x67: {  	s26 =	sadd.s32 s19, s28;
	v4 =	vadd.f32 v60, v2;
	[tilespmem:s31+$0x0] =	vst.add.f32.msk $0xffff, v63;
	v61 =	vunpack.i.l.bf16.f32 v1;
	(pc) =	sbr.rel @p0 .LBB2_2-.Ltmp1, $4  }
0x68: {  	s28 =	sadd.s32 s19, s25;
	[tilespmem:s26+$0x0] =	vst.add.f32.msk $0xffff, v5;
	v1 =	vunpack.i.u.bf16.f32 v1;
	v62 =	vadd.f32 v61, v0  }
0x69: {  	s29 =	sadd.s32 s18, s24;
	[tilespmem:s28+$0x0] =	vst.add.f32.msk $0xffff, v4;
	v1 =	vadd.f32 v1, v2  }
0x6a: {  	s30 =	sadd.s32 s19, s24;
	[tilespmem:s29+$0x0] =	vst.add.f32.msk $0xffff, v62  }
0x6b: {  	[tilespmem:s30+$0x0] =	vst.add.f32.msk $0xffff, v1  }
0x6c: {  	s0 =	sld [smem:$0x7F7];
	_ =	sdelay $0x1  }
0x6d: {  	s17 =	simm.s32 $0x0  }
0x6e: {  	[hbm4b:s0+s17] =	stream.linear.scatter [tilespmem:s7], [sflag:$0x4], $0x4000, $0x38;
	[tilespmem:$0x15000] =	vst v63  }
0x6f: {  	s31 =	rddreg [dreg:$0x12]  }
0x70: {  	[tilespmem:s10], [sflag:$0x3] =	stream.linear.gather [hbm4b:s31+s17], $0x4000, $0x38;
	[tilespmem:$0x15000] =	vst v63  }
0x71: {  	_ =	swait.ge [sflag:s11], $0x4000  }
0x72: {  	[sflag:s11] =	ssyncset.done $0x0  }
0x73: {  	s18 =	simm.s32 $0x0;
	[sflag:s11] =	ssyncadd.s32 $0xFFFFC000  }
.LBB2_6:
0x74: {  	s0 =	sshll.u32 s18, $0x7;
	s2 =	sshll.u32 s18, $0x5  }
0x75: {  	s4 =	sshll.u32 s18, $0x4;
	s21 =	sshll.u32 s18, $0x8;
	s25 =	simm.s32 $0x2200  }
0x76: {  	s26 =	simm.s32 $0x2600;
	s5 =	simm.s32 $0x880;
	s3 =	sand.u32 $0x3FFFFE00, s0  }
0x77: {  	s19 =	sand.u32 $0x60, s2;
	s4 =	sand.u32 $0x70, s4;
	s22 =	sand.u32 $0x3FFFFC00, s21  }
0x78: {  	s21 =	sand.u32 $0xC00, s0;
	s0 =	sand.u32 $0x3000, s25;
	s25 =	simm.s32 $0x900;
	v0 =	vmov s4  }
0x79: {  	s23 =	sadd.s32 $0x8000, s3;
	s20 =	sor.u32 $0x10, s19;
	s4 =	sand.u32 $0x3000, s26  }
0x7a: {  	s3 =	sor.u32 s19, s23;
	s2 =	sor.u32 s20, s23;
	s23 =	simm.s32 $0x980  }
0x7b: {  	s24 =	sadd.s32 $0xD000, s22;
	s4 =	sor.u32 s4, s21;
	s23 =	sand.u32 $0x380, s23  }
0x7c: {  	s22 =	simm.s32 $0x0;
	[dreg:$0x5] =	wrdreg s24;
	s4 =	sadd.s32 s23, s4  }
0x7d: {  	s0 =	sor.u32 s0, s21;
	s26 =	sand.u32 $0x300, s25;
	s24 =	simm.s32 $0x2400;
	v3 =	vld.idx.msk [tilespmem:v0+s4+$0x0 ss:$0x1], $0xffff  }
0x7e: {  	s24 =	sand.u32 $0x3000, s24;
	v1 =	vld [tilespmem:s3+$0x0];
	s3 =	sand.u32 $0x1000, s17;
	s23 =	sand.u32 $0x280, s5  }
0x7f: {  	v2 =	vld [tilespmem:s2+$0x0];
	s2 =	sor.u32 s24, s21;
	s24 =	sand.u32 $0x2000, s17;
	s4 =	rddreg [dreg:$0x5]  }
0x80: {  	s5 =	sand.u32 $0x200, s17;
	s0 =	sadd.s32 s23, s0;
	s4 =	sadd.s32 s24, s4  }
0x81: {  	s3 =	sor.u32 s21, s3;
	v6 =	vld.idx.msk [tilespmem:v0+s0+$0x0 ss:$0x1], $0xffff;
	s24 =	sadd.s32 s26, s2;
	s2 =	sadd.s32 s5, s4  }
0x82: {  	s3 =	sadd.s32 s5, s3;
	v4 =	vld.idx.msk [tilespmem:v0+s24+$0x0 ss:$0x1], $0xffff;
	s24 =	simm.s32 $0x800;
	s4 =	sadd.s32 $0x80, s2;
	v5 =	vunpack.i.l.bf16.f32 v3  }
0x83: {  	s26 =	sadd.s32 $0x100, s2;
	s5 =	sadd.s32 $0x180, s2;
	s29 =	sadd.s32 s19, s2;
	v7 =	vunpack.i.u.bf16.f32 v3;
	v5 =	vadd.f32 v5, v1  }
0x84: {  	s23 =	sadd.s32 s20, s2;
	s0 =	sadd.s32 s19, s4;
	s25 =	sadd.s32 s19, s5;
	v3 =	vld.idx.msk [tilespmem:v0+s3+$0x2000 ss:$0x1], $0xffff;
	v7 =	vadd.f32 v7, v2  }
0x85: {  	s30 =	sadd.s32 s19, s26;
	s28 =	sadd.s32 s20, s26;
	s26 =	sadd.s32 s20, s5;
	[tilespmem:s25+$0x0] =	vst.add.f32.msk $0xffff, v5  }
0x86: {  	s31 =	sadd.s32 s20, s4;
	v5 =	vunpack.i.u.bf16.f32 v6;
	v6 =	vunpack.i.l.bf16.f32 v6;
	s25 =	simm.s32 $0x0;
	[tilespmem:s26+$0x0] =	vst.add.f32.msk $0xffff, v7;
	s26 =	simm.s32 $0x0  }
.LBB2_7:
0x87: {  	s2 =	sadd.s32 $0x2200, s24  }
0x88: {  	s3 =	sadd.s32 $0x2600, s24;
	v6 =	vadd.f32 v6, v1;
	s25 =	sadd.s32 $0x200, s25;
	s22 =	sadd.s32 $0x4, s22  }
0x89: {  	v5 =	vadd.f32 v5, v2;
	s5 =	sadd.s32 $0x2400, s24;
	s3 =	sand.u32 $0x3000, s3;
	s4 =	sadd.s32 $0x980, s25  }
0x8a: {  	v7 =	vunpack.i.u.bf16.f32 v4;
	v4 =	vunpack.i.l.bf16.f32 v4;
	s26 =	sadd.s32 $0x1000, s26;
	s4 =	sand.u32 $0x380, s4;
	s3 =	sor.u32 s3, s21;
	[tilespmem:s0+$0x0] =	vst.add.f32.msk $0xffff, v6  }
0x8b: {  	v4 =	vadd.f32 v4, v1;
	s0 =	sand.u32 $0x3000, s2;
	s2 =	sand.u32 $0x3000, s5;
	s3 =	sadd.s32 s4, s3;
	[tilespmem:s31+$0x0] =	vst.add.f32.msk $0xffff, v5  }
0x8c: {  	v6 =	vadd.f32 v7, v2;
	s5 =	sand.u32 $0x1000, s24;
	s4 =	sadd.s32 $0x880, s25;
	s31 =	sadd.s32 $0x900, s25;
	v5 =	vld.idx.msk [tilespmem:v0+s3+$0x0 ss:$0x1], $0xffff  }
0x8d: {  	s0 =	sor.u32 s0, s21;
	s2 =	sor.u32 s2, s21;
	[tilespmem:s30+$0x0] =	vst.add.f32.msk $0xffff, v4;
	s4 =	sand.u32 $0x280, s4  }
0x8e: {  	v8 =	vunpack.i.u.bf16.f32 v3;
	v3 =	vunpack.i.l.bf16.f32 v3;
	s3 =	sor.u32 s21, s5;
	[tilespmem:s28+$0x0] =	vst.add.f32.msk $0xffff, v6;
	s5 =	sand.u32 $0x300, s31;
	s0 =	sadd.s32 s4, s0  }
0x8f: {  	s30 =	rddreg [dreg:$0x5];
	s28 =	sand.u32 $0x2000, s26;
	v3 =	vadd.f32 v3, v1;
	s2 =	sadd.s32 s5, s2;
	v6 =	vld.idx.msk [tilespmem:v0+s0+$0x0 ss:$0x1], $0xffff  }
0x90: {  	p0 =	slt.u32 s22, $0xC;
	v7 =	vadd.f32 v8, v2;
	s4 =	sand.u32 $0x200, s25;
	s5 =	sadd.s32 s28, s30;
	v4 =	vld.idx.msk [tilespmem:v0+s2+$0x0 ss:$0x1], $0xffff  }
.Ltmp2:
0x91: {  	s24 =	sadd.s32 $0x800, s24;
	s2 =	sadd.s32 s4, s5;
	[tilespmem:s29+$0x0] =	vst.add.f32.msk $0xffff, v3;
	v8 =	vunpack.i.l.bf16.f32 v5;
	(pc) =	sbr.rel @p0 .LBB2_7-.Ltmp2, $4  }
0x92: {  	s3 =	sadd.s32 s4, s3;
	s5 =	sadd.s32 $0x80, s2;
	[tilespmem:s23+$0x0] =	vst.add.f32.msk $0xffff, v7;
	s23 =	sadd.s32 $0x180, s2;
	v5 =	vunpack.i.u.bf16.f32 v5;
	v7 =	vadd.f32 v8, v1  }
0x93: {  	s0 =	sadd.s32 s19, s5;
	s31 =	sadd.s32 s20, s5;
	v3 =	vld.idx.msk [tilespmem:v0+s3+$0x2000 ss:$0x1], $0xffff;
	s5 =	sadd.s32 s19, s23;
	v8 =	vadd.f32 v5, v2  }
0x94: {  	s4 =	sadd.s32 $0x100, s2;
	s29 =	sadd.s32 s19, s2;
	[tilespmem:s5+$0x0] =	vst.add.f32.msk $0xffff, v7;
	s5 =	sadd.s32 s20, s23  }
0x95: {  	s30 =	sadd.s32 s19, s4;
	s28 =	sadd.s32 s20, s4;
	v5 =	vunpack.i.u.bf16.f32 v6;
	v6 =	vunpack.i.l.bf16.f32 v6;
	s23 =	sadd.s32 s20, s2;
	[tilespmem:s5+$0x0] =	vst.add.f32.msk $0xffff, v8  }
0x96: {  	v0 =	vadd.f32 v6, v1  }
0x97: {  	v59 =	vunpack.i.l.bf16.f32 v4;
	v5 =	vadd.f32 v5, v2;
	s18 =	sadd.s32 $0x1, s18  }
0x98: {  	v60 =	vunpack.i.u.bf16.f32 v4;
	v6 =	vadd.f32 v59, v1;
	p0 =	sne.s32 s18, $0x20;
	[tilespmem:s0+$0x0] =	vst.add.f32.msk $0xffff, v0  }
.Ltmp3:
0x99: {  	v4 =	vadd.f32 v60, v2;
	v61 =	vunpack.i.l.bf16.f32 v3;
	[tilespmem:s31+$0x0] =	vst.add.f32.msk $0xffff, v5;
	(pc) =	sbr.rel @p0 .LBB2_6-.Ltmp3, $4  }
0x9a: {  	v62 =	vunpack.i.u.bf16.f32 v3;
	v0 =	vadd.f32 v61, v1;
	[tilespmem:s30+$0x0] =	vst.add.f32.msk $0xffff, v6  }
0x9b: {  	v63 =	vadd.f32 v62, v2;
	[tilespmem:s28+$0x0] =	vst.add.f32.msk $0xffff, v4  }
0x9c: {  	[tilespmem:s29+$0x0] =	vst.add.f32.msk $0xffff, v0  }
0x9d: {  	[tilespmem:s23+$0x0] =	vst.add.f32.msk $0xffff, v63  }
0x9e: {  	s17 =	simm.s32 $0x0;
	s0 =	rddreg [dreg:$0x13]  }
0x9f: {  	[hbm4b:s0+s17] =	stream.linear.scatter [tilespmem:s8], [sflag:$0x5], $0x4000, $0x38;
	[tilespmem:$0x15000] =	vst v63  }
0xa0: {  	_ =	swait.ge [sflag:s12], $0x4000  }
0xa1: {  	[sflag:s12] =	ssyncset.done $0x0  }
0xa2: {  	s31 =	rddreg [dreg:$0x14];
	[sflag:s12] =	ssyncadd.s32 $0xFFFFC000  }
0xa3: {  	[tilespmem:s7], [sflag:$0x1] =	stream.linear.gather [hbm4b:s31+s17], $0x4000, $0x38;
	[tilespmem:$0x15000] =	vst v63  }
0xa4: {  	_ =	swait.ge [sflag:s13], $0x4000  }
0xa5: {  	[sflag:s13] =	ssyncset.done $0x0  }
0xa6: {  	s18 =	simm.s32 $0x0;
	[sflag:s13] =	ssyncadd.s32 $0xFFFFC000  }
.LBB2_10:
0xa7: {  	s0 =	sshll.u32 s18, $0x7;
	s2 =	sshll.u32 s18, $0x5  }
0xa8: {  	s4 =	sshll.u32 s18, $0x4;
	s21 =	sshll.u32 s18, $0x8;
	s25 =	simm.s32 $0x4200  }
0xa9: {  	s26 =	simm.s32 $0x4600;
	s5 =	simm.s32 $0x1080;
	s3 =	sand.u32 $0x3FFFFE00, s0  }
0xaa: {  	s19 =	sand.u32 $0x60, s2;
	s4 =	sand.u32 $0x70, s4;
	s22 =	sand.u32 $0x3FFFFC00, s21  }
0xab: {  	s21 =	sand.u32 $0xC00, s0;
	s0 =	sand.u32 $0x5000, s25;
	s25 =	simm.s32 $0x1100;
	v0 =	vmov s4  }
0xac: {  	s23 =	sadd.s32 $0x8000, s3;
	s20 =	sor.u32 $0x10, s19;
	s4 =	sand.u32 $0x5000, s26  }
0xad: {  	s3 =	sor.u32 s19, s23;
	s2 =	sor.u32 s20, s23;
	s23 =	simm.s32 $0x1180  }
0xae: {  	s24 =	sadd.s32 $0x11000, s22;
	s4 =	sor.u32 s4, s21;
	s23 =	sand.u32 $0x380, s23  }
0xaf: {  	s22 =	simm.s32 $0x0;
	[dreg:$0x6] =	wrdreg s24;
	s4 =	sadd.s32 s23, s4  }
0xb0: {  	s0 =	sor.u32 s0, s21;
	s26 =	sand.u32 $0x300, s25;
	s24 =	simm.s32 $0x4400;
	v3 =	vld.idx.msk [tilespmem:v0+s4+$0x0 ss:$0x1], $0xffff  }
0xb1: {  	s24 =	sand.u32 $0x5000, s24;
	v1 =	vld [tilespmem:s3+$0x0];
	s3 =	sand.u32 $0x1000, s17;
	s23 =	sand.u32 $0x280, s5  }
0xb2: {  	v2 =	vld [tilespmem:s2+$0x0];
	s2 =	sor.u32 s24, s21;
	s24 =	sand.u32 $0x2000, s17;
	s4 =	rddreg [dreg:$0x6]  }
0xb3: {  	s5 =	sand.u32 $0x200, s17;
	s0 =	sadd.s32 s23, s0;
	s4 =	sadd.s32 s24, s4  }
0xb4: {  	s3 =	sor.u32 s21, s3;
	v6 =	vld.idx.msk [tilespmem:v0+s0+$0x0 ss:$0x1], $0xffff;
	s24 =	sadd.s32 s26, s2;
	s2 =	sadd.s32 s5, s4  }
0xb5: {  	s3 =	sadd.s32 s5, s3;
	v4 =	vld.idx.msk [tilespmem:v0+s24+$0x0 ss:$0x1], $0xffff;
	s24 =	simm.s32 $0x800;
	s4 =	sadd.s32 $0x80, s2;
	v5 =	vunpack.i.l.bf16.f32 v3  }
0xb6: {  	s26 =	sadd.s32 $0x100, s2;
	s5 =	sadd.s32 $0x180, s2;
	s29 =	sadd.s32 s19, s2;
	v7 =	vunpack.i.u.bf16.f32 v3;
	v5 =	vadd.f32 v5, v1  }
0xb7: {  	s23 =	sadd.s32 s20, s2;
	s0 =	sadd.s32 s19, s4;
	s25 =	sadd.s32 s19, s5;
	v3 =	vld.idx.msk [tilespmem:v0+s3+$0x4000 ss:$0x1], $0xffff;
	v7 =	vadd.f32 v7, v2  }
0xb8: {  	s30 =	sadd.s32 s19, s26;
	s28 =	sadd.s32 s20, s26;
	s26 =	sadd.s32 s20, s5;
	[tilespmem:s25+$0x0] =	vst.add.f32.msk $0xffff, v5  }
0xb9: {  	s31 =	sadd.s32 s20, s4;
	v5 =	vunpack.i.u.bf16.f32 v6;
	v6 =	vunpack.i.l.bf16.f32 v6;
	s25 =	simm.s32 $0x0;
	[tilespmem:s26+$0x0] =	vst.add.f32.msk $0xffff, v7;
	s26 =	simm.s32 $0x0  }
.LBB2_11:
0xba: {  	s2 =	sadd.s32 $0x4200, s24  }
0xbb: {  	s3 =	sadd.s32 $0x4600, s24;
	v6 =	vadd.f32 v6, v1;
	s25 =	sadd.s32 $0x200, s25;
	s22 =	sadd.s32 $0x4, s22  }
0xbc: {  	v5 =	vadd.f32 v5, v2;
	s5 =	sadd.s32 $0x4400, s24;
	s3 =	sand.u32 $0x5000, s3;
	s4 =	sadd.s32 $0x1180, s25  }
0xbd: {  	v7 =	vunpack.i.u.bf16.f32 v4;
	v4 =	vunpack.i.l.bf16.f32 v4;
	s26 =	sadd.s32 $0x1000, s26;
	s4 =	sand.u32 $0x380, s4;
	s3 =	sor.u32 s3, s21;
	[tilespmem:s0+$0x0] =	vst.add.f32.msk $0xffff, v6  }
0xbe: {  	v4 =	vadd.f32 v4, v1;
	s0 =	sand.u32 $0x5000, s2;
	s2 =	sand.u32 $0x5000, s5;
	s3 =	sadd.s32 s4, s3;
	[tilespmem:s31+$0x0] =	vst.add.f32.msk $0xffff, v5  }
0xbf: {  	v6 =	vadd.f32 v7, v2;
	s5 =	sand.u32 $0x1000, s24;
	s4 =	sadd.s32 $0x1080, s25;
	s31 =	sadd.s32 $0x1100, s25;
	v5 =	vld.idx.msk [tilespmem:v0+s3+$0x0 ss:$0x1], $0xffff  }
0xc0: {  	s0 =	sor.u32 s0, s21;
	s2 =	sor.u32 s2, s21;
	[tilespmem:s30+$0x0] =	vst.add.f32.msk $0xffff, v4;
	s4 =	sand.u32 $0x280, s4  }
0xc1: {  	v8 =	vunpack.i.u.bf16.f32 v3;
	v3 =	vunpack.i.l.bf16.f32 v3;
	s3 =	sor.u32 s21, s5;
	[tilespmem:s28+$0x0] =	vst.add.f32.msk $0xffff, v6;
	s5 =	sand.u32 $0x300, s31;
	s0 =	sadd.s32 s4, s0  }
0xc2: {  	s30 =	rddreg [dreg:$0x6];
	s28 =	sand.u32 $0x2000, s26;
	v3 =	vadd.f32 v3, v1;
	s2 =	sadd.s32 s5, s2;
	v6 =	vld.idx.msk [tilespmem:v0+s0+$0x0 ss:$0x1], $0xffff  }
0xc3: {  	p0 =	slt.u32 s22, $0xC;
	v7 =	vadd.f32 v8, v2;
	s4 =	sand.u32 $0x200, s25;
	s5 =	sadd.s32 s28, s30;
	v4 =	vld.idx.msk [tilespmem:v0+s2+$0x0 ss:$0x1], $0xffff  }
.Ltmp4:
0xc4: {  	s24 =	sadd.s32 $0x800, s24;
	s2 =	sadd.s32 s4, s5;
	[tilespmem:s29+$0x0] =	vst.add.f32.msk $0xffff, v3;
	v8 =	vunpack.i.l.bf16.f32 v5;
	(pc) =	sbr.rel @p0 .LBB2_11-.Ltmp4, $4  }
0xc5: {  	s3 =	sadd.s32 s4, s3;
	s5 =	sadd.s32 $0x80, s2;
	[tilespmem:s23+$0x0] =	vst.add.f32.msk $0xffff, v7;
	s23 =	sadd.s32 $0x180, s2;
	v5 =	vunpack.i.u.bf16.f32 v5;
	v7 =	vadd.f32 v8, v1  }
0xc6: {  	s0 =	sadd.s32 s19, s5;
	s31 =	sadd.s32 s20, s5;
	v3 =	vld.idx.msk [tilespmem:v0+s3+$0x4000 ss:$0x1], $0xffff;
	s5 =	sadd.s32 s19, s23;
	v8 =	vadd.f32 v5, v2  }
0xc7: {  	s4 =	sadd.s32 $0x100, s2;
	s29 =	sadd.s32 s19, s2;
	[tilespmem:s5+$0x0] =	vst.add.f32.msk $0xffff, v7;
	s5 =	sadd.s32 s20, s23  }
0xc8: {  	s30 =	sadd.s32 s19, s4;
	s28 =	sadd.s32 s20, s4;
	v5 =	vunpack.i.u.bf16.f32 v6;
	v6 =	vunpack.i.l.bf16.f32 v6;
	s23 =	sadd.s32 s20, s2;
	[tilespmem:s5+$0x0] =	vst.add.f32.msk $0xffff, v8  }
0xc9: {  	v0 =	vadd.f32 v6, v1  }
0xca: {  	v59 =	vunpack.i.l.bf16.f32 v4;
	v5 =	vadd.f32 v5, v2;
	s18 =	sadd.s32 $0x1, s18  }
0xcb: {  	v60 =	vunpack.i.u.bf16.f32 v4;
	v6 =	vadd.f32 v59, v1;
	p0 =	sne.s32 s18, $0x20;
	[tilespmem:s0+$0x0] =	vst.add.f32.msk $0xffff, v0  }
.Ltmp5:
0xcc: {  	v4 =	vadd.f32 v60, v2;
	v61 =	vunpack.i.l.bf16.f32 v3;
	[tilespmem:s31+$0x0] =	vst.add.f32.msk $0xffff, v5;
	(pc) =	sbr.rel @p0 .LBB2_10-.Ltmp5, $4  }
0xcd: {  	v62 =	vunpack.i.u.bf16.f32 v3;
	v0 =	vadd.f32 v61, v1;
	[tilespmem:s30+$0x0] =	vst.add.f32.msk $0xffff, v6  }
0xce: {  	v63 =	vadd.f32 v62, v2;
	[tilespmem:s28+$0x0] =	vst.add.f32.msk $0xffff, v4  }
0xcf: {  	[tilespmem:s29+$0x0] =	vst.add.f32.msk $0xffff, v0  }
0xd0: {  	[tilespmem:s23+$0x0] =	vst.add.f32.msk $0xffff, v63  }
0xd1: {  	s17 =	simm.s32 $0x0;
	s0 =	rddreg [dreg:$0x15]  }
0xd2: {  	[hbm4b:s0+s17] =	stream.linear.scatter [tilespmem:s10], [sflag:$0x6], $0x4000, $0x38;
	[tilespmem:$0x15000] =	vst v63  }
0xd3: {  	_ =	swait.ge [sflag:s14], $0x4000  }
0xd4: {  	[sflag:s14] =	ssyncset.done $0x0  }
0xd5: {  	s31 =	rddreg [dreg:$0x16];
	[sflag:s14] =	ssyncadd.s32 $0xFFFFC000  }
0xd6: {  	[tilespmem:s8], [sflag:$0x2] =	stream.linear.gather [hbm4b:s31+s17], $0x4000, $0x38;
	[tilespmem:$0x15000] =	vst v63  }
0xd7: {  	_ =	swait.ge [sflag:s9], $0x4000  }
0xd8: {  	[sflag:s9] =	ssyncset.done $0x0  }
0xd9: {  	s18 =	simm.s32 $0x0;
	[sflag:s9] =	ssyncadd.s32 $0xFFFFC000  }
.LBB2_14:
0xda: {  	s0 =	sshll.u32 s18, $0x7;
	s2 =	sshll.u32 s18, $0x5  }
0xdb: {  	s4 =	sshll.u32 s18, $0x4;
	s21 =	sshll.u32 s18, $0x8;
	s25 =	simm.s32 $0x6200  }
0xdc: {  	s26 =	simm.s32 $0x6600;
	s5 =	simm.s32 $0x1880;
	s3 =	sand.u32 $0x3FFFFE00, s0  }
0xdd: {  	s19 =	sand.u32 $0x60, s2;
	s4 =	sand.u32 $0x70, s4;
	s22 =	sand.u32 $0x3FFFFC00, s21  }
0xde: {  	s21 =	sand.u32 $0xC00, s0;
	s0 =	sand.u32 $0x7000, s25;
	s25 =	simm.s32 $0x1900;
	v0 =	vmov s4  }
0xdf: {  	s23 =	sadd.s32 $0x8000, s3;
	s20 =	sor.u32 $0x10, s19;
	s4 =	sand.u32 $0x7000, s26  }
0xe0: {  	s3 =	sor.u32 s19, s23;
	s2 =	sor.u32 s20, s23;
	s23 =	simm.s32 $0x1980  }
0xe1: {  	s24 =	sadd.s32 $0x9000, s22;
	s4 =	sor.u32 s4, s21;
	s23 =	sand.u32 $0x380, s23  }
0xe2: {  	s22 =	simm.s32 $0x0;
	[dreg:$0x7] =	wrdreg s24;
	s4 =	sadd.s32 s23, s4  }
0xe3: {  	s0 =	sor.u32 s0, s21;
	s26 =	sand.u32 $0x300, s25;
	s24 =	simm.s32 $0x6400;
	v3 =	vld.idx.msk [tilespmem:v0+s4+$0x0 ss:$0x1], $0xffff  }
0xe4: {  	s24 =	sand.u32 $0x7000, s24;
	v1 =	vld [tilespmem:s3+$0x0];
	s3 =	sand.u32 $0x1000, s17;
	s23 =	sand.u32 $0x280, s5  }
0xe5: {  	v2 =	vld [tilespmem:s2+$0x0];
	s2 =	sor.u32 s24, s21;
	s24 =	sand.u32 $0x2000, s17;
	s4 =	rddreg [dreg:$0x7]  }
0xe6: {  	s5 =	sand.u32 $0x200, s17;
	s0 =	sadd.s32 s23, s0;
	s4 =	sadd.s32 s24, s4  }
0xe7: {  	s3 =	sor.u32 s21, s3;
	v6 =	vld.idx.msk [tilespmem:v0+s0+$0x0 ss:$0x1], $0xffff;
	s24 =	sadd.s32 s26, s2;
	s2 =	sadd.s32 s5, s4  }
0xe8: {  	s3 =	sadd.s32 s5, s3;
	v4 =	vld.idx.msk [tilespmem:v0+s24+$0x0 ss:$0x1], $0xffff;
	s24 =	simm.s32 $0x800;
	s4 =	sadd.s32 $0x80, s2;
	v5 =	vunpack.i.l.bf16.f32 v3  }
0xe9: {  	s26 =	sadd.s32 $0x100, s2;
	s5 =	sadd.s32 $0x180, s2;
	s29 =	sadd.s32 s19, s2;
	v7 =	vunpack.i.u.bf16.f32 v3;
	v5 =	vadd.f32 v5, v1  }
0xea: {  	s23 =	sadd.s32 s20, s2;
	s0 =	sadd.s32 s19, s4;
	s25 =	sadd.s32 s19, s5;
	v3 =	vld.idx.msk [tilespmem:v0+s3+$0x6000 ss:$0x1], $0xffff;
	v7 =	vadd.f32 v7, v2  }
0xeb: {  	s30 =	sadd.s32 s19, s26;
	s28 =	sadd.s32 s20, s26;
	s26 =	sadd.s32 s20, s5;
	[tilespmem:s25+$0x0] =	vst.add.f32.msk $0xffff, v5  }
0xec: {  	s31 =	sadd.s32 s20, s4;
	v5 =	vunpack.i.u.bf16.f32 v6;
	v6 =	vunpack.i.l.bf16.f32 v6;
	s25 =	simm.s32 $0x0;
	[tilespmem:s26+$0x0] =	vst.add.f32.msk $0xffff, v7;
	s26 =	simm.s32 $0x0  }
.LBB2_15:
0xed: {  	s2 =	sadd.s32 $0x6200, s24  }
0xee: {  	s3 =	sadd.s32 $0x6600, s24;
	v6 =	vadd.f32 v6, v1;
	s25 =	sadd.s32 $0x200, s25;
	s22 =	sadd.s32 $0x4, s22  }
0xef: {  	v5 =	vadd.f32 v5, v2;
	s5 =	sadd.s32 $0x6400, s24;
	s3 =	sand.u32 $0x7000, s3;
	s4 =	sadd.s32 $0x1980, s25  }
0xf0: {  	v7 =	vunpack.i.u.bf16.f32 v4;
	v4 =	vunpack.i.l.bf16.f32 v4;
	s26 =	sadd.s32 $0x1000, s26;
	s4 =	sand.u32 $0x380, s4;
	s3 =	sor.u32 s3, s21;
	[tilespmem:s0+$0x0] =	vst.add.f32.msk $0xffff, v6  }
0xf1: {  	v4 =	vadd.f32 v4, v1;
	s0 =	sand.u32 $0x7000, s2;
	s2 =	sand.u32 $0x7000, s5;
	s3 =	sadd.s32 s4, s3;
	[tilespmem:s31+$0x0] =	vst.add.f32.msk $0xffff, v5  }
0xf2: {  	v6 =	vadd.f32 v7, v2;
	s5 =	sand.u32 $0x1000, s24;
	s4 =	sadd.s32 $0x1880, s25;
	s31 =	sadd.s32 $0x1900, s25;
	v5 =	vld.idx.msk [tilespmem:v0+s3+$0x0 ss:$0x1], $0xffff  }
0xf3: {  	s0 =	sor.u32 s0, s21;
	s2 =	sor.u32 s2, s21;
	[tilespmem:s30+$0x0] =	vst.add.f32.msk $0xffff, v4;
	s4 =	sand.u32 $0x280, s4  }
0xf4: {  	v8 =	vunpack.i.u.bf16.f32 v3;
	v3 =	vunpack.i.l.bf16.f32 v3;
	s3 =	sor.u32 s21, s5;
	[tilespmem:s28+$0x0] =	vst.add.f32.msk $0xffff, v6;
	s5 =	sand.u32 $0x300, s31;
	s0 =	sadd.s32 s4, s0  }
0xf5: {  	s30 =	rddreg [dreg:$0x7];
	s28 =	sand.u32 $0x2000, s26;
	v3 =	vadd.f32 v3, v1;
	s2 =	sadd.s32 s5, s2;
	v6 =	vld.idx.msk [tilespmem:v0+s0+$0x0 ss:$0x1], $0xffff  }
0xf6: {  	p0 =	slt.u32 s22, $0xC;
	v7 =	vadd.f32 v8, v2;
	s4 =	sand.u32 $0x200, s25;
	s5 =	sadd.s32 s28, s30;
	v4 =	vld.idx.msk [tilespmem:v0+s2+$0x0 ss:$0x1], $0xffff  }
.Ltmp6:
0xf7: {  	s24 =	sadd.s32 $0x800, s24;
	s2 =	sadd.s32 s4, s5;
	[tilespmem:s29+$0x0] =	vst.add.f32.msk $0xffff, v3;
	v8 =	vunpack.i.l.bf16.f32 v5;
	(pc) =	sbr.rel @p0 .LBB2_15-.Ltmp6, $4  }
0xf8: {  	s3 =	sadd.s32 s4, s3;
	s5 =	sadd.s32 $0x80, s2;
	[tilespmem:s23+$0x0] =	vst.add.f32.msk $0xffff, v7;
	s23 =	sadd.s32 $0x180, s2;
	v5 =	vunpack.i.u.bf16.f32 v5;
	v7 =	vadd.f32 v8, v1  }
0xf9: {  	s0 =	sadd.s32 s19, s5;
	s31 =	sadd.s32 s20, s5;
	v3 =	vld.idx.msk [tilespmem:v0+s3+$0x6000 ss:$0x1], $0xffff;
	s5 =	sadd.s32 s19, s23;
	v8 =	vadd.f32 v5, v2  }
0xfa: {  	s4 =	sadd.s32 $0x100, s2;
	s29 =	sadd.s32 s19, s2;
	[tilespmem:s5+$0x0] =	vst.add.f32.msk $0xffff, v7;
	s5 =	sadd.s32 s20, s23  }
0xfb: {  	s30 =	sadd.s32 s19, s4;
	s28 =	sadd.s32 s20, s4;
	v5 =	vunpack.i.u.bf16.f32 v6;
	v6 =	vunpack.i.l.bf16.f32 v6;
	s23 =	sadd.s32 s20, s2;
	[tilespmem:s5+$0x0] =	vst.add.f32.msk $0xffff, v8  }
0xfc: {  	v0 =	vadd.f32 v6, v1  }
0xfd: {  	v59 =	vunpack.i.l.bf16.f32 v4;
	v5 =	vadd.f32 v5, v2;
	s18 =	sadd.s32 $0x1, s18  }
0xfe: {  	v60 =	vunpack.i.u.bf16.f32 v4;
	v6 =	vadd.f32 v59, v1;
	p0 =	sne.s32 s18, $0x20;
	[tilespmem:s0+$0x0] =	vst.add.f32.msk $0xffff, v0  }
.Ltmp7:
0xff: {  	v4 =	vadd.f32 v60, v2;
	v61 =	vunpack.i.l.bf16.f32 v3;
	[tilespmem:s31+$0x0] =	vst.add.f32.msk $0xffff, v5;
	(pc) =	sbr.rel @p0 .LBB2_14-.Ltmp7, $4  }
0x100: {  	v62 =	vunpack.i.u.bf16.f32 v3;
	v0 =	vadd.f32 v61, v1;
	[tilespmem:s30+$0x0] =	vst.add.f32.msk $0xffff, v6  }
0x101: {  	v63 =	vadd.f32 v62, v2;
	[tilespmem:s28+$0x0] =	vst.add.f32.msk $0xffff, v4  }
0x102: {  	[tilespmem:s29+$0x0] =	vst.add.f32.msk $0xffff, v0  }
0x103: {  	[tilespmem:s23+$0x0] =	vst.add.f32.msk $0xffff, v63  }
0x104: {  	s17 =	simm.s32 $0x0;
	s0 =	rddreg [dreg:$0x17]  }
0x105: {  	[hbm4b:s0+s17] =	stream.linear.scatter [tilespmem:s7], [sflag:$0x4], $0x4000, $0x38;
	[tilespmem:$0x15000] =	vst v63  }
0x106: {  	_ =	swait.ge [sflag:s15], $0x4000  }
0x107: {  	[sflag:s15] =	ssyncset.done $0x0  }
0x108: {  	s31 =	rddreg [dreg:$0x18];
	[sflag:s15] =	ssyncadd.s32 $0xFFFFC000  }
0x109: {  	[tilespmem:s10], [sflag:$0x3] =	stream.linear.gather [hbm4b:s31+s17], $0x4000, $0x38;
	[tilespmem:$0x15000] =	vst v63  }
0x10a: {  	_ =	swait.ge [sflag:s11], $0x4000  }
0x10b: {  	[sflag:s11] =	ssyncset.done $0x0  }
0x10c: {  	s18 =	simm.s32 $0x0;
	[sflag:s11] =	ssyncadd.s32 $0xFFFFC000  }
.LBB2_18:
0x10d: {  	s0 =	sshll.u32 s18, $0x4  }
0x10e: {  	s0 =	sand.u32 $0x70, s0  }
0x10f: {  	s2 =	sshll.u32 s18, $0x5;
	s3 =	sshll.u32 s18, $0x7;
	v1 =	vmov s0  }
0x110: {  	s24 =	simm.s32 $0x0;
	s19 =	sand.u32 $0x60, s2;
	s23 =	sand.u32 $0x3FFFFE00, s3  }
0x111: {  	s21 =	sand.u32 $0xC00, s3;
	s2 =	sand.u32 $0x3FFFF000, s24;
	s0 =	sadd.s32 $0x8000, s23  }
0x112: {  	s4 =	sand.u32 $0x200, s17;
	s2 =	sor.u32 s2, s21;
	s25 =	sor.u32 s19, s0  }
0x113: {  	s23 =	sor.u32 $0x80, s4;
	s26 =	sadd.s32 s4, s2;
	v0 =	vld [tilespmem:s25+$0x0]  }
0x114: {  	s31 =	sadd.s32 s23, s2;
	v3 =	vld.idx.msk [tilespmem:v1+s26+$0x0 ss:$0x1], $0xffff  }
0x115: {  	s20 =	sshll.u32 s18, $0x8;
	v4 =	vld.idx.msk [tilespmem:v1+s31+$0x0 ss:$0x1], $0xffff  }
0x116: {  	s24 =	sor.u32 $0x100, s4;
	s22 =	sand.u32 $0x3FFFFC00, s20  }
0x117: {  	s20 =	sor.u32 $0x10, s19;
	s5 =	sadd.s32 s24, s2;
	s25 =	simm.s32 $0x0  }
0x118: {  	s22 =	sadd.s32 $0xD000, s22;
	v5 =	vld.idx.msk [tilespmem:v1+s5+$0x0 ss:$0x1], $0xffff;
	s26 =	sand.u32 $0x3FFFE000, s25;
	s25 =	sor.u32 $0x180, s4  }
0x119: {  	s0 =	sor.u32 s20, s0;
	s3 =	sadd.s32 s26, s22;
	s2 =	sadd.s32 s25, s2;
	v6 =	vunpack.i.l.bf16.f32 v3  }
0x11a: {  	v2 =	vld [tilespmem:s0+$0x0];
	s26 =	simm.s32 $0x800;
	s4 =	sadd.s32 s4, s3;
	s0 =	sadd.s32 s23, s3;
	v7 =	vunpack.i.l.bf16.f32 v4;
	v6 =	vadd.f32 v6, v0  }
0x11b: {  	v9 =	vld.idx.msk [tilespmem:v1+s2+$0x0 ss:$0x1], $0xffff;
	s23 =	simm.s32 $0x200;
	s31 =	sand.u32 $0x3FFFF000, s26;
	s28 =	sadd.s32 s19, s4;
	v7 =	vadd.f32 v7, v0  }
0x11c: {  	s5 =	sadd.s32 s19, s0;
	s30 =	sand.u32 $0x200, s23;
	s2 =	sor.u32 s31, s21;
	[tilespmem:s28+$0x0] =	vst.add.f32.msk $0xffff, v6  }
0x11d: {  	s31 =	sadd.s32 s30, s2;
	s29 =	sor.u32 $0x80, s30;
	v8 =	vunpack.i.l.bf16.f32 v5;
	[tilespmem:s5+$0x0] =	vst.add.f32.msk $0xffff, v7  }
0x11e: {  	s24 =	sadd.s32 s24, s3;
	v6 =	vadd.f32 v8, v0;
	v7 =	vld.idx.msk [tilespmem:v1+s31+$0x0 ss:$0x1], $0xffff;
	s5 =	sadd.s32 s29, s2  }
0x11f: {  	v4 =	vunpack.i.u.bf16.f32 v4;
	s28 =	sadd.s32 s19, s24;
	s31 =	sor.u32 $0x100, s30;
	v8 =	vunpack.i.u.bf16.f32 v5;
	v5 =	vld.idx.msk [tilespmem:v1+s5+$0x0 ss:$0x1], $0xffff  }
0x120: {  	s26 =	sadd.s32 s31, s2;
	[tilespmem:s28+$0x0] =	vst.add.f32.msk $0xffff, v6;
	s28 =	simm.s32 $0x1000;
	v6 =	vadd.f32 v4, v2  }
0x121: {  	s3 =	sadd.s32 s25, s3;
	s0 =	sadd.s32 s20, s0;
	v10 =	vunpack.i.l.bf16.f32 v9;
	v8 =	vadd.f32 v8, v2;
	v4 =	vld.idx.msk [tilespmem:v1+s26+$0x0 ss:$0x1], $0xffff;
	s5 =	sand.u32 $0x3FFFE000, s28  }
0x122: {  	v9 =	vunpack.i.u.bf16.f32 v9;
	s26 =	sadd.s32 s20, s24;
	s28 =	simm.s32 $0x4;
	s25 =	sadd.s32 s5, s22;
	[tilespmem:s0+$0x0] =	vst.add.f32.msk $0xffff, v6;
	v6 =	vadd.f32 v10, v0  }
0x123: {  	[tilespmem:s26+$0x0] =	vst.add.f32.msk $0xffff, v8;
	v8 =	vadd.f32 v9, v2;
	s5 =	sadd.s32 s19, s3;
	s3 =	sadd.s32 s20, s3;
	s24 =	sadd.s32 s30, s25  }
0x124: {  	v3 =	vunpack.i.u.bf16.f32 v3;
	s29 =	sadd.s32 s29, s25;
	s26 =	sadd.s32 s31, s25;
	s30 =	sor.u32 $0x180, s30;
	[tilespmem:s5+$0x0] =	vst.add.f32.msk $0xffff, v6  }
0x125: {  	s0 =	sadd.s32 s30, s2;
	s25 =	sadd.s32 s30, s25;
	v6 =	vadd.f32 v3, v2;
	v3 =	vunpack.i.u.bf16.f32 v7;
	v7 =	vunpack.i.l.bf16.f32 v7;
	s30 =	sadd.s32 s20, s4;
	[tilespmem:s3+$0x0] =	vst.add.f32.msk $0xffff, v8  }
.LBB2_19:
0x126: {  	s28 =	sadd.s32 $0x4, s28  }
0x127: {  	v7 =	vadd.f32 v7, v0;
	v8 =	vunpack.i.l.bf16.f32 v5;
	s2 =	sadd.s32 s19, s26;
	s23 =	sadd.s32 $0x200, s23;
	[tilespmem:s30+$0x0] =	vst.add.f32.msk $0xffff, v6;
	s30 =	sadd.s32 s19, s24  }
0x128: {  	v5 =	vunpack.i.u.bf16.f32 v5;
	s3 =	sshll.u32 s28, $0x9;
	s4 =	sshll.u32 s28, $0xA;
	v6 =	vadd.f32 v8, v0;
	v8 =	vunpack.i.l.bf16.f32 v4;
	v9 =	vld.idx.msk [tilespmem:v1+s0+$0x0 ss:$0x1], $0xffff;
	p0 =	slt.u32 s28, $0xC  }
0x129: {  	v10 =	vunpack.i.u.bf16.f32 v4;
	s0 =	sand.u32 $0x3FFFF000, s3;
	s3 =	sand.u32 $0x3FFFE000, s4;
	[tilespmem:s30+$0x0] =	vst.add.f32.msk $0xffff, v7;
	s4 =	sadd.s32 s19, s29;
	v7 =	vadd.f32 v5, v2;
	v4 =	vadd.f32 v8, v0  }
0x12a: {  	s30 =	sand.u32 $0x200, s23;
	s0 =	sor.u32 s0, s21;
	s3 =	sadd.s32 s3, s22;
	[tilespmem:s4+$0x0] =	vst.add.f32.msk $0xffff, v6  }
0x12b: {  	s5 =	sor.u32 $0x80, s30;
	s4 =	sadd.s32 s30, s0;
	s31 =	sadd.s32 s30, s3;
	[tilespmem:s2+$0x0] =	vst.add.f32.msk $0xffff, v4  }
0x12c: {  	s2 =	sadd.s32 s5, s0;
	v8 =	vld.idx.msk [tilespmem:v1+s4+$0x0 ss:$0x1], $0xffff;
	s4 =	sadd.s32 s5, s3;
	s5 =	sor.u32 $0x100, s30  }
0x12d: {  	s30 =	sor.u32 $0x180, s30;
	v5 =	vld.idx.msk [tilespmem:v1+s2+$0x0 ss:$0x1], $0xffff;
	s2 =	sadd.s32 s5, s0;
	s5 =	sadd.s32 s5, s3  }
.Ltmp8:
0x12e: {  	v6 =	vadd.f32 v10, v2;
	s0 =	sadd.s32 s30, s0;
	v10 =	vunpack.i.u.bf16.f32 v9;
	v9 =	vunpack.i.l.bf16.f32 v9;
	v4 =	vld.idx.msk [tilespmem:v1+s2+$0x0 ss:$0x1], $0xffff;
	s2 =	sadd.s32 s20, s29;
	(pc) =	sbr.rel @p0 .LBB2_19-.Ltmp8, $4  }
0x12f: {  	s3 =	sadd.s32 s30, s3;
	[tilespmem:s2+$0x0] =	vst.add.f32.msk $0xffff, v7;
	s2 =	sadd.s32 s20, s26;
	v7 =	vadd.f32 v9, v0  }
0x130: {  	s29 =	smov.u32 s4;
	v9 =	vadd.f32 v10, v2;
	s26 =	smov.u32 s5;
	[tilespmem:s2+$0x0] =	vst.add.f32.msk $0xffff, v6;
	s2 =	sadd.s32 s19, s25  }
0x131: {  	v6 =	vadd.f32 v3, v2;
	[tilespmem:s2+$0x0] =	vst.add.f32.msk $0xffff, v7;
	s2 =	sadd.s32 s20, s25;
	s25 =	smov.u32 s3  }
0x132: {  	s30 =	sadd.s32 s20, s24;
	s24 =	smov.u32 s31;
	v3 =	vunpack.i.u.bf16.f32 v8;
	v7 =	vunpack.i.l.bf16.f32 v8;
	[tilespmem:s2+$0x0] =	vst.add.f32.msk $0xffff, v9  }
0x133: {  	_ =	sdelay $0x3  }
0x134: {  	v1 =	vld.idx.msk [tilespmem:v1+s0+$0x0 ss:$0x1], $0xffff;
	v7 =	vadd.f32 v7, v0;
	v8 =	vunpack.i.l.bf16.f32 v5  }
0x135: {  	[tilespmem:s30+$0x0] =	vst.add.f32.msk $0xffff, v6;
	s21 =	sadd.s32 s19, s24;
	v57 =	vunpack.i.l.bf16.f32 v4;
	v56 =	vadd.f32 v8, v0  }
0x136: {  	s22 =	sadd.s32 s19, s29;
	v59 =	vadd.f32 v57, v0;
	[tilespmem:s21+$0x0] =	vst.add.f32.msk $0xffff, v7  }
0x137: {  	v58 =	vunpack.i.u.bf16.f32 v5;
	s2 =	sadd.s32 s19, s26;
	v63 =	vadd.f32 v3, v2;
	s18 =	sadd.s32 $0x1, s18;
	[tilespmem:s22+$0x0] =	vst.add.f32.msk $0xffff, v56  }
0x138: {  	v60 =	vunpack.i.u.bf16.f32 v4;
	s31 =	sadd.s32 s20, s24;
	v5 =	vadd.f32 v58, v2;
	p0 =	sne.s32 s18, $0x20;
	[tilespmem:s2+$0x0] =	vst.add.f32.msk $0xffff, v59  }
.Ltmp9:
0x139: {  	s23 =	sadd.s32 s20, s29;
	v4 =	vadd.f32 v60, v2;
	[tilespmem:s31+$0x0] =	vst.add.f32.msk $0xffff, v63;
	v61 =	vunpack.i.l.bf16.f32 v1;
	(pc) =	sbr.rel @p0 .LBB2_18-.Ltmp9, $4  }
0x13a: {  	s28 =	sadd.s32 s20, s26;
	[tilespmem:s23+$0x0] =	vst.add.f32.msk $0xffff, v5;
	v1 =	vunpack.i.u.bf16.f32 v1;
	v62 =	vadd.f32 v61, v0  }
0x13b: {  	s29 =	sadd.s32 s19, s25;
	[tilespmem:s28+$0x0] =	vst.add.f32.msk $0xffff, v4;
	v1 =	vadd.f32 v1, v2  }
0x13c: {  	s30 =	sadd.s32 s20, s25;
	[tilespmem:s29+$0x0] =	vst.add.f32.msk $0xffff, v62  }
0x13d: {  	[tilespmem:s30+$0x0] =	vst.add.f32.msk $0xffff, v1  }
0x13e: {  	s17 =	simm.s32 $0x0;
	s0 =	rddreg [dreg:$0x19]  }
0x13f: {  	[hbm4b:s0+s17] =	stream.linear.scatter [tilespmem:s8], [sflag:$0x5], $0x4000, $0x38;
	[tilespmem:$0x15000] =	vst v63  }
0x140: {  	_ =	swait.ge [sflag:s12], $0x4000  }
0x141: {  	[sflag:s12] =	ssyncset.done $0x0  }
0x142: {  	s31 =	rddreg [dreg:$0x1a];
	[sflag:s12] =	ssyncadd.s32 $0xFFFFC000  }
0x143: {  	[tilespmem:s7], [sflag:$0x1] =	stream.linear.gather [hbm4b:s31+s17], $0x4000, $0x38;
	[tilespmem:$0x15000] =	vst v63  }
0x144: {  	_ =	swait.ge [sflag:s13], $0x4000  }
0x145: {  	[sflag:s13] =	ssyncset.done $0x0  }
0x146: {  	s18 =	simm.s32 $0x0;
	[sflag:s13] =	ssyncadd.s32 $0xFFFFC000  }
.LBB2_22:
0x147: {  	s0 =	sshll.u32 s18, $0x7;
	s2 =	sshll.u32 s18, $0x5  }
0x148: {  	s4 =	sshll.u32 s18, $0x4;
	s5 =	sshll.u32 s18, $0x8;
	s23 =	simm.s32 $0x2200  }
0x149: {  	s24 =	simm.s32 $0x2600;
	s25 =	simm.s32 $0x980;
	s26 =	simm.s32 $0x880  }
0x14a: {  	s3 =	sand.u32 $0x3FFFFE00, s0;
	s19 =	sand.u32 $0x60, s2;
	s4 =	sand.u32 $0x70, s4  }
0x14b: {  	s5 =	sand.u32 $0x3FFFFC00, s5;
	s21 =	sadd.s32 $0x8000, s3;
	s20 =	sor.u32 $0x10, s19;
	v0 =	vmov s4  }
0x14c: {  	s22 =	sadd.s32 $0x11000, s5;
	s4 =	sand.u32 $0x3000, s24;
	s5 =	sand.u32 $0x380, s25  }
0x14d: {  	s3 =	sor.u32 s19, s21;
	s2 =	sor.u32 s20, s21;
	s21 =	sand.u32 $0xC00, s0  }
0x14e: {  	s24 =	simm.s32 $0x900;
	[dreg:$0x8] =	wrdreg s22;
	s4 =	sor.u32 s4, s21  }
0x14f: {  	s0 =	sand.u32 $0x3000, s23;
	s23 =	simm.s32 $0x2400;
	s4 =	sadd.s32 s5, s4  }
0x150: {  	s22 =	simm.s32 $0x0;
	s25 =	sand.u32 $0x300, s24;
	s23 =	sand.u32 $0x3000, s23;
	v3 =	vld.idx.msk [tilespmem:v0+s4+$0x0 ss:$0x1], $0xffff  }
0x151: {  	v1 =	vld [tilespmem:s3+$0x0];
	s3 =	sand.u32 $0x1000, s17;
	s0 =	sor.u32 s0, s21;
	s5 =	sand.u32 $0x280, s26  }
0x152: {  	v2 =	vld [tilespmem:s2+$0x0];
	s2 =	sor.u32 s23, s21;
	s23 =	sand.u32 $0x2000, s17;
	s4 =	rddreg [dreg:$0x8]  }
0x153: {  	s26 =	sand.u32 $0x200, s17;
	s0 =	sadd.s32 s5, s0;
	s4 =	sadd.s32 s23, s4  }
0x154: {  	s3 =	sor.u32 s21, s3;
	s5 =	sadd.s32 s25, s2;
	v6 =	vld.idx.msk [tilespmem:v0+s0+$0x0 ss:$0x1], $0xffff;
	s2 =	sadd.s32 s26, s4  }
0x155: {  	s3 =	sadd.s32 s26, s3;
	s4 =	sadd.s32 $0x80, s2;
	s23 =	sadd.s32 $0x100, s2;
	v5 =	vunpack.i.l.bf16.f32 v3  }
0x156: {  	v4 =	vld.idx.msk [tilespmem:v0+s5+$0x0 ss:$0x1], $0xffff;
	s24 =	sadd.s32 $0x180, s2;
	s29 =	sadd.s32 s19, s2;
	s0 =	sadd.s32 s19, s4;
	v7 =	vunpack.i.u.bf16.f32 v3;
	v5 =	vadd.f32 v5, v1  }
0x157: {  	s31 =	sadd.s32 s20, s4;
	s25 =	sadd.s32 s19, s24;
	s30 =	sadd.s32 s19, s23;
	v3 =	vld.idx.msk [tilespmem:v0+s3+$0x2000 ss:$0x1], $0xffff;
	v7 =	vadd.f32 v7, v2  }
0x158: {  	s28 =	sadd.s32 s20, s23;
	s26 =	sadd.s32 s20, s24;
	s23 =	sadd.s32 s20, s2;
	[tilespmem:s25+$0x0] =	vst.add.f32.msk $0xffff, v5  }
0x159: {  	s24 =	simm.s32 $0x800;
	v5 =	vunpack.i.u.bf16.f32 v6;
	v6 =	vunpack.i.l.bf16.f32 v6;
	s25 =	simm.s32 $0x0;
	[tilespmem:s26+$0x0] =	vst.add.f32.msk $0xffff, v7;
	s26 =	simm.s32 $0x0  }
.LBB2_23:
0x15a: {  	s2 =	sadd.s32 $0x2200, s24  }
0x15b: {  	s3 =	sadd.s32 $0x2600, s24;
	v6 =	vadd.f32 v6, v1;
	s25 =	sadd.s32 $0x200, s25;
	s22 =	sadd.s32 $0x4, s22  }
0x15c: {  	v5 =	vadd.f32 v5, v2;
	s5 =	sadd.s32 $0x2400, s24;
	s3 =	sand.u32 $0x3000, s3;
	s4 =	sadd.s32 $0x980, s25  }
0x15d: {  	s26 =	sadd.s32 $0x1000, s26;
	v8 =	vunpack.i.u.bf16.f32 v3;
	v3 =	vunpack.i.l.bf16.f32 v3;
	s4 =	sand.u32 $0x380, s4;
	s3 =	sor.u32 s3, s21;
	[tilespmem:s0+$0x0] =	vst.add.f32.msk $0xffff, v6  }
0x15e: {  	p0 =	slt.u32 s22, $0xC;
	v7 =	vunpack.i.u.bf16.f32 v4;
	v4 =	vunpack.i.l.bf16.f32 v4;
	s0 =	sand.u32 $0x3000, s2;
	v3 =	vadd.f32 v3, v1;
	s3 =	sadd.s32 s4, s3;
	[tilespmem:s31+$0x0] =	vst.add.f32.msk $0xffff, v5  }
0x15f: {  	s2 =	sand.u32 $0x3000, s5;
	s5 =	sadd.s32 $0x900, s25;
	v4 =	vadd.f32 v4, v1;
	s4 =	sadd.s32 $0x880, s25;
	v5 =	vld.idx.msk [tilespmem:v0+s3+$0x0 ss:$0x1], $0xffff  }
0x160: {  	v6 =	vadd.f32 v7, v2;
	s0 =	sor.u32 s0, s21;
	s2 =	sor.u32 s2, s21;
	s3 =	sand.u32 $0x1000, s24;
	[tilespmem:s29+$0x0] =	vst.add.f32.msk $0xffff, v3  }
0x161: {  	s4 =	sand.u32 $0x280, s4;
	[tilespmem:s30+$0x0] =	vst.add.f32.msk $0xffff, v4;
	s3 =	sor.u32 s21, s3;
	s30 =	rddreg [dreg:$0x8]  }
0x162: {  	v7 =	vadd.f32 v8, v2;
	s0 =	sadd.s32 s4, s0;
	s4 =	sand.u32 $0x300, s5;
	s5 =	sand.u32 $0x2000, s26;
	[tilespmem:s28+$0x0] =	vst.add.f32.msk $0xffff, v6  }
0x163: {  	v6 =	vld.idx.msk [tilespmem:v0+s0+$0x0 ss:$0x1], $0xffff;
	s0 =	sadd.s32 s4, s2;
	s2 =	sand.u32 $0x200, s25;
	s4 =	sadd.s32 s5, s30  }
.Ltmp10:
0x164: {  	[tilespmem:s23+$0x0] =	vst.add.f32.msk $0xffff, v7;
	s5 =	sadd.s32 s2, s3;
	s2 =	sadd.s32 s2, s4;
	v8 =	vunpack.i.l.bf16.f32 v5;
	(pc) =	sbr.rel @p0 .LBB2_23-.Ltmp10, $4  }
0x165: {  	s24 =	sadd.s32 $0x800, s24;
	v3 =	vld.idx.msk [tilespmem:v0+s5+$0x2000 ss:$0x1], $0xffff;
	s23 =	sadd.s32 $0x80, s2;
	s5 =	sadd.s32 $0x180, s2;
	v5 =	vunpack.i.u.bf16.f32 v5;
	v7 =	vadd.f32 v8, v1  }
0x166: {  	v4 =	vld.idx.msk [tilespmem:v0+s0+$0x0 ss:$0x1], $0xffff;
	s0 =	sadd.s32 s19, s23;
	s31 =	sadd.s32 s20, s23;
	s23 =	sadd.s32 s19, s5;
	v8 =	vadd.f32 v5, v2  }
0x167: {  	s4 =	sadd.s32 $0x100, s2;
	s29 =	sadd.s32 s19, s2;
	s5 =	sadd.s32 s20, s5;
	[tilespmem:s23+$0x0] =	vst.add.f32.msk $0xffff, v7  }
0x168: {  	s30 =	sadd.s32 s19, s4;
	s28 =	sadd.s32 s20, s4;
	v5 =	vunpack.i.u.bf16.f32 v6;
	v6 =	vunpack.i.l.bf16.f32 v6;
	s23 =	sadd.s32 s20, s2;
	[tilespmem:s5+$0x0] =	vst.add.f32.msk $0xffff, v8  }
0x169: {  	v0 =	vadd.f32 v6, v1  }
0x16a: {  	v5 =	vadd.f32 v5, v2;
	s18 =	sadd.s32 $0x1, s18;
	v61 =	vunpack.i.l.bf16.f32 v3  }
0x16b: {  	p0 =	sne.s32 s18, $0x20;
	v59 =	vunpack.i.l.bf16.f32 v4;
	[tilespmem:s0+$0x0] =	vst.add.f32.msk $0xffff, v0;
	v0 =	vadd.f32 v61, v1  }
.Ltmp11:
0x16c: {  	v62 =	vunpack.i.u.bf16.f32 v3;
	v6 =	vadd.f32 v59, v1;
	[tilespmem:s31+$0x0] =	vst.add.f32.msk $0xffff, v5;
	(pc) =	sbr.rel @p0 .LBB2_22-.Ltmp11, $4  }
0x16d: {  	v60 =	vunpack.i.u.bf16.f32 v4;
	v63 =	vadd.f32 v62, v2;
	[tilespmem:s29+$0x0] =	vst.add.f32.msk $0xffff, v0  }
0x16e: {  	v4 =	vadd.f32 v60, v2;
	[tilespmem:s30+$0x0] =	vst.add.f32.msk $0xffff, v6  }
0x16f: {  	[tilespmem:s23+$0x0] =	vst.add.f32.msk $0xffff, v63  }
0x170: {  	[tilespmem:s28+$0x0] =	vst.add.f32.msk $0xffff, v4  }
0x171: {  	s17 =	simm.s32 $0x0;
	s0 =	rddreg [dreg:$0x1b]  }
0x172: {  	[hbm4b:s0+s17] =	stream.linear.scatter [tilespmem:s10], [sflag:$0x6], $0x4000, $0x38;
	[tilespmem:$0x15000] =	vst v63  }
0x173: {  	_ =	swait.ge [sflag:s14], $0x4000  }
0x174: {  	[sflag:s14] =	ssyncset.done $0x0  }
0x175: {  	s31 =	rddreg [dreg:$0x1c];
	[sflag:s14] =	ssyncadd.s32 $0xFFFFC000  }
0x176: {  	[tilespmem:s8], [sflag:$0x2] =	stream.linear.gather [hbm4b:s31+s17], $0x4000, $0x38;
	[tilespmem:$0x15000] =	vst v63  }
0x177: {  	_ =	swait.ge [sflag:s9], $0x4000  }
0x178: {  	[sflag:s9] =	ssyncset.done $0x0  }
0x179: {  	s18 =	simm.s32 $0x0;
	[sflag:s9] =	ssyncadd.s32 $0xFFFFC000  }
.LBB2_26:
0x17a: {  	s0 =	sshll.u32 s18, $0x7;
	s2 =	sshll.u32 s18, $0x5  }
0x17b: {  	s4 =	sshll.u32 s18, $0x4;
	s5 =	sshll.u32 s18, $0x8;
	s23 =	simm.s32 $0x4200  }
0x17c: {  	s24 =	simm.s32 $0x4600;
	s25 =	simm.s32 $0x1180;
	s26 =	simm.s32 $0x1080  }
0x17d: {  	s3 =	sand.u32 $0x3FFFFE00, s0;
	s19 =	sand.u32 $0x60, s2;
	s4 =	sand.u32 $0x70, s4  }
0x17e: {  	s5 =	sand.u32 $0x3FFFFC00, s5;
	s21 =	sadd.s32 $0x8000, s3;
	s20 =	sor.u32 $0x10, s19;
	v0 =	vmov s4  }
0x17f: {  	s22 =	sadd.s32 $0x9000, s5;
	s4 =	sand.u32 $0x5000, s24;
	s5 =	sand.u32 $0x380, s25  }
0x180: {  	s3 =	sor.u32 s19, s21;
	s2 =	sor.u32 s20, s21;
	s21 =	sand.u32 $0xC00, s0  }
0x181: {  	s24 =	simm.s32 $0x1100;
	[dreg:$0x9] =	wrdreg s22;
	s4 =	sor.u32 s4, s21  }
0x182: {  	s0 =	sand.u32 $0x5000, s23;
	s23 =	simm.s32 $0x4400;
	s4 =	sadd.s32 s5, s4  }
0x183: {  	s22 =	simm.s32 $0x0;
	s25 =	sand.u32 $0x300, s24;
	s23 =	sand.u32 $0x5000, s23;
	v3 =	vld.idx.msk [tilespmem:v0+s4+$0x0 ss:$0x1], $0xffff  }
0x184: {  	v1 =	vld [tilespmem:s3+$0x0];
	s3 =	sand.u32 $0x1000, s17;
	s0 =	sor.u32 s0, s21;
	s5 =	sand.u32 $0x280, s26  }
0x185: {  	v2 =	vld [tilespmem:s2+$0x0];
	s2 =	sor.u32 s23, s21;
	s23 =	sand.u32 $0x2000, s17;
	s4 =	rddreg [dreg:$0x9]  }
0x186: {  	s26 =	sand.u32 $0x200, s17;
	s0 =	sadd.s32 s5, s0;
	s4 =	sadd.s32 s23, s4  }
0x187: {  	s3 =	sor.u32 s21, s3;
	s5 =	sadd.s32 s25, s2;
	v6 =	vld.idx.msk [tilespmem:v0+s0+$0x0 ss:$0x1], $0xffff;
	s2 =	sadd.s32 s26, s4  }
0x188: {  	s3 =	sadd.s32 s26, s3;
	s4 =	sadd.s32 $0x80, s2;
	s23 =	sadd.s32 $0x100, s2;
	v5 =	vunpack.i.l.bf16.f32 v3  }
0x189: {  	v4 =	vld.idx.msk [tilespmem:v0+s5+$0x0 ss:$0x1], $0xffff;
	s24 =	sadd.s32 $0x180, s2;
	s29 =	sadd.s32 s19, s2;
	s0 =	sadd.s32 s19, s4;
	v7 =	vunpack.i.u.bf16.f32 v3;
	v5 =	vadd.f32 v5, v1  }
0x18a: {  	s31 =	sadd.s32 s20, s4;
	s25 =	sadd.s32 s19, s24;
	s30 =	sadd.s32 s19, s23;
	v3 =	vld.idx.msk [tilespmem:v0+s3+$0x4000 ss:$0x1], $0xffff;
	v7 =	vadd.f32 v7, v2  }
0x18b: {  	s28 =	sadd.s32 s20, s23;
	s26 =	sadd.s32 s20, s24;
	s23 =	sadd.s32 s20, s2;
	[tilespmem:s25+$0x0] =	vst.add.f32.msk $0xffff, v5  }
0x18c: {  	s24 =	simm.s32 $0x800;
	v5 =	vunpack.i.u.bf16.f32 v6;
	v6 =	vunpack.i.l.bf16.f32 v6;
	s25 =	simm.s32 $0x0;
	[tilespmem:s26+$0x0] =	vst.add.f32.msk $0xffff, v7;
	s26 =	simm.s32 $0x0  }
.LBB2_27:
0x18d: {  	s2 =	sadd.s32 $0x4200, s24  }
0x18e: {  	s3 =	sadd.s32 $0x4600, s24;
	v6 =	vadd.f32 v6, v1;
	s25 =	sadd.s32 $0x200, s25;
	s22 =	sadd.s32 $0x4, s22  }
0x18f: {  	v5 =	vadd.f32 v5, v2;
	s5 =	sadd.s32 $0x4400, s24;
	s3 =	sand.u32 $0x5000, s3;
	s4 =	sadd.s32 $0x1180, s25  }
0x190: {  	s26 =	sadd.s32 $0x1000, s26;
	v8 =	vunpack.i.u.bf16.f32 v3;
	v3 =	vunpack.i.l.bf16.f32 v3;
	s4 =	sand.u32 $0x380, s4;
	s3 =	sor.u32 s3, s21;
	[tilespmem:s0+$0x0] =	vst.add.f32.msk $0xffff, v6  }
0x191: {  	p0 =	slt.u32 s22, $0xC;
	v7 =	vunpack.i.u.bf16.f32 v4;
	v4 =	vunpack.i.l.bf16.f32 v4;
	s0 =	sand.u32 $0x5000, s2;
	v3 =	vadd.f32 v3, v1;
	s3 =	sadd.s32 s4, s3;
	[tilespmem:s31+$0x0] =	vst.add.f32.msk $0xffff, v5  }
0x192: {  	s2 =	sand.u32 $0x5000, s5;
	s5 =	sadd.s32 $0x1100, s25;
	v4 =	vadd.f32 v4, v1;
	s4 =	sadd.s32 $0x1080, s25;
	v5 =	vld.idx.msk [tilespmem:v0+s3+$0x0 ss:$0x1], $0xffff  }
0x193: {  	v6 =	vadd.f32 v7, v2;
	s0 =	sor.u32 s0, s21;
	s2 =	sor.u32 s2, s21;
	s3 =	sand.u32 $0x1000, s24;
	[tilespmem:s29+$0x0] =	vst.add.f32.msk $0xffff, v3  }
0x194: {  	s4 =	sand.u32 $0x280, s4;
	[tilespmem:s30+$0x0] =	vst.add.f32.msk $0xffff, v4;
	s3 =	sor.u32 s21, s3;
	s30 =	rddreg [dreg:$0x9]  }
0x195: {  	v7 =	vadd.f32 v8, v2;
	s0 =	sadd.s32 s4, s0;
	s4 =	sand.u32 $0x300, s5;
	s5 =	sand.u32 $0x2000, s26;
	[tilespmem:s28+$0x0] =	vst.add.f32.msk $0xffff, v6  }
0x196: {  	v6 =	vld.idx.msk [tilespmem:v0+s0+$0x0 ss:$0x1], $0xffff;
	s0 =	sadd.s32 s4, s2;
	s2 =	sand.u32 $0x200, s25;
	s4 =	sadd.s32 s5, s30  }
.Ltmp12:
0x197: {  	[tilespmem:s23+$0x0] =	vst.add.f32.msk $0xffff, v7;
	s5 =	sadd.s32 s2, s3;
	s2 =	sadd.s32 s2, s4;
	v8 =	vunpack.i.l.bf16.f32 v5;
	(pc) =	sbr.rel @p0 .LBB2_27-.Ltmp12, $4  }
0x198: {  	s24 =	sadd.s32 $0x800, s24;
	v3 =	vld.idx.msk [tilespmem:v0+s5+$0x4000 ss:$0x1], $0xffff;
	s23 =	sadd.s32 $0x80, s2;
	s5 =	sadd.s32 $0x180, s2;
	v5 =	vunpack.i.u.bf16.f32 v5;
	v7 =	vadd.f32 v8, v1  }
0x199: {  	v4 =	vld.idx.msk [tilespmem:v0+s0+$0x0 ss:$0x1], $0xffff;
	s0 =	sadd.s32 s19, s23;
	s31 =	sadd.s32 s20, s23;
	s23 =	sadd.s32 s19, s5;
	v8 =	vadd.f32 v5, v2  }
0x19a: {  	s4 =	sadd.s32 $0x100, s2;
	s29 =	sadd.s32 s19, s2;
	s5 =	sadd.s32 s20, s5;
	[tilespmem:s23+$0x0] =	vst.add.f32.msk $0xffff, v7  }
0x19b: {  	s30 =	sadd.s32 s19, s4;
	s28 =	sadd.s32 s20, s4;
	v5 =	vunpack.i.u.bf16.f32 v6;
	v6 =	vunpack.i.l.bf16.f32 v6;
	s23 =	sadd.s32 s20, s2;
	[tilespmem:s5+$0x0] =	vst.add.f32.msk $0xffff, v8  }
0x19c: {  	v0 =	vadd.f32 v6, v1  }
0x19d: {  	v5 =	vadd.f32 v5, v2;
	s18 =	sadd.s32 $0x1, s18;
	v61 =	vunpack.i.l.bf16.f32 v3  }
0x19e: {  	p0 =	sne.s32 s18, $0x20;
	v59 =	vunpack.i.l.bf16.f32 v4;
	[tilespmem:s0+$0x0] =	vst.add.f32.msk $0xffff, v0;
	v0 =	vadd.f32 v61, v1  }
.Ltmp13:
0x19f: {  	v62 =	vunpack.i.u.bf16.f32 v3;
	v6 =	vadd.f32 v59, v1;
	[tilespmem:s31+$0x0] =	vst.add.f32.msk $0xffff, v5;
	(pc) =	sbr.rel @p0 .LBB2_26-.Ltmp13, $4  }
0x1a0: {  	v60 =	vunpack.i.u.bf16.f32 v4;
	v63 =	vadd.f32 v62, v2;
	[tilespmem:s29+$0x0] =	vst.add.f32.msk $0xffff, v0  }
0x1a1: {  	v4 =	vadd.f32 v60, v2;
	[tilespmem:s30+$0x0] =	vst.add.f32.msk $0xffff, v6  }
0x1a2: {  	[tilespmem:s23+$0x0] =	vst.add.f32.msk $0xffff, v63  }
0x1a3: {  	[tilespmem:s28+$0x0] =	vst.add.f32.msk $0xffff, v4  }
0x1a4: {  	s17 =	simm.s32 $0x0;
	s0 =	rddreg [dreg:$0x1d]  }
0x1a5: {  	[hbm4b:s0+s17] =	stream.linear.scatter [tilespmem:s7], [sflag:$0x4], $0x4000, $0x38;
	[tilespmem:$0x15000] =	vst v63  }
0x1a6: {  	_ =	swait.ge [sflag:s15], $0x4000  }
0x1a7: {  	[sflag:s15] =	ssyncset.done $0x0  }
0x1a8: {  	s31 =	rddreg [dreg:$0x1e];
	[sflag:s15] =	ssyncadd.s32 $0xFFFFC000  }
0x1a9: {  	[tilespmem:s10], [sflag:$0x3] =	stream.linear.gather [hbm4b:s31+s17], $0x4000, $0x38;
	[tilespmem:$0x15000] =	vst v63  }
0x1aa: {  	_ =	swait.ge [sflag:s11], $0x4000  }
0x1ab: {  	[sflag:s11] =	ssyncset.done $0x0  }
0x1ac: {  	s18 =	simm.s32 $0x0;
	[sflag:s11] =	ssyncadd.s32 $0xFFFFC000  }
.LBB2_30:
0x1ad: {  	s0 =	sshll.u32 s18, $0x7;
	s2 =	sshll.u32 s18, $0x5  }
0x1ae: {  	s4 =	sshll.u32 s18, $0x4;
	s5 =	sshll.u32 s18, $0x8;
	s23 =	simm.s32 $0x6200  }
0x1af: {  	s24 =	simm.s32 $0x6600;
	s25 =	simm.s32 $0x1980;
	s26 =	simm.s32 $0x1880  }
0x1b0: {  	s3 =	sand.u32 $0x3FFFFE00, s0;
	s19 =	sand.u32 $0x60, s2;
	s4 =	sand.u32 $0x70, s4  }
0x1b1: {  	s5 =	sand.u32 $0x3FFFFC00, s5;
	s21 =	sadd.s32 $0x8000, s3;
	s20 =	sor.u32 $0x10, s19;
	v0 =	vmov s4  }
0x1b2: {  	s22 =	sadd.s32 $0xD000, s5;
	s4 =	sand.u32 $0x7000, s24;
	s5 =	sand.u32 $0x380, s25  }
0x1b3: {  	s3 =	sor.u32 s19, s21;
	s2 =	sor.u32 s20, s21;
	s21 =	sand.u32 $0xC00, s0  }
0x1b4: {  	s24 =	simm.s32 $0x1900;
	[dreg:$0xa] =	wrdreg s22;
	s4 =	sor.u32 s4, s21  }
0x1b5: {  	s0 =	sand.u32 $0x7000, s23;
	s23 =	simm.s32 $0x6400;
	s4 =	sadd.s32 s5, s4  }
0x1b6: {  	s22 =	simm.s32 $0x0;
	s25 =	sand.u32 $0x300, s24;
	s23 =	sand.u32 $0x7000, s23;
	v3 =	vld.idx.msk [tilespmem:v0+s4+$0x0 ss:$0x1], $0xffff  }
0x1b7: {  	v1 =	vld [tilespmem:s3+$0x0];
	s3 =	sand.u32 $0x1000, s17;
	s0 =	sor.u32 s0, s21;
	s5 =	sand.u32 $0x280, s26  }
0x1b8: {  	v2 =	vld [tilespmem:s2+$0x0];
	s2 =	sor.u32 s23, s21;
	s23 =	sand.u32 $0x2000, s17;
	s4 =	rddreg [dreg:$0xa]  }
0x1b9: {  	s26 =	sand.u32 $0x200, s17;
	s0 =	sadd.s32 s5, s0;
	s4 =	sadd.s32 s23, s4  }
0x1ba: {  	s3 =	sor.u32 s21, s3;
	s5 =	sadd.s32 s25, s2;
	v6 =	vld.idx.msk [tilespmem:v0+s0+$0x0 ss:$0x1], $0xffff;
	s2 =	sadd.s32 s26, s4  }
0x1bb: {  	s3 =	sadd.s32 s26, s3;
	s4 =	sadd.s32 $0x80, s2;
	s23 =	sadd.s32 $0x100, s2;
	v5 =	vunpack.i.l.bf16.f32 v3  }
0x1bc: {  	v4 =	vld.idx.msk [tilespmem:v0+s5+$0x0 ss:$0x1], $0xffff;
	s24 =	sadd.s32 $0x180, s2;
	s29 =	sadd.s32 s19, s2;
	s0 =	sadd.s32 s19, s4;
	v7 =	vunpack.i.u.bf16.f32 v3;
	v5 =	vadd.f32 v5, v1  }
0x1bd: {  	s31 =	sadd.s32 s20, s4;
	s25 =	sadd.s32 s19, s24;
	s30 =	sadd.s32 s19, s23;
	v3 =	vld.idx.msk [tilespmem:v0+s3+$0x6000 ss:$0x1], $0xffff;
	v7 =	vadd.f32 v7, v2  }
0x1be: {  	s28 =	sadd.s32 s20, s23;
	s26 =	sadd.s32 s20, s24;
	s23 =	sadd.s32 s20, s2;
	[tilespmem:s25+$0x0] =	vst.add.f32.msk $0xffff, v5  }
0x1bf: {  	s24 =	simm.s32 $0x800;
	v5 =	vunpack.i.u.bf16.f32 v6;
	v6 =	vunpack.i.l.bf16.f32 v6;
	s25 =	simm.s32 $0x0;
	[tilespmem:s26+$0x0] =	vst.add.f32.msk $0xffff, v7;
	s26 =	simm.s32 $0x0  }
.LBB2_31:
0x1c0: {  	s2 =	sadd.s32 $0x6200, s24  }
0x1c1: {  	s3 =	sadd.s32 $0x6600, s24;
	v6 =	vadd.f32 v6, v1;
	s25 =	sadd.s32 $0x200, s25;
	s22 =	sadd.s32 $0x4, s22  }
0x1c2: {  	v5 =	vadd.f32 v5, v2;
	s5 =	sadd.s32 $0x6400, s24;
	s3 =	sand.u32 $0x7000, s3;
	s4 =	sadd.s32 $0x1980, s25  }
0x1c3: {  	s26 =	sadd.s32 $0x1000, s26;
	v8 =	vunpack.i.u.bf16.f32 v3;
	v3 =	vunpack.i.l.bf16.f32 v3;
	s4 =	sand.u32 $0x380, s4;
	s3 =	sor.u32 s3, s21;
	[tilespmem:s0+$0x0] =	vst.add.f32.msk $0xffff, v6  }
0x1c4: {  	p0 =	slt.u32 s22, $0xC;
	v7 =	vunpack.i.u.bf16.f32 v4;
	v4 =	vunpack.i.l.bf16.f32 v4;
	s0 =	sand.u32 $0x7000, s2;
	v3 =	vadd.f32 v3, v1;
	s3 =	sadd.s32 s4, s3;
	[tilespmem:s31+$0x0] =	vst.add.f32.msk $0xffff, v5  }
0x1c5: {  	s2 =	sand.u32 $0x7000, s5;
	s5 =	sadd.s32 $0x1900, s25;
	v4 =	vadd.f32 v4, v1;
	s4 =	sadd.s32 $0x1880, s25;
	v5 =	vld.idx.msk [tilespmem:v0+s3+$0x0 ss:$0x1], $0xffff  }
0x1c6: {  	v6 =	vadd.f32 v7, v2;
	s0 =	sor.u32 s0, s21;
	s2 =	sor.u32 s2, s21;
	s3 =	sand.u32 $0x1000, s24;
	[tilespmem:s29+$0x0] =	vst.add.f32.msk $0xffff, v3  }
0x1c7: {  	s4 =	sand.u32 $0x280, s4;
	[tilespmem:s30+$0x0] =	vst.add.f32.msk $0xffff, v4;
	s3 =	sor.u32 s21, s3;
	s30 =	rddreg [dreg:$0xa]  }
0x1c8: {  	v7 =	vadd.f32 v8, v2;
	s0 =	sadd.s32 s4, s0;
	s4 =	sand.u32 $0x300, s5;
	s5 =	sand.u32 $0x2000, s26;
	[tilespmem:s28+$0x0] =	vst.add.f32.msk $0xffff, v6  }
0x1c9: {  	v6 =	vld.idx.msk [tilespmem:v0+s0+$0x0 ss:$0x1], $0xffff;
	s0 =	sadd.s32 s4, s2;
	s2 =	sand.u32 $0x200, s25;
	s4 =	sadd.s32 s5, s30  }
.Ltmp14:
0x1ca: {  	[tilespmem:s23+$0x0] =	vst.add.f32.msk $0xffff, v7;
	s5 =	sadd.s32 s2, s3;
	s2 =	sadd.s32 s2, s4;
	v8 =	vunpack.i.l.bf16.f32 v5;
	(pc) =	sbr.rel @p0 .LBB2_31-.Ltmp14, $4  }
0x1cb: {  	s24 =	sadd.s32 $0x800, s24;
	v3 =	vld.idx.msk [tilespmem:v0+s5+$0x6000 ss:$0x1], $0xffff;
	s23 =	sadd.s32 $0x80, s2;
	s5 =	sadd.s32 $0x180, s2;
	v5 =	vunpack.i.u.bf16.f32 v5;
	v7 =	vadd.f32 v8, v1  }
0x1cc: {  	v4 =	vld.idx.msk [tilespmem:v0+s0+$0x0 ss:$0x1], $0xffff;
	s0 =	sadd.s32 s19, s23;
	s31 =	sadd.s32 s20, s23;
	s23 =	sadd.s32 s19, s5;
	v8 =	vadd.f32 v5, v2  }
0x1cd: {  	s4 =	sadd.s32 $0x100, s2;
	s29 =	sadd.s32 s19, s2;
	s5 =	sadd.s32 s20, s5;
	[tilespmem:s23+$0x0] =	vst.add.f32.msk $0xffff, v7  }
0x1ce: {  	s30 =	sadd.s32 s19, s4;
	s28 =	sadd.s32 s20, s4;
	v5 =	vunpack.i.u.bf16.f32 v6;
	v6 =	vunpack.i.l.bf16.f32 v6;
	s23 =	sadd.s32 s20, s2;
	[tilespmem:s5+$0x0] =	vst.add.f32.msk $0xffff, v8  }
0x1cf: {  	v0 =	vadd.f32 v6, v1  }
0x1d0: {  	v5 =	vadd.f32 v5, v2;
	s18 =	sadd.s32 $0x1, s18;
	v61 =	vunpack.i.l.bf16.f32 v3  }
0x1d1: {  	p0 =	sne.s32 s18, $0x20;
	v59 =	vunpack.i.l.bf16.f32 v4;
	[tilespmem:s0+$0x0] =	vst.add.f32.msk $0xffff, v0;
	v0 =	vadd.f32 v61, v1  }
.Ltmp15:
0x1d2: {  	v62 =	vunpack.i.u.bf16.f32 v3;
	v6 =	vadd.f32 v59, v1;
	[tilespmem:s31+$0x0] =	vst.add.f32.msk $0xffff, v5;
	(pc) =	sbr.rel @p0 .LBB2_30-.Ltmp15, $4  }
0x1d3: {  	v60 =	vunpack.i.u.bf16.f32 v4;
	v63 =	vadd.f32 v62, v2;
	[tilespmem:s29+$0x0] =	vst.add.f32.msk $0xffff, v0  }
0x1d4: {  	v4 =	vadd.f32 v60, v2;
	[tilespmem:s30+$0x0] =	vst.add.f32.msk $0xffff, v6  }
0x1d5: {  	[tilespmem:s23+$0x0] =	vst.add.f32.msk $0xffff, v63  }
0x1d6: {  	[tilespmem:s28+$0x0] =	vst.add.f32.msk $0xffff, v4  }
0x1d7: {  	s17 =	simm.s32 $0x0;
	s0 =	rddreg [dreg:$0x1f]  }
0x1d8: {  	[hbm4b:s0+s17] =	stream.linear.scatter [tilespmem:s8], [sflag:$0x5], $0x4000, $0x38;
	[tilespmem:$0x15000] =	vst v63  }
0x1d9: {  	_ =	swait.ge [sflag:s12], $0x4000  }
0x1da: {  	s31 =	sld [smem:$0x7EB]  }
0x1db: {  	[sflag:s12] =	ssyncset.done $0x0  }
0x1dc: {  	[sflag:s12] =	ssyncadd.s32 $0xFFFFC000  }
0x1dd: {  	[tilespmem:s7], [sflag:$0x1] =	stream.linear.gather [hbm4b:s31+s17], $0x4000, $0x38;
	[tilespmem:$0x15000] =	vst v63  }
0x1de: {  	_ =	swait.ge [sflag:s13], $0x4000  }
0x1df: {  	[sflag:s13] =	ssyncset.done $0x0  }
0x1e0: {  	s18 =	simm.s32 $0x0;
	[sflag:s13] =	ssyncadd.s32 $0xFFFFC000  }
.LBB2_34:
0x1e1: {  	s0 =	sshll.u32 s18, $0x4  }
0x1e2: {  	s0 =	sand.u32 $0x70, s0  }
0x1e3: {  	s2 =	sshll.u32 s18, $0x5;
	s3 =	sshll.u32 s18, $0x7;
	v1 =	vmov s0  }
0x1e4: {  	s23 =	simm.s32 $0x0;
	s19 =	sand.u32 $0x60, s2;
	s22 =	sand.u32 $0x3FFFFE00, s3  }
0x1e5: {  	s21 =	sand.u32 $0xC00, s3;
	s2 =	sand.u32 $0x3FFFF000, s23;
	s0 =	sadd.s32 $0x8000, s22  }
0x1e6: {  	s4 =	sand.u32 $0x200, s17;
	s2 =	sor.u32 s2, s21;
	s24 =	sor.u32 s19, s0  }
0x1e7: {  	s5 =	sor.u32 $0x80, s4;
	s25 =	sadd.s32 s4, s2;
	v0 =	vld [tilespmem:s24+$0x0]  }
0x1e8: {  	s26 =	sadd.s32 s5, s2;
	v3 =	vld.idx.msk [tilespmem:v1+s25+$0x0 ss:$0x1], $0xffff  }
0x1e9: {  	s20 =	sshll.u32 s18, $0x8;
	s23 =	sor.u32 $0x100, s4;
	v4 =	vld.idx.msk [tilespmem:v1+s26+$0x0 ss:$0x1], $0xffff  }
0x1ea: {  	s22 =	sand.u32 $0x3FFFFC00, s20;
	s31 =	sadd.s32 s23, s2;
	s24 =	simm.s32 $0x0  }
0x1eb: {  	s20 =	sor.u32 $0x10, s19;
	s22 =	sadd.s32 $0x11000, s22;
	s24 =	sand.u32 $0x3FFFE000, s24;
	v5 =	vld.idx.msk [tilespmem:v1+s31+$0x0 ss:$0x1], $0xffff  }
0x1ec: {  	s0 =	sor.u32 s20, s0;
	s3 =	sadd.s32 s24, s22  }
0x1ed: {  	v2 =	vld [tilespmem:s0+$0x0];
	s24 =	sor.u32 $0x180, s4;
	s4 =	sadd.s32 s4, s3;
	s0 =	sadd.s32 s5, s3;
	v6 =	vunpack.i.l.bf16.f32 v3  }
0x1ee: {  	s2 =	sadd.s32 s24, s2;
	s5 =	sadd.s32 s23, s3;
	s25 =	simm.s32 $0x800;
	v7 =	vunpack.i.l.bf16.f32 v4;
	v6 =	vadd.f32 v6, v0  }
0x1ef: {  	s23 =	simm.s32 $0x200;
	s26 =	sadd.s32 s19, s4;
	v9 =	vld.idx.msk [tilespmem:v1+s2+$0x0 ss:$0x1], $0xffff;
	s25 =	sand.u32 $0x3FFFF000, s25;
	v7 =	vadd.f32 v7, v0  }
0x1f0: {  	s31 =	sadd.s32 s19, s0;
	s30 =	sand.u32 $0x200, s23;
	s2 =	sor.u32 s25, s21;
	v8 =	vunpack.i.l.bf16.f32 v5;
	[tilespmem:s26+$0x0] =	vst.add.f32.msk $0xffff, v6  }
0x1f1: {  	v6 =	vadd.f32 v8, v0;
	[tilespmem:s31+$0x0] =	vst.add.f32.msk $0xffff, v7;
	s31 =	sadd.s32 s30, s2  }
0x1f2: {  	s29 =	sor.u32 $0x80, s30;
	s26 =	sadd.s32 s19, s5;
	v7 =	vld.idx.msk [tilespmem:v1+s31+$0x0 ss:$0x1], $0xffff  }
0x1f3: {  	v4 =	vunpack.i.u.bf16.f32 v4;
	s31 =	sadd.s32 s29, s2;
	[tilespmem:s26+$0x0] =	vst.add.f32.msk $0xffff, v6;
	s26 =	sor.u32 $0x100, s30  }
0x1f4: {  	s28 =	simm.s32 $0x1000;
	v8 =	vunpack.i.u.bf16.f32 v5;
	v6 =	vadd.f32 v4, v2;
	v5 =	vld.idx.msk [tilespmem:v1+s31+$0x0 ss:$0x1], $0xffff;
	s25 =	sadd.s32 s26, s2  }
0x1f5: {  	s3 =	sadd.s32 s24, s3;
	s0 =	sadd.s32 s20, s0;
	v10 =	vunpack.i.l.bf16.f32 v9;
	v8 =	vadd.f32 v8, v2;
	s31 =	sand.u32 $0x3FFFE000, s28;
	v4 =	vld.idx.msk [tilespmem:v1+s25+$0x0 ss:$0x1], $0xffff  }
0x1f6: {  	v9 =	vunpack.i.u.bf16.f32 v9;
	s28 =	simm.s32 $0x4;
	s25 =	sadd.s32 s31, s22;
	[tilespmem:s0+$0x0] =	vst.add.f32.msk $0xffff, v6;
	s31 =	sadd.s32 s20, s5;
	v6 =	vadd.f32 v10, v0  }
0x1f7: {  	s5 =	sadd.s32 s19, s3;
	s3 =	sadd.s32 s20, s3;
	s24 =	sadd.s32 s30, s25;
	[tilespmem:s31+$0x0] =	vst.add.f32.msk $0xffff, v8;
	v8 =	vadd.f32 v9, v2  }
0x1f8: {  	v3 =	vunpack.i.u.bf16.f32 v3;
	s29 =	sadd.s32 s29, s25;
	s26 =	sadd.s32 s26, s25;
	s31 =	sor.u32 $0x180, s30;
	[tilespmem:s5+$0x0] =	vst.add.f32.msk $0xffff, v6  }
0x1f9: {  	s30 =	sadd.s32 s20, s4;
	s0 =	sadd.s32 s31, s2;
	s25 =	sadd.s32 s31, s25;
	v6 =	vadd.f32 v3, v2;
	v3 =	vunpack.i.u.bf16.f32 v7;
	v7 =	vunpack.i.l.bf16.f32 v7;
	[tilespmem:s3+$0x0] =	vst.add.f32.msk $0xffff, v8  }
.LBB2_35:
0x1fa: {  	s28 =	sadd.s32 $0x4, s28  }
0x1fb: {  	v7 =	vadd.f32 v7, v0;
	v8 =	vunpack.i.l.bf16.f32 v5;
	s2 =	sadd.s32 s19, s26;
	s23 =	sadd.s32 $0x200, s23;
	[tilespmem:s30+$0x0] =	vst.add.f32.msk $0xffff, v6;
	s5 =	sadd.s32 s19, s24  }
0x1fc: {  	v5 =	vunpack.i.u.bf16.f32 v5;
	s3 =	sshll.u32 s28, $0x9;
	s4 =	sshll.u32 s28, $0xA;
	v6 =	vadd.f32 v8, v0;
	v8 =	vunpack.i.l.bf16.f32 v4;
	v9 =	vld.idx.msk [tilespmem:v1+s0+$0x0 ss:$0x1], $0xffff;
	p0 =	slt.u32 s28, $0xC  }
0x1fd: {  	v10 =	vunpack.i.u.bf16.f32 v4;
	s0 =	sand.u32 $0x3FFFF000, s3;
	s3 =	sand.u32 $0x3FFFE000, s4;
	[tilespmem:s5+$0x0] =	vst.add.f32.msk $0xffff, v7;
	s4 =	sadd.s32 s19, s29;
	v7 =	vadd.f32 v5, v2;
	v4 =	vadd.f32 v8, v0  }
0x1fe: {  	s5 =	sand.u32 $0x200, s23;
	s0 =	sor.u32 s0, s21;
	s3 =	sadd.s32 s3, s22;
	[tilespmem:s4+$0x0] =	vst.add.f32.msk $0xffff, v6  }
0x1ff: {  	s30 =	sor.u32 $0x80, s5;
	s4 =	sadd.s32 s5, s0;
	s31 =	sadd.s32 s5, s3;
	[tilespmem:s2+$0x0] =	vst.add.f32.msk $0xffff, v4  }
0x200: {  	s2 =	sadd.s32 s30, s0;
	v8 =	vld.idx.msk [tilespmem:v1+s4+$0x0 ss:$0x1], $0xffff;
	s4 =	sadd.s32 s30, s3;
	s30 =	sor.u32 $0x100, s5  }
0x201: {  	s5 =	sor.u32 $0x180, s5;
	v5 =	vld.idx.msk [tilespmem:v1+s2+$0x0 ss:$0x1], $0xffff;
	s2 =	sadd.s32 s30, s0;
	s30 =	sadd.s32 s30, s3  }
.Ltmp16:
0x202: {  	v6 =	vadd.f32 v10, v2;
	s0 =	sadd.s32 s5, s0;
	v10 =	vunpack.i.u.bf16.f32 v9;
	v9 =	vunpack.i.l.bf16.f32 v9;
	v4 =	vld.idx.msk [tilespmem:v1+s2+$0x0 ss:$0x1], $0xffff;
	s2 =	sadd.s32 s20, s29;
	(pc) =	sbr.rel @p0 .LBB2_35-.Ltmp16, $4  }
0x203: {  	s3 =	sadd.s32 s5, s3;
	[tilespmem:s2+$0x0] =	vst.add.f32.msk $0xffff, v7;
	s2 =	sadd.s32 s20, s26;
	v7 =	vadd.f32 v9, v0  }
0x204: {  	s29 =	smov.u32 s4;
	v9 =	vadd.f32 v10, v2;
	s26 =	smov.u32 s30;
	[tilespmem:s2+$0x0] =	vst.add.f32.msk $0xffff, v6;
	s2 =	sadd.s32 s19, s25  }
0x205: {  	v6 =	vadd.f32 v3, v2;
	[tilespmem:s2+$0x0] =	vst.add.f32.msk $0xffff, v7;
	s2 =	sadd.s32 s20, s25;
	s25 =	smov.u32 s3  }
0x206: {  	s30 =	sadd.s32 s20, s24;
	s24 =	smov.u32 s31;
	v3 =	vunpack.i.u.bf16.f32 v8;
	v7 =	vunpack.i.l.bf16.f32 v8;
	[tilespmem:s2+$0x0] =	vst.add.f32.msk $0xffff, v9  }
0x207: {  	_ =	sdelay $0x3  }
0x208: {  	v1 =	vld.idx.msk [tilespmem:v1+s0+$0x0 ss:$0x1], $0xffff;
	v7 =	vadd.f32 v7, v0;
	v8 =	vunpack.i.l.bf16.f32 v5  }
0x209: {  	[tilespmem:s30+$0x0] =	vst.add.f32.msk $0xffff, v6;
	s21 =	sadd.s32 s19, s24;
	v57 =	vunpack.i.l.bf16.f32 v4;
	v56 =	vadd.f32 v8, v0  }
0x20a: {  	s22 =	sadd.s32 s19, s29;
	v59 =	vadd.f32 v57, v0;
	[tilespmem:s21+$0x0] =	vst.add.f32.msk $0xffff, v7  }
0x20b: {  	v58 =	vunpack.i.u.bf16.f32 v5;
	s2 =	sadd.s32 s19, s26;
	v63 =	vadd.f32 v3, v2;
	s18 =	sadd.s32 $0x1, s18;
	[tilespmem:s22+$0x0] =	vst.add.f32.msk $0xffff, v56  }
0x20c: {  	v60 =	vunpack.i.u.bf16.f32 v4;
	s31 =	sadd.s32 s20, s24;
	v5 =	vadd.f32 v58, v2;
	p0 =	sne.s32 s18, $0x20;
	[tilespmem:s2+$0x0] =	vst.add.f32.msk $0xffff, v59  }
.Ltmp17:
0x20d: {  	s23 =	sadd.s32 s20, s29;
	v4 =	vadd.f32 v60, v2;
	[tilespmem:s31+$0x0] =	vst.add.f32.msk $0xffff, v63;
	v61 =	vunpack.i.l.bf16.f32 v1;
	(pc) =	sbr.rel @p0 .LBB2_34-.Ltmp17, $4  }
0x20e: {  	s28 =	sadd.s32 s20, s26;
	[tilespmem:s23+$0x0] =	vst.add.f32.msk $0xffff, v5;
	v1 =	vunpack.i.u.bf16.f32 v1;
	v62 =	vadd.f32 v61, v0  }
0x20f: {  	s29 =	sadd.s32 s19, s25;
	[tilespmem:s28+$0x0] =	vst.add.f32.msk $0xffff, v4;
	v1 =	vadd.f32 v1, v2  }
0x210: {  	s30 =	sadd.s32 s20, s25;
	[tilespmem:s29+$0x0] =	vst.add.f32.msk $0xffff, v62  }
0x211: {  	[tilespmem:s30+$0x0] =	vst.add.f32.msk $0xffff, v1  }
0x212: {  	s0 =	sld [smem:$0x7EC];
	_ =	sdelay $0x1  }
0x213: {  	s17 =	simm.s32 $0x0  }
0x214: {  	[hbm4b:s0+s17] =	stream.linear.scatter [tilespmem:s10], [sflag:$0x6], $0x4000, $0x38;
	[tilespmem:$0x15000] =	vst v63  }
0x215: {  	_ =	swait.ge [sflag:s14], $0x4000  }
0x216: {  	s31 =	sld [smem:$0x7EE]  }
0x217: {  	[sflag:s14] =	ssyncset.done $0x0  }
0x218: {  	[sflag:s14] =	ssyncadd.s32 $0xFFFFC000  }
0x219: {  	[tilespmem:s8], [sflag:$0x2] =	stream.linear.gather [hbm4b:s31+s17], $0x4000, $0x38;
	[tilespmem:$0x15000] =	vst v63  }
0x21a: {  	_ =	swait.ge [sflag:s9], $0x4000  }
0x21b: {  	[sflag:s9] =	ssyncset.done $0x0  }
0x21c: {  	s18 =	simm.s32 $0x0;
	[sflag:s9] =	ssyncadd.s32 $0xFFFFC000  }
.LBB2_38:
0x21d: {  	s0 =	sshll.u32 s18, $0x7;
	s2 =	sshll.u32 s18, $0x5  }
0x21e: {  	s4 =	sshll.u32 s18, $0x4;
	s5 =	sshll.u32 s18, $0x8;
	s23 =	simm.s32 $0x2200  }
0x21f: {  	s24 =	simm.s32 $0x2600;
	s25 =	simm.s32 $0x980;
	s26 =	simm.s32 $0x880  }
0x220: {  	s3 =	sand.u32 $0x3FFFFE00, s0;
	s19 =	sand.u32 $0x60, s2;
	s4 =	sand.u32 $0x70, s4  }
0x221: {  	s5 =	sand.u32 $0x3FFFFC00, s5;
	s21 =	sadd.s32 $0x8000, s3;
	s20 =	sor.u32 $0x10, s19;
	v0 =	vmov s4  }
0x222: {  	s22 =	sadd.s32 $0x9000, s5;
	s4 =	sand.u32 $0x3000, s24;
	s5 =	sand.u32 $0x380, s25  }
0x223: {  	s3 =	sor.u32 s19, s21;
	s2 =	sor.u32 s20, s21;
	s21 =	sand.u32 $0xC00, s0  }
0x224: {  	s24 =	simm.s32 $0x900;
	[dreg:$0xb] =	wrdreg s22;
	s4 =	sor.u32 s4, s21  }
0x225: {  	s0 =	sand.u32 $0x3000, s23;
	s23 =	simm.s32 $0x2400;
	s4 =	sadd.s32 s5, s4  }
0x226: {  	s22 =	simm.s32 $0x0;
	s25 =	sand.u32 $0x300, s24;
	s23 =	sand.u32 $0x3000, s23;
	v3 =	vld.idx.msk [tilespmem:v0+s4+$0x0 ss:$0x1], $0xffff  }
0x227: {  	v1 =	vld [tilespmem:s3+$0x0];
	s3 =	sand.u32 $0x1000, s17;
	s0 =	sor.u32 s0, s21;
	s5 =	sand.u32 $0x280, s26  }
0x228: {  	v2 =	vld [tilespmem:s2+$0x0];
	s2 =	sor.u32 s23, s21;
	s23 =	sand.u32 $0x2000, s17;
	s4 =	rddreg [dreg:$0xb]  }
0x229: {  	s26 =	sand.u32 $0x200, s17;
	s0 =	sadd.s32 s5, s0;
	s4 =	sadd.s32 s23, s4  }
0x22a: {  	s3 =	sor.u32 s21, s3;
	s5 =	sadd.s32 s25, s2;
	v6 =	vld.idx.msk [tilespmem:v0+s0+$0x0 ss:$0x1], $0xffff;
	s2 =	sadd.s32 s26, s4  }
0x22b: {  	s3 =	sadd.s32 s26, s3;
	s4 =	sadd.s32 $0x80, s2;
	s23 =	sadd.s32 $0x100, s2;
	v5 =	vunpack.i.l.bf16.f32 v3  }
0x22c: {  	v4 =	vld.idx.msk [tilespmem:v0+s5+$0x0 ss:$0x1], $0xffff;
	s24 =	sadd.s32 $0x180, s2;
	s29 =	sadd.s32 s19, s2;
	s0 =	sadd.s32 s19, s4;
	v7 =	vunpack.i.u.bf16.f32 v3;
	v5 =	vadd.f32 v5, v1  }
0x22d: {  	s31 =	sadd.s32 s20, s4;
	s25 =	sadd.s32 s19, s24;
	s30 =	sadd.s32 s19, s23;
	v3 =	vld.idx.msk [tilespmem:v0+s3+$0x2000 ss:$0x1], $0xffff;
	v7 =	vadd.f32 v7, v2  }
0x22e: {  	s28 =	sadd.s32 s20, s23;
	s26 =	sadd.s32 s20, s24;
	s23 =	sadd.s32 s20, s2;
	[tilespmem:s25+$0x0] =	vst.add.f32.msk $0xffff, v5  }
0x22f: {  	s24 =	simm.s32 $0x800;
	v5 =	vunpack.i.u.bf16.f32 v6;
	v6 =	vunpack.i.l.bf16.f32 v6;
	s25 =	simm.s32 $0x0;
	[tilespmem:s26+$0x0] =	vst.add.f32.msk $0xffff, v7;
	s26 =	simm.s32 $0x0  }
.LBB2_39:
0x230: {  	s2 =	sadd.s32 $0x2200, s24  }
0x231: {  	s3 =	sadd.s32 $0x2600, s24;
	v6 =	vadd.f32 v6, v1;
	s25 =	sadd.s32 $0x200, s25;
	s22 =	sadd.s32 $0x4, s22  }
0x232: {  	v5 =	vadd.f32 v5, v2;
	s5 =	sadd.s32 $0x2400, s24;
	s3 =	sand.u32 $0x3000, s3;
	s4 =	sadd.s32 $0x980, s25  }
0x233: {  	s26 =	sadd.s32 $0x1000, s26;
	v8 =	vunpack.i.u.bf16.f32 v3;
	v3 =	vunpack.i.l.bf16.f32 v3;
	s4 =	sand.u32 $0x380, s4;
	s3 =	sor.u32 s3, s21;
	[tilespmem:s0+$0x0] =	vst.add.f32.msk $0xffff, v6  }
0x234: {  	p0 =	slt.u32 s22, $0xC;
	v7 =	vunpack.i.u.bf16.f32 v4;
	v4 =	vunpack.i.l.bf16.f32 v4;
	s0 =	sand.u32 $0x3000, s2;
	v3 =	vadd.f32 v3, v1;
	s3 =	sadd.s32 s4, s3;
	[tilespmem:s31+$0x0] =	vst.add.f32.msk $0xffff, v5  }
0x235: {  	s2 =	sand.u32 $0x3000, s5;
	s5 =	sadd.s32 $0x900, s25;
	v4 =	vadd.f32 v4, v1;
	s4 =	sadd.s32 $0x880, s25;
	v5 =	vld.idx.msk [tilespmem:v0+s3+$0x0 ss:$0x1], $0xffff  }
0x236: {  	v6 =	vadd.f32 v7, v2;
	s0 =	sor.u32 s0, s21;
	s2 =	sor.u32 s2, s21;
	s3 =	sand.u32 $0x1000, s24;
	[tilespmem:s29+$0x0] =	vst.add.f32.msk $0xffff, v3  }
0x237: {  	s4 =	sand.u32 $0x280, s4;
	[tilespmem:s30+$0x0] =	vst.add.f32.msk $0xffff, v4;
	s3 =	sor.u32 s21, s3;
	s30 =	rddreg [dreg:$0xb]  }
0x238: {  	v7 =	vadd.f32 v8, v2;
	s0 =	sadd.s32 s4, s0;
	s4 =	sand.u32 $0x300, s5;
	s5 =	sand.u32 $0x2000, s26;
	[tilespmem:s28+$0x0] =	vst.add.f32.msk $0xffff, v6  }
0x239: {  	v6 =	vld.idx.msk [tilespmem:v0+s0+$0x0 ss:$0x1], $0xffff;
	s0 =	sadd.s32 s4, s2;
	s2 =	sand.u32 $0x200, s25;
	s4 =	sadd.s32 s5, s30  }
.Ltmp18:
0x23a: {  	[tilespmem:s23+$0x0] =	vst.add.f32.msk $0xffff, v7;
	s5 =	sadd.s32 s2, s3;
	s2 =	sadd.s32 s2, s4;
	v8 =	vunpack.i.l.bf16.f32 v5;
	(pc) =	sbr.rel @p0 .LBB2_39-.Ltmp18, $4  }
0x23b: {  	s24 =	sadd.s32 $0x800, s24;
	v3 =	vld.idx.msk [tilespmem:v0+s5+$0x2000 ss:$0x1], $0xffff;
	s23 =	sadd.s32 $0x80, s2;
	s5 =	sadd.s32 $0x180, s2;
	v5 =	vunpack.i.u.bf16.f32 v5;
	v7 =	vadd.f32 v8, v1  }
0x23c: {  	v4 =	vld.idx.msk [tilespmem:v0+s0+$0x0 ss:$0x1], $0xffff;
	s0 =	sadd.s32 s19, s23;
	s31 =	sadd.s32 s20, s23;
	s23 =	sadd.s32 s19, s5;
	v8 =	vadd.f32 v5, v2  }
0x23d: {  	s4 =	sadd.s32 $0x100, s2;
	s29 =	sadd.s32 s19, s2;
	s5 =	sadd.s32 s20, s5;
	[tilespmem:s23+$0x0] =	vst.add.f32.msk $0xffff, v7  }
0x23e: {  	s30 =	sadd.s32 s19, s4;
	s28 =	sadd.s32 s20, s4;
	v5 =	vunpack.i.u.bf16.f32 v6;
	v6 =	vunpack.i.l.bf16.f32 v6;
	s23 =	sadd.s32 s20, s2;
	[tilespmem:s5+$0x0] =	vst.add.f32.msk $0xffff, v8  }
0x23f: {  	v0 =	vadd.f32 v6, v1  }
0x240: {  	v5 =	vadd.f32 v5, v2;
	s18 =	sadd.s32 $0x1, s18;
	v61 =	vunpack.i.l.bf16.f32 v3  }
0x241: {  	p0 =	sne.s32 s18, $0x20;
	v59 =	vunpack.i.l.bf16.f32 v4;
	[tilespmem:s0+$0x0] =	vst.add.f32.msk $0xffff, v0;
	v0 =	vadd.f32 v61, v1  }
.Ltmp19:
0x242: {  	v62 =	vunpack.i.u.bf16.f32 v3;
	v6 =	vadd.f32 v59, v1;
	[tilespmem:s31+$0x0] =	vst.add.f32.msk $0xffff, v5;
	(pc) =	sbr.rel @p0 .LBB2_38-.Ltmp19, $4  }
0x243: {  	v60 =	vunpack.i.u.bf16.f32 v4;
	v63 =	vadd.f32 v62, v2;
	[tilespmem:s29+$0x0] =	vst.add.f32.msk $0xffff, v0  }
0x244: {  	v4 =	vadd.f32 v60, v2;
	[tilespmem:s30+$0x0] =	vst.add.f32.msk $0xffff, v6  }
0x245: {  	[tilespmem:s23+$0x0] =	vst.add.f32.msk $0xffff, v63  }
0x246: {  	[tilespmem:s28+$0x0] =	vst.add.f32.msk $0xffff, v4  }
0x247: {  	s0 =	sld [smem:$0x7ED];
	_ =	sdelay $0x1  }
0x248: {  	s17 =	simm.s32 $0x0  }
0x249: {  	[hbm4b:s0+s17] =	stream.linear.scatter [tilespmem:s7], [sflag:$0x4], $0x4000, $0x38;
	[tilespmem:$0x15000] =	vst v63  }
0x24a: {  	_ =	swait.ge [sflag:s15], $0x4000  }
0x24b: {  	s31 =	sld [smem:$0x7F0]  }
0x24c: {  	[sflag:s15] =	ssyncset.done $0x0  }
0x24d: {  	[sflag:s15] =	ssyncadd.s32 $0xFFFFC000  }
0x24e: {  	[tilespmem:s10], [sflag:$0x3] =	stream.linear.gather [hbm4b:s31+s17], $0x4000, $0x38;
	[tilespmem:$0x15000] =	vst v63  }
0x24f: {  	_ =	swait.ge [sflag:s11], $0x4000  }
0x250: {  	[sflag:s11] =	ssyncset.done $0x0  }
0x251: {  	s18 =	simm.s32 $0x0;
	[sflag:s11] =	ssyncadd.s32 $0xFFFFC000  }
.LBB2_42:
0x252: {  	s0 =	sshll.u32 s18, $0x7;
	s2 =	sshll.u32 s18, $0x5  }
0x253: {  	s4 =	sshll.u32 s18, $0x4;
	s5 =	sshll.u32 s18, $0x8;
	s23 =	simm.s32 $0x4200  }
0x254: {  	s24 =	simm.s32 $0x4600;
	s25 =	simm.s32 $0x1180;
	s26 =	simm.s32 $0x1080  }
0x255: {  	s3 =	sand.u32 $0x3FFFFE00, s0;
	s19 =	sand.u32 $0x60, s2;
	s4 =	sand.u32 $0x70, s4  }
0x256: {  	s5 =	sand.u32 $0x3FFFFC00, s5;
	s21 =	sadd.s32 $0x8000, s3;
	s20 =	sor.u32 $0x10, s19;
	v0 =	vmov s4  }
0x257: {  	s22 =	sadd.s32 $0xD000, s5;
	s4 =	sand.u32 $0x5000, s24;
	s5 =	sand.u32 $0x380, s25  }
0x258: {  	s3 =	sor.u32 s19, s21;
	s2 =	sor.u32 s20, s21;
	s21 =	sand.u32 $0xC00, s0  }
0x259: {  	s24 =	simm.s32 $0x1100;
	[dreg:$0xc] =	wrdreg s22;
	s4 =	sor.u32 s4, s21  }
0x25a: {  	s0 =	sand.u32 $0x5000, s23;
	s23 =	simm.s32 $0x4400;
	s4 =	sadd.s32 s5, s4  }
0x25b: {  	s22 =	simm.s32 $0x0;
	s25 =	sand.u32 $0x300, s24;
	s23 =	sand.u32 $0x5000, s23;
	v3 =	vld.idx.msk [tilespmem:v0+s4+$0x0 ss:$0x1], $0xffff  }
0x25c: {  	v1 =	vld [tilespmem:s3+$0x0];
	s3 =	sand.u32 $0x1000, s17;
	s0 =	sor.u32 s0, s21;
	s5 =	sand.u32 $0x280, s26  }
0x25d: {  	v2 =	vld [tilespmem:s2+$0x0];
	s2 =	sor.u32 s23, s21;
	s23 =	sand.u32 $0x2000, s17;
	s4 =	rddreg [dreg:$0xc]  }
0x25e: {  	s26 =	sand.u32 $0x200, s17;
	s0 =	sadd.s32 s5, s0;
	s4 =	sadd.s32 s23, s4  }
0x25f: {  	s3 =	sor.u32 s21, s3;
	s5 =	sadd.s32 s25, s2;
	v6 =	vld.idx.msk [tilespmem:v0+s0+$0x0 ss:$0x1], $0xffff;
	s2 =	sadd.s32 s26, s4  }
0x260: {  	s3 =	sadd.s32 s26, s3;
	s4 =	sadd.s32 $0x80, s2;
	s23 =	sadd.s32 $0x100, s2;
	v5 =	vunpack.i.l.bf16.f32 v3  }
0x261: {  	v4 =	vld.idx.msk [tilespmem:v0+s5+$0x0 ss:$0x1], $0xffff;
	s24 =	sadd.s32 $0x180, s2;
	s29 =	sadd.s32 s19, s2;
	s0 =	sadd.s32 s19, s4;
	v7 =	vunpack.i.u.bf16.f32 v3;
	v5 =	vadd.f32 v5, v1  }
0x262: {  	s31 =	sadd.s32 s20, s4;
	s25 =	sadd.s32 s19, s24;
	s30 =	sadd.s32 s19, s23;
	v3 =	vld.idx.msk [tilespmem:v0+s3+$0x4000 ss:$0x1], $0xffff;
	v7 =	vadd.f32 v7, v2  }
0x263: {  	s28 =	sadd.s32 s20, s23;
	s26 =	sadd.s32 s20, s24;
	s23 =	sadd.s32 s20, s2;
	[tilespmem:s25+$0x0] =	vst.add.f32.msk $0xffff, v5  }
0x264: {  	s24 =	simm.s32 $0x800;
	v5 =	vunpack.i.u.bf16.f32 v6;
	v6 =	vunpack.i.l.bf16.f32 v6;
	s25 =	simm.s32 $0x0;
	[tilespmem:s26+$0x0] =	vst.add.f32.msk $0xffff, v7;
	s26 =	simm.s32 $0x0  }
.LBB2_43:
0x265: {  	s2 =	sadd.s32 $0x4200, s24  }
0x266: {  	s3 =	sadd.s32 $0x4600, s24;
	v6 =	vadd.f32 v6, v1;
	s25 =	sadd.s32 $0x200, s25;
	s22 =	sadd.s32 $0x4, s22  }
0x267: {  	v5 =	vadd.f32 v5, v2;
	s5 =	sadd.s32 $0x4400, s24;
	s3 =	sand.u32 $0x5000, s3;
	s4 =	sadd.s32 $0x1180, s25  }
0x268: {  	s26 =	sadd.s32 $0x1000, s26;
	v8 =	vunpack.i.u.bf16.f32 v3;
	v3 =	vunpack.i.l.bf16.f32 v3;
	s4 =	sand.u32 $0x380, s4;
	s3 =	sor.u32 s3, s21;
	[tilespmem:s0+$0x0] =	vst.add.f32.msk $0xffff, v6  }
0x269: {  	p0 =	slt.u32 s22, $0xC;
	v7 =	vunpack.i.u.bf16.f32 v4;
	v4 =	vunpack.i.l.bf16.f32 v4;
	s0 =	sand.u32 $0x5000, s2;
	v3 =	vadd.f32 v3, v1;
	s3 =	sadd.s32 s4, s3;
	[tilespmem:s31+$0x0] =	vst.add.f32.msk $0xffff, v5  }
0x26a: {  	s2 =	sand.u32 $0x5000, s5;
	s5 =	sadd.s32 $0x1100, s25;
	v4 =	vadd.f32 v4, v1;
	s4 =	sadd.s32 $0x1080, s25;
	v5 =	vld.idx.msk [tilespmem:v0+s3+$0x0 ss:$0x1], $0xffff  }
0x26b: {  	v6 =	vadd.f32 v7, v2;
	s0 =	sor.u32 s0, s21;
	s2 =	sor.u32 s2, s21;
	s3 =	sand.u32 $0x1000, s24;
	[tilespmem:s29+$0x0] =	vst.add.f32.msk $0xffff, v3  }
0x26c: {  	s4 =	sand.u32 $0x280, s4;
	[tilespmem:s30+$0x0] =	vst.add.f32.msk $0xffff, v4;
	s3 =	sor.u32 s21, s3;
	s30 =	rddreg [dreg:$0xc]  }
0x26d: {  	v7 =	vadd.f32 v8, v2;
	s0 =	sadd.s32 s4, s0;
	s4 =	sand.u32 $0x300, s5;
	s5 =	sand.u32 $0x2000, s26;
	[tilespmem:s28+$0x0] =	vst.add.f32.msk $0xffff, v6  }
0x26e: {  	v6 =	vld.idx.msk [tilespmem:v0+s0+$0x0 ss:$0x1], $0xffff;
	s0 =	sadd.s32 s4, s2;
	s2 =	sand.u32 $0x200, s25;
	s4 =	sadd.s32 s5, s30  }
.Ltmp20:
0x26f: {  	[tilespmem:s23+$0x0] =	vst.add.f32.msk $0xffff, v7;
	s5 =	sadd.s32 s2, s3;
	s2 =	sadd.s32 s2, s4;
	v8 =	vunpack.i.l.bf16.f32 v5;
	(pc) =	sbr.rel @p0 .LBB2_43-.Ltmp20, $4  }
0x270: {  	s24 =	sadd.s32 $0x800, s24;
	v3 =	vld.idx.msk [tilespmem:v0+s5+$0x4000 ss:$0x1], $0xffff;
	s23 =	sadd.s32 $0x80, s2;
	s5 =	sadd.s32 $0x180, s2;
	v5 =	vunpack.i.u.bf16.f32 v5;
	v7 =	vadd.f32 v8, v1  }
0x271: {  	v4 =	vld.idx.msk [tilespmem:v0+s0+$0x0 ss:$0x1], $0xffff;
	s0 =	sadd.s32 s19, s23;
	s31 =	sadd.s32 s20, s23;
	s23 =	sadd.s32 s19, s5;
	v8 =	vadd.f32 v5, v2  }
0x272: {  	s4 =	sadd.s32 $0x100, s2;
	s29 =	sadd.s32 s19, s2;
	s5 =	sadd.s32 s20, s5;
	[tilespmem:s23+$0x0] =	vst.add.f32.msk $0xffff, v7  }
0x273: {  	s30 =	sadd.s32 s19, s4;
	s28 =	sadd.s32 s20, s4;
	v5 =	vunpack.i.u.bf16.f32 v6;
	v6 =	vunpack.i.l.bf16.f32 v6;
	s23 =	sadd.s32 s20, s2;
	[tilespmem:s5+$0x0] =	vst.add.f32.msk $0xffff, v8  }
0x274: {  	v0 =	vadd.f32 v6, v1  }
0x275: {  	v5 =	vadd.f32 v5, v2;
	s18 =	sadd.s32 $0x1, s18;
	v61 =	vunpack.i.l.bf16.f32 v3  }
0x276: {  	p0 =	sne.s32 s18, $0x20;
	v59 =	vunpack.i.l.bf16.f32 v4;
	[tilespmem:s0+$0x0] =	vst.add.f32.msk $0xffff, v0;
	v0 =	vadd.f32 v61, v1  }
.Ltmp21:
0x277: {  	v62 =	vunpack.i.u.bf16.f32 v3;
	v6 =	vadd.f32 v59, v1;
	[tilespmem:s31+$0x0] =	vst.add.f32.msk $0xffff, v5;
	(pc) =	sbr.rel @p0 .LBB2_42-.Ltmp21, $4  }
0x278: {  	v60 =	vunpack.i.u.bf16.f32 v4;
	v63 =	vadd.f32 v62, v2;
	[tilespmem:s29+$0x0] =	vst.add.f32.msk $0xffff, v0  }
0x279: {  	v4 =	vadd.f32 v60, v2;
	[tilespmem:s30+$0x0] =	vst.add.f32.msk $0xffff, v6  }
0x27a: {  	[tilespmem:s23+$0x0] =	vst.add.f32.msk $0xffff, v63  }
0x27b: {  	[tilespmem:s28+$0x0] =	vst.add.f32.msk $0xffff, v4  }
0x27c: {  	s0 =	sld [smem:$0x7EF];
	_ =	sdelay $0x1  }
0x27d: {  	s17 =	simm.s32 $0x0  }
0x27e: {  	[hbm4b:s0+s17] =	stream.linear.scatter [tilespmem:s8], [sflag:$0x5], $0x4000, $0x38;
	[tilespmem:$0x15000] =	vst v63  }
0x27f: {  	_ =	swait.ge [sflag:s12], $0x4000  }
0x280: {  	s31 =	sld [smem:$0x7F2]  }
0x281: {  	[sflag:s12] =	ssyncset.done $0x0  }
0x282: {  	[sflag:s12] =	ssyncadd.s32 $0xFFFFC000  }
0x283: {  	[tilespmem:s7], [sflag:$0x1] =	stream.linear.gather [hbm4b:s31+s17], $0x4000, $0x38;
	[tilespmem:$0x15000] =	vst v63  }
0x284: {  	_ =	swait.ge [sflag:s13], $0x4000  }
0x285: {  	[sflag:s13] =	ssyncset.done $0x0  }
0x286: {  	s18 =	simm.s32 $0x0;
	[sflag:s13] =	ssyncadd.s32 $0xFFFFC000  }
.LBB2_46:
0x287: {  	s0 =	sshll.u32 s18, $0x7;
	s2 =	sshll.u32 s18, $0x5  }
0x288: {  	s4 =	sshll.u32 s18, $0x4;
	s5 =	sshll.u32 s18, $0x8;
	s23 =	simm.s32 $0x6200  }
0x289: {  	s24 =	simm.s32 $0x6600;
	s25 =	simm.s32 $0x1980;
	s26 =	simm.s32 $0x1880  }
0x28a: {  	s3 =	sand.u32 $0x3FFFFE00, s0;
	s19 =	sand.u32 $0x60, s2;
	s4 =	sand.u32 $0x70, s4  }
0x28b: {  	s5 =	sand.u32 $0x3FFFFC00, s5;
	s21 =	sadd.s32 $0x8000, s3;
	s20 =	sor.u32 $0x10, s19;
	v0 =	vmov s4  }
0x28c: {  	s22 =	sadd.s32 $0x11000, s5;
	s4 =	sand.u32 $0x7000, s24;
	s5 =	sand.u32 $0x380, s25  }
0x28d: {  	s3 =	sor.u32 s19, s21;
	s2 =	sor.u32 s20, s21;
	s21 =	sand.u32 $0xC00, s0  }
0x28e: {  	s24 =	simm.s32 $0x1900;
	[dreg:$0xd] =	wrdreg s22;
	s4 =	sor.u32 s4, s21  }
0x28f: {  	s0 =	sand.u32 $0x7000, s23;
	s23 =	simm.s32 $0x6400;
	s4 =	sadd.s32 s5, s4  }
0x290: {  	s22 =	simm.s32 $0x0;
	s25 =	sand.u32 $0x300, s24;
	s23 =	sand.u32 $0x7000, s23;
	v3 =	vld.idx.msk [tilespmem:v0+s4+$0x0 ss:$0x1], $0xffff  }
0x291: {  	v1 =	vld [tilespmem:s3+$0x0];
	s3 =	sand.u32 $0x1000, s17;
	s0 =	sor.u32 s0, s21;
	s5 =	sand.u32 $0x280, s26  }
0x292: {  	v2 =	vld [tilespmem:s2+$0x0];
	s2 =	sor.u32 s23, s21;
	s23 =	sand.u32 $0x2000, s17;
	s4 =	rddreg [dreg:$0xd]  }
0x293: {  	s26 =	sand.u32 $0x200, s17;
	s0 =	sadd.s32 s5, s0;
	s4 =	sadd.s32 s23, s4  }
0x294: {  	s3 =	sor.u32 s21, s3;
	s5 =	sadd.s32 s25, s2;
	v6 =	vld.idx.msk [tilespmem:v0+s0+$0x0 ss:$0x1], $0xffff;
	s2 =	sadd.s32 s26, s4  }
0x295: {  	s3 =	sadd.s32 s26, s3;
	s4 =	sadd.s32 $0x80, s2;
	s23 =	sadd.s32 $0x100, s2;
	v5 =	vunpack.i.l.bf16.f32 v3  }
0x296: {  	v4 =	vld.idx.msk [tilespmem:v0+s5+$0x0 ss:$0x1], $0xffff;
	s24 =	sadd.s32 $0x180, s2;
	s29 =	sadd.s32 s19, s2;
	s0 =	sadd.s32 s19, s4;
	v7 =	vunpack.i.u.bf16.f32 v3;
	v5 =	vadd.f32 v5, v1  }
0x297: {  	s31 =	sadd.s32 s20, s4;
	s25 =	sadd.s32 s19, s24;
	s30 =	sadd.s32 s19, s23;
	v3 =	vld.idx.msk [tilespmem:v0+s3+$0x6000 ss:$0x1], $0xffff;
	v7 =	vadd.f32 v7, v2  }
0x298: {  	s28 =	sadd.s32 s20, s23;
	s26 =	sadd.s32 s20, s24;
	s23 =	sadd.s32 s20, s2;
	[tilespmem:s25+$0x0] =	vst.add.f32.msk $0xffff, v5  }
0x299: {  	s24 =	simm.s32 $0x800;
	v5 =	vunpack.i.u.bf16.f32 v6;
	v6 =	vunpack.i.l.bf16.f32 v6;
	s25 =	simm.s32 $0x0;
	[tilespmem:s26+$0x0] =	vst.add.f32.msk $0xffff, v7;
	s26 =	simm.s32 $0x0  }
.LBB2_47:
0x29a: {  	s2 =	sadd.s32 $0x6200, s24  }
0x29b: {  	s3 =	sadd.s32 $0x6600, s24;
	v6 =	vadd.f32 v6, v1;
	s25 =	sadd.s32 $0x200, s25;
	s22 =	sadd.s32 $0x4, s22  }
0x29c: {  	v5 =	vadd.f32 v5, v2;
	s5 =	sadd.s32 $0x6400, s24;
	s3 =	sand.u32 $0x7000, s3;
	s4 =	sadd.s32 $0x1980, s25  }
0x29d: {  	s26 =	sadd.s32 $0x1000, s26;
	v8 =	vunpack.i.u.bf16.f32 v3;
	v3 =	vunpack.i.l.bf16.f32 v3;
	s4 =	sand.u32 $0x380, s4;
	s3 =	sor.u32 s3, s21;
	[tilespmem:s0+$0x0] =	vst.add.f32.msk $0xffff, v6  }
0x29e: {  	p0 =	slt.u32 s22, $0xC;
	v7 =	vunpack.i.u.bf16.f32 v4;
	v4 =	vunpack.i.l.bf16.f32 v4;
	s0 =	sand.u32 $0x7000, s2;
	v3 =	vadd.f32 v3, v1;
	s3 =	sadd.s32 s4, s3;
	[tilespmem:s31+$0x0] =	vst.add.f32.msk $0xffff, v5  }
0x29f: {  	s2 =	sand.u32 $0x7000, s5;
	s5 =	sadd.s32 $0x1900, s25;
	v4 =	vadd.f32 v4, v1;
	s4 =	sadd.s32 $0x1880, s25;
	v5 =	vld.idx.msk [tilespmem:v0+s3+$0x0 ss:$0x1], $0xffff  }
0x2a0: {  	v6 =	vadd.f32 v7, v2;
	s0 =	sor.u32 s0, s21;
	s2 =	sor.u32 s2, s21;
	s3 =	sand.u32 $0x1000, s24;
	[tilespmem:s29+$0x0] =	vst.add.f32.msk $0xffff, v3  }
0x2a1: {  	s4 =	sand.u32 $0x280, s4;
	[tilespmem:s30+$0x0] =	vst.add.f32.msk $0xffff, v4;
	s3 =	sor.u32 s21, s3;
	s30 =	rddreg [dreg:$0xd]  }
0x2a2: {  	v7 =	vadd.f32 v8, v2;
	s0 =	sadd.s32 s4, s0;
	s4 =	sand.u32 $0x300, s5;
	s5 =	sand.u32 $0x2000, s26;
	[tilespmem:s28+$0x0] =	vst.add.f32.msk $0xffff, v6  }
0x2a3: {  	v6 =	vld.idx.msk [tilespmem:v0+s0+$0x0 ss:$0x1], $0xffff;
	s0 =	sadd.s32 s4, s2;
	s2 =	sand.u32 $0x200, s25;
	s4 =	sadd.s32 s5, s30  }
.Ltmp22:
0x2a4: {  	[tilespmem:s23+$0x0] =	vst.add.f32.msk $0xffff, v7;
	s5 =	sadd.s32 s2, s3;
	s2 =	sadd.s32 s2, s4;
	v8 =	vunpack.i.l.bf16.f32 v5;
	(pc) =	sbr.rel @p0 .LBB2_47-.Ltmp22, $4  }
0x2a5: {  	s24 =	sadd.s32 $0x800, s24;
	v3 =	vld.idx.msk [tilespmem:v0+s5+$0x6000 ss:$0x1], $0xffff;
	s23 =	sadd.s32 $0x80, s2;
	s5 =	sadd.s32 $0x180, s2;
	v5 =	vunpack.i.u.bf16.f32 v5;
	v7 =	vadd.f32 v8, v1  }
0x2a6: {  	v4 =	vld.idx.msk [tilespmem:v0+s0+$0x0 ss:$0x1], $0xffff;
	s0 =	sadd.s32 s19, s23;
	s31 =	sadd.s32 s20, s23;
	s23 =	sadd.s32 s19, s5;
	v8 =	vadd.f32 v5, v2  }
0x2a7: {  	s4 =	sadd.s32 $0x100, s2;
	s29 =	sadd.s32 s19, s2;
	s5 =	sadd.s32 s20, s5;
	[tilespmem:s23+$0x0] =	vst.add.f32.msk $0xffff, v7  }
0x2a8: {  	s30 =	sadd.s32 s19, s4;
	s28 =	sadd.s32 s20, s4;
	v5 =	vunpack.i.u.bf16.f32 v6;
	v6 =	vunpack.i.l.bf16.f32 v6;
	s23 =	sadd.s32 s20, s2;
	[tilespmem:s5+$0x0] =	vst.add.f32.msk $0xffff, v8  }
0x2a9: {  	v0 =	vadd.f32 v6, v1  }
0x2aa: {  	v5 =	vadd.f32 v5, v2;
	s18 =	sadd.s32 $0x1, s18;
	v61 =	vunpack.i.l.bf16.f32 v3  }
0x2ab: {  	p0 =	sne.s32 s18, $0x20;
	v59 =	vunpack.i.l.bf16.f32 v4;
	[tilespmem:s0+$0x0] =	vst.add.f32.msk $0xffff, v0;
	v0 =	vadd.f32 v61, v1  }
.Ltmp23:
0x2ac: {  	v62 =	vunpack.i.u.bf16.f32 v3;
	v6 =	vadd.f32 v59, v1;
	[tilespmem:s31+$0x0] =	vst.add.f32.msk $0xffff, v5;
	(pc) =	sbr.rel @p0 .LBB2_46-.Ltmp23, $4  }
0x2ad: {  	v60 =	vunpack.i.u.bf16.f32 v4;
	v63 =	vadd.f32 v62, v2;
	[tilespmem:s29+$0x0] =	vst.add.f32.msk $0xffff, v0  }
0x2ae: {  	v4 =	vadd.f32 v60, v2;
	[tilespmem:s30+$0x0] =	vst.add.f32.msk $0xffff, v6  }
0x2af: {  	[tilespmem:s23+$0x0] =	vst.add.f32.msk $0xffff, v63  }
0x2b0: {  	[tilespmem:s28+$0x0] =	vst.add.f32.msk $0xffff, v4  }
0x2b1: {  	s0 =	sld [smem:$0x7F1];
	_ =	sdelay $0x1  }
0x2b2: {  	s17 =	simm.s32 $0x0  }
0x2b3: {  	[hbm4b:s0+s17] =	stream.linear.scatter [tilespmem:s10], [sflag:$0x6], $0x4000, $0x38;
	[tilespmem:$0x15000] =	vst v63  }
0x2b4: {  	_ =	swait.ge [sflag:s14], $0x4000  }
0x2b5: {  	s31 =	sld [smem:$0x7F4]  }
0x2b6: {  	[sflag:s14] =	ssyncset.done $0x0  }
0x2b7: {  	[sflag:s14] =	ssyncadd.s32 $0xFFFFC000  }
0x2b8: {  	[tilespmem:s8], [sflag:$0x2] =	stream.linear.gather [hbm4b:s31+s17], $0x4000, $0x38;
	[tilespmem:$0x15000] =	vst v63  }
0x2b9: {  	_ =	swait.ge [sflag:s9], $0x4000  }
0x2ba: {  	[sflag:s9] =	ssyncset.done $0x0  }
0x2bb: {  	s18 =	simm.s32 $0x0;
	[sflag:s9] =	ssyncadd.s32 $0xFFFFC000  }
.LBB2_50:
0x2bc: {  	s0 =	sshll.u32 s18, $0x4  }
0x2bd: {  	s0 =	sand.u32 $0x70, s0  }
0x2be: {  	s2 =	sshll.u32 s18, $0x5;
	s3 =	sshll.u32 s18, $0x7;
	v1 =	vmov s0  }
0x2bf: {  	s23 =	simm.s32 $0x0;
	s19 =	sand.u32 $0x60, s2;
	s22 =	sand.u32 $0x3FFFFE00, s3  }
0x2c0: {  	s21 =	sand.u32 $0xC00, s3;
	s2 =	sand.u32 $0x3FFFF000, s23;
	s0 =	sadd.s32 $0x8000, s22  }
0x2c1: {  	s4 =	sand.u32 $0x200, s17;
	s2 =	sor.u32 s2, s21;
	s24 =	sor.u32 s19, s0  }
0x2c2: {  	s5 =	sor.u32 $0x80, s4;
	s25 =	sadd.s32 s4, s2;
	v0 =	vld [tilespmem:s24+$0x0]  }
0x2c3: {  	s26 =	sadd.s32 s5, s2;
	v3 =	vld.idx.msk [tilespmem:v1+s25+$0x0 ss:$0x1], $0xffff  }
0x2c4: {  	s20 =	sshll.u32 s18, $0x8;
	s23 =	sor.u32 $0x100, s4;
	v4 =	vld.idx.msk [tilespmem:v1+s26+$0x0 ss:$0x1], $0xffff  }
0x2c5: {  	s22 =	sand.u32 $0x3FFFFC00, s20;
	s31 =	sadd.s32 s23, s2;
	s24 =	simm.s32 $0x0  }
0x2c6: {  	s20 =	sor.u32 $0x10, s19;
	s22 =	sadd.s32 $0x9000, s22;
	s24 =	sand.u32 $0x3FFFE000, s24;
	v5 =	vld.idx.msk [tilespmem:v1+s31+$0x0 ss:$0x1], $0xffff  }
0x2c7: {  	s0 =	sor.u32 s20, s0;
	s3 =	sadd.s32 s24, s22  }
0x2c8: {  	v2 =	vld [tilespmem:s0+$0x0];
	s24 =	sor.u32 $0x180, s4;
	s4 =	sadd.s32 s4, s3;
	s0 =	sadd.s32 s5, s3;
	v6 =	vunpack.i.l.bf16.f32 v3  }
0x2c9: {  	s2 =	sadd.s32 s24, s2;
	s5 =	sadd.s32 s23, s3;
	s25 =	simm.s32 $0x800;
	v7 =	vunpack.i.l.bf16.f32 v4;
	v6 =	vadd.f32 v6, v0  }
0x2ca: {  	s23 =	simm.s32 $0x200;
	s26 =	sadd.s32 s19, s4;
	v9 =	vld.idx.msk [tilespmem:v1+s2+$0x0 ss:$0x1], $0xffff;
	s25 =	sand.u32 $0x3FFFF000, s25;
	v7 =	vadd.f32 v7, v0  }
0x2cb: {  	s31 =	sadd.s32 s19, s0;
	s30 =	sand.u32 $0x200, s23;
	s2 =	sor.u32 s25, s21;
	v8 =	vunpack.i.l.bf16.f32 v5;
	[tilespmem:s26+$0x0] =	vst.add.f32.msk $0xffff, v6  }
0x2cc: {  	v6 =	vadd.f32 v8, v0;
	[tilespmem:s31+$0x0] =	vst.add.f32.msk $0xffff, v7;
	s31 =	sadd.s32 s30, s2  }
0x2cd: {  	s29 =	sor.u32 $0x80, s30;
	s26 =	sadd.s32 s19, s5;
	v7 =	vld.idx.msk [tilespmem:v1+s31+$0x0 ss:$0x1], $0xffff  }
0x2ce: {  	v4 =	vunpack.i.u.bf16.f32 v4;
	s31 =	sadd.s32 s29, s2;
	[tilespmem:s26+$0x0] =	vst.add.f32.msk $0xffff, v6;
	s26 =	sor.u32 $0x100, s30  }
0x2cf: {  	s28 =	simm.s32 $0x1000;
	v8 =	vunpack.i.u.bf16.f32 v5;
	v6 =	vadd.f32 v4, v2;
	v5 =	vld.idx.msk [tilespmem:v1+s31+$0x0 ss:$0x1], $0xffff;
	s25 =	sadd.s32 s26, s2  }
0x2d0: {  	s3 =	sadd.s32 s24, s3;
	s0 =	sadd.s32 s20, s0;
	v10 =	vunpack.i.l.bf16.f32 v9;
	v8 =	vadd.f32 v8, v2;
	s31 =	sand.u32 $0x3FFFE000, s28;
	v4 =	vld.idx.msk [tilespmem:v1+s25+$0x0 ss:$0x1], $0xffff  }
0x2d1: {  	v9 =	vunpack.i.u.bf16.f32 v9;
	s28 =	simm.s32 $0x4;
	s25 =	sadd.s32 s31, s22;
	[tilespmem:s0+$0x0] =	vst.add.f32.msk $0xffff, v6;
	s31 =	sadd.s32 s20, s5;
	v6 =	vadd.f32 v10, v0  }
0x2d2: {  	s5 =	sadd.s32 s19, s3;
	s3 =	sadd.s32 s20, s3;
	s24 =	sadd.s32 s30, s25;
	[tilespmem:s31+$0x0] =	vst.add.f32.msk $0xffff, v8;
	v8 =	vadd.f32 v9, v2  }
0x2d3: {  	v3 =	vunpack.i.u.bf16.f32 v3;
	s29 =	sadd.s32 s29, s25;
	s26 =	sadd.s32 s26, s25;
	s31 =	sor.u32 $0x180, s30;
	[tilespmem:s5+$0x0] =	vst.add.f32.msk $0xffff, v6  }
0x2d4: {  	s30 =	sadd.s32 s20, s4;
	s0 =	sadd.s32 s31, s2;
	s25 =	sadd.s32 s31, s25;
	v6 =	vadd.f32 v3, v2;
	v3 =	vunpack.i.u.bf16.f32 v7;
	v7 =	vunpack.i.l.bf16.f32 v7;
	[tilespmem:s3+$0x0] =	vst.add.f32.msk $0xffff, v8  }
.LBB2_51:
0x2d5: {  	s28 =	sadd.s32 $0x4, s28  }
0x2d6: {  	v7 =	vadd.f32 v7, v0;
	v8 =	vunpack.i.l.bf16.f32 v5;
	s2 =	sadd.s32 s19, s26;
	s23 =	sadd.s32 $0x200, s23;
	[tilespmem:s30+$0x0] =	vst.add.f32.msk $0xffff, v6;
	s5 =	sadd.s32 s19, s24  }
0x2d7: {  	v5 =	vunpack.i.u.bf16.f32 v5;
	s3 =	sshll.u32 s28, $0x9;
	s4 =	sshll.u32 s28, $0xA;
	v6 =	vadd.f32 v8, v0;
	v8 =	vunpack.i.l.bf16.f32 v4;
	v9 =	vld.idx.msk [tilespmem:v1+s0+$0x0 ss:$0x1], $0xffff;
	p0 =	slt.u32 s28, $0xC  }
0x2d8: {  	v10 =	vunpack.i.u.bf16.f32 v4;
	s0 =	sand.u32 $0x3FFFF000, s3;
	s3 =	sand.u32 $0x3FFFE000, s4;
	[tilespmem:s5+$0x0] =	vst.add.f32.msk $0xffff, v7;
	s4 =	sadd.s32 s19, s29;
	v7 =	vadd.f32 v5, v2;
	v4 =	vadd.f32 v8, v0  }
0x2d9: {  	s5 =	sand.u32 $0x200, s23;
	s0 =	sor.u32 s0, s21;
	s3 =	sadd.s32 s3, s22;
	[tilespmem:s4+$0x0] =	vst.add.f32.msk $0xffff, v6  }
0x2da: {  	s30 =	sor.u32 $0x80, s5;
	s4 =	sadd.s32 s5, s0;
	s31 =	sadd.s32 s5, s3;
	[tilespmem:s2+$0x0] =	vst.add.f32.msk $0xffff, v4  }
0x2db: {  	s2 =	sadd.s32 s30, s0;
	v8 =	vld.idx.msk [tilespmem:v1+s4+$0x0 ss:$0x1], $0xffff;
	s4 =	sadd.s32 s30, s3;
	s30 =	sor.u32 $0x100, s5  }
0x2dc: {  	s5 =	sor.u32 $0x180, s5;
	v5 =	vld.idx.msk [tilespmem:v1+s2+$0x0 ss:$0x1], $0xffff;
	s2 =	sadd.s32 s30, s0;
	s30 =	sadd.s32 s30, s3  }
.Ltmp24:
0x2dd: {  	v6 =	vadd.f32 v10, v2;
	s0 =	sadd.s32 s5, s0;
	v10 =	vunpack.i.u.bf16.f32 v9;
	v9 =	vunpack.i.l.bf16.f32 v9;
	v4 =	vld.idx.msk [tilespmem:v1+s2+$0x0 ss:$0x1], $0xffff;
	s2 =	sadd.s32 s20, s29;
	(pc) =	sbr.rel @p0 .LBB2_51-.Ltmp24, $4  }
0x2de: {  	s3 =	sadd.s32 s5, s3;
	[tilespmem:s2+$0x0] =	vst.add.f32.msk $0xffff, v7;
	s2 =	sadd.s32 s20, s26;
	v7 =	vadd.f32 v9, v0  }
0x2df: {  	s29 =	smov.u32 s4;
	v9 =	vadd.f32 v10, v2;
	s26 =	smov.u32 s30;
	[tilespmem:s2+$0x0] =	vst.add.f32.msk $0xffff, v6;
	s2 =	sadd.s32 s19, s25  }
0x2e0: {  	v6 =	vadd.f32 v3, v2;
	[tilespmem:s2+$0x0] =	vst.add.f32.msk $0xffff, v7;
	s2 =	sadd.s32 s20, s25;
	s25 =	smov.u32 s3  }
0x2e1: {  	s30 =	sadd.s32 s20, s24;
	s24 =	smov.u32 s31;
	v3 =	vunpack.i.u.bf16.f32 v8;
	v7 =	vunpack.i.l.bf16.f32 v8;
	[tilespmem:s2+$0x0] =	vst.add.f32.msk $0xffff, v9  }
0x2e2: {  	_ =	sdelay $0x3  }
0x2e3: {  	v1 =	vld.idx.msk [tilespmem:v1+s0+$0x0 ss:$0x1], $0xffff;
	v7 =	vadd.f32 v7, v0;
	v8 =	vunpack.i.l.bf16.f32 v5  }
0x2e4: {  	[tilespmem:s30+$0x0] =	vst.add.f32.msk $0xffff, v6;
	s21 =	sadd.s32 s19, s24;
	v57 =	vunpack.i.l.bf16.f32 v4;
	v56 =	vadd.f32 v8, v0  }
0x2e5: {  	s22 =	sadd.s32 s19, s29;
	v59 =	vadd.f32 v57, v0;
	[tilespmem:s21+$0x0] =	vst.add.f32.msk $0xffff, v7  }
0x2e6: {  	v58 =	vunpack.i.u.bf16.f32 v5;
	s2 =	sadd.s32 s19, s26;
	v63 =	vadd.f32 v3, v2;
	s18 =	sadd.s32 $0x1, s18;
	[tilespmem:s22+$0x0] =	vst.add.f32.msk $0xffff, v56  }
0x2e7: {  	v60 =	vunpack.i.u.bf16.f32 v4;
	s31 =	sadd.s32 s20, s24;
	v5 =	vadd.f32 v58, v2;
	p0 =	sne.s32 s18, $0x20;
	[tilespmem:s2+$0x0] =	vst.add.f32.msk $0xffff, v59  }
.Ltmp25:
0x2e8: {  	s23 =	sadd.s32 s20, s29;
	v4 =	vadd.f32 v60, v2;
	[tilespmem:s31+$0x0] =	vst.add.f32.msk $0xffff, v63;
	v61 =	vunpack.i.l.bf16.f32 v1;
	(pc) =	sbr.rel @p0 .LBB2_50-.Ltmp25, $4  }
0x2e9: {  	s28 =	sadd.s32 s20, s26;
	[tilespmem:s23+$0x0] =	vst.add.f32.msk $0xffff, v5;
	v1 =	vunpack.i.u.bf16.f32 v1;
	v62 =	vadd.f32 v61, v0  }
0x2ea: {  	s29 =	sadd.s32 s19, s25;
	[tilespmem:s28+$0x0] =	vst.add.f32.msk $0xffff, v4;
	v1 =	vadd.f32 v1, v2  }
0x2eb: {  	s30 =	sadd.s32 s20, s25;
	[tilespmem:s29+$0x0] =	vst.add.f32.msk $0xffff, v62  }
0x2ec: {  	[tilespmem:s30+$0x0] =	vst.add.f32.msk $0xffff, v1  }
0x2ed: {  	s0 =	sld [smem:$0x7F3];
	_ =	sdelay $0x1  }
0x2ee: {  	s17 =	simm.s32 $0x0  }
0x2ef: {  	[hbm4b:s0+s17] =	stream.linear.scatter [tilespmem:s7], [sflag:$0x4], $0x4000, $0x38;
	[tilespmem:$0x15000] =	vst v63  }
0x2f0: {  	_ =	swait.ge [sflag:s15], $0x4000  }
0x2f1: {  	s31 =	sld [smem:$0x7F8]  }
0x2f2: {  	[sflag:s15] =	ssyncset.done $0x0  }
0x2f3: {  	[sflag:s15] =	ssyncadd.s32 $0xFFFFC000  }
0x2f4: {  	[tilespmem:s10], [sflag:$0x3] =	stream.linear.gather [hbm4b:s31+s17], $0x4000, $0x38;
	[tilespmem:$0x15000] =	vst v63  }
0x2f5: {  	_ =	swait.ge [sflag:s11], $0x4000  }
0x2f6: {  	[sflag:s11] =	ssyncset.done $0x0  }
0x2f7: {  	s18 =	simm.s32 $0x0;
	[sflag:s11] =	ssyncadd.s32 $0xFFFFC000  }
.LBB2_54:
0x2f8: {  	s0 =	sshll.u32 s18, $0x7;
	s2 =	sshll.u32 s18, $0x5  }
0x2f9: {  	s4 =	sshll.u32 s18, $0x4;
	s5 =	sshll.u32 s18, $0x8;
	s23 =	simm.s32 $0x2200  }
0x2fa: {  	s24 =	simm.s32 $0x2600;
	s25 =	simm.s32 $0x980;
	s26 =	simm.s32 $0x880  }
0x2fb: {  	s3 =	sand.u32 $0x3FFFFE00, s0;
	s19 =	sand.u32 $0x60, s2;
	s4 =	sand.u32 $0x70, s4  }
0x2fc: {  	s5 =	sand.u32 $0x3FFFFC00, s5;
	s21 =	sadd.s32 $0x8000, s3;
	s20 =	sor.u32 $0x10, s19;
	v0 =	vmov s4  }
0x2fd: {  	s22 =	sadd.s32 $0xD000, s5;
	s4 =	sand.u32 $0x3000, s24;
	s5 =	sand.u32 $0x380, s25  }
0x2fe: {  	s3 =	sor.u32 s19, s21;
	s2 =	sor.u32 s20, s21;
	s21 =	sand.u32 $0xC00, s0  }
0x2ff: {  	s24 =	simm.s32 $0x900;
	[dreg:$0xe] =	wrdreg s22;
	s4 =	sor.u32 s4, s21  }
0x300: {  	s0 =	sand.u32 $0x3000, s23;
	s23 =	simm.s32 $0x2400;
	s4 =	sadd.s32 s5, s4  }
0x301: {  	s22 =	simm.s32 $0x0;
	s25 =	sand.u32 $0x300, s24;
	s23 =	sand.u32 $0x3000, s23;
	v3 =	vld.idx.msk [tilespmem:v0+s4+$0x0 ss:$0x1], $0xffff  }
0x302: {  	v1 =	vld [tilespmem:s3+$0x0];
	s3 =	sand.u32 $0x1000, s17;
	s0 =	sor.u32 s0, s21;
	s5 =	sand.u32 $0x280, s26  }
0x303: {  	v2 =	vld [tilespmem:s2+$0x0];
	s2 =	sor.u32 s23, s21;
	s23 =	sand.u32 $0x2000, s17;
	s4 =	rddreg [dreg:$0xe]  }
0x304: {  	s26 =	sand.u32 $0x200, s17;
	s0 =	sadd.s32 s5, s0;
	s4 =	sadd.s32 s23, s4  }
0x305: {  	s3 =	sor.u32 s21, s3;
	s5 =	sadd.s32 s25, s2;
	v6 =	vld.idx.msk [tilespmem:v0+s0+$0x0 ss:$0x1], $0xffff;
	s2 =	sadd.s32 s26, s4  }
0x306: {  	s3 =	sadd.s32 s26, s3;
	s4 =	sadd.s32 $0x80, s2;
	s23 =	sadd.s32 $0x100, s2;
	v5 =	vunpack.i.l.bf16.f32 v3  }
0x307: {  	v4 =	vld.idx.msk [tilespmem:v0+s5+$0x0 ss:$0x1], $0xffff;
	s24 =	sadd.s32 $0x180, s2;
	s29 =	sadd.s32 s19, s2;
	s0 =	sadd.s32 s19, s4;
	v7 =	vunpack.i.u.bf16.f32 v3;
	v5 =	vadd.f32 v5, v1  }
0x308: {  	s31 =	sadd.s32 s20, s4;
	s25 =	sadd.s32 s19, s24;
	s30 =	sadd.s32 s19, s23;
	v3 =	vld.idx.msk [tilespmem:v0+s3+$0x2000 ss:$0x1], $0xffff;
	v7 =	vadd.f32 v7, v2  }
0x309: {  	s28 =	sadd.s32 s20, s23;
	s26 =	sadd.s32 s20, s24;
	s23 =	sadd.s32 s20, s2;
	[tilespmem:s25+$0x0] =	vst.add.f32.msk $0xffff, v5  }
0x30a: {  	s24 =	simm.s32 $0x800;
	v5 =	vunpack.i.u.bf16.f32 v6;
	v6 =	vunpack.i.l.bf16.f32 v6;
	s25 =	simm.s32 $0x0;
	[tilespmem:s26+$0x0] =	vst.add.f32.msk $0xffff, v7;
	s26 =	simm.s32 $0x0  }
.LBB2_55:
0x30b: {  	s2 =	sadd.s32 $0x2200, s24  }
0x30c: {  	s3 =	sadd.s32 $0x2600, s24;
	v6 =	vadd.f32 v6, v1;
	s25 =	sadd.s32 $0x200, s25;
	s22 =	sadd.s32 $0x4, s22  }
0x30d: {  	v5 =	vadd.f32 v5, v2;
	s5 =	sadd.s32 $0x2400, s24;
	s3 =	sand.u32 $0x3000, s3;
	s4 =	sadd.s32 $0x980, s25  }
0x30e: {  	s26 =	sadd.s32 $0x1000, s26;
	v8 =	vunpack.i.u.bf16.f32 v3;
	v3 =	vunpack.i.l.bf16.f32 v3;
	s4 =	sand.u32 $0x380, s4;
	s3 =	sor.u32 s3, s21;
	[tilespmem:s0+$0x0] =	vst.add.f32.msk $0xffff, v6  }
0x30f: {  	p0 =	slt.u32 s22, $0xC;
	v7 =	vunpack.i.u.bf16.f32 v4;
	v4 =	vunpack.i.l.bf16.f32 v4;
	s0 =	sand.u32 $0x3000, s2;
	v3 =	vadd.f32 v3, v1;
	s3 =	sadd.s32 s4, s3;
	[tilespmem:s31+$0x0] =	vst.add.f32.msk $0xffff, v5  }
0x310: {  	s2 =	sand.u32 $0x3000, s5;
	s5 =	sadd.s32 $0x900, s25;
	v4 =	vadd.f32 v4, v1;
	s4 =	sadd.s32 $0x880, s25;
	v5 =	vld.idx.msk [tilespmem:v0+s3+$0x0 ss:$0x1], $0xffff  }
0x311: {  	v6 =	vadd.f32 v7, v2;
	s0 =	sor.u32 s0, s21;
	s2 =	sor.u32 s2, s21;
	s3 =	sand.u32 $0x1000, s24;
	[tilespmem:s29+$0x0] =	vst.add.f32.msk $0xffff, v3  }
0x312: {  	s4 =	sand.u32 $0x280, s4;
	[tilespmem:s30+$0x0] =	vst.add.f32.msk $0xffff, v4;
	s3 =	sor.u32 s21, s3;
	s30 =	rddreg [dreg:$0xe]  }
0x313: {  	v7 =	vadd.f32 v8, v2;
	s0 =	sadd.s32 s4, s0;
	s4 =	sand.u32 $0x300, s5;
	s5 =	sand.u32 $0x2000, s26;
	[tilespmem:s28+$0x0] =	vst.add.f32.msk $0xffff, v6  }
0x314: {  	v6 =	vld.idx.msk [tilespmem:v0+s0+$0x0 ss:$0x1], $0xffff;
	s0 =	sadd.s32 s4, s2;
	s2 =	sand.u32 $0x200, s25;
	s4 =	sadd.s32 s5, s30  }
.Ltmp26:
0x315: {  	[tilespmem:s23+$0x0] =	vst.add.f32.msk $0xffff, v7;
	s5 =	sadd.s32 s2, s3;
	s2 =	sadd.s32 s2, s4;
	v8 =	vunpack.i.l.bf16.f32 v5;
	(pc) =	sbr.rel @p0 .LBB2_55-.Ltmp26, $4  }
0x316: {  	s24 =	sadd.s32 $0x800, s24;
	v3 =	vld.idx.msk [tilespmem:v0+s5+$0x2000 ss:$0x1], $0xffff;
	s23 =	sadd.s32 $0x80, s2;
	s5 =	sadd.s32 $0x180, s2;
	v5 =	vunpack.i.u.bf16.f32 v5;
	v7 =	vadd.f32 v8, v1  }
0x317: {  	v4 =	vld.idx.msk [tilespmem:v0+s0+$0x0 ss:$0x1], $0xffff;
	s0 =	sadd.s32 s19, s23;
	s31 =	sadd.s32 s20, s23;
	s23 =	sadd.s32 s19, s5;
	v8 =	vadd.f32 v5, v2  }
0x318: {  	s4 =	sadd.s32 $0x100, s2;
	s29 =	sadd.s32 s19, s2;
	s5 =	sadd.s32 s20, s5;
	[tilespmem:s23+$0x0] =	vst.add.f32.msk $0xffff, v7  }
0x319: {  	s30 =	sadd.s32 s19, s4;
	s28 =	sadd.s32 s20, s4;
	v5 =	vunpack.i.u.bf16.f32 v6;
	v6 =	vunpack.i.l.bf16.f32 v6;
	s23 =	sadd.s32 s20, s2;
	[tilespmem:s5+$0x0] =	vst.add.f32.msk $0xffff, v8  }
0x31a: {  	v0 =	vadd.f32 v6, v1  }
0x31b: {  	v5 =	vadd.f32 v5, v2;
	s18 =	sadd.s32 $0x1, s18;
	v61 =	vunpack.i.l.bf16.f32 v3  }
0x31c: {  	p0 =	sne.s32 s18, $0x20;
	v59 =	vunpack.i.l.bf16.f32 v4;
	[tilespmem:s0+$0x0] =	vst.add.f32.msk $0xffff, v0;
	v0 =	vadd.f32 v61, v1  }
.Ltmp27:
0x31d: {  	v62 =	vunpack.i.u.bf16.f32 v3;
	v6 =	vadd.f32 v59, v1;
	[tilespmem:s31+$0x0] =	vst.add.f32.msk $0xffff, v5;
	(pc) =	sbr.rel @p0 .LBB2_54-.Ltmp27, $4  }
0x31e: {  	v60 =	vunpack.i.u.bf16.f32 v4;
	v63 =	vadd.f32 v62, v2;
	[tilespmem:s29+$0x0] =	vst.add.f32.msk $0xffff, v0  }
0x31f: {  	v4 =	vadd.f32 v60, v2;
	[tilespmem:s30+$0x0] =	vst.add.f32.msk $0xffff, v6  }
0x320: {  	[tilespmem:s23+$0x0] =	vst.add.f32.msk $0xffff, v63  }
0x321: {  	[tilespmem:s28+$0x0] =	vst.add.f32.msk $0xffff, v4  }
0x322: {  	s0 =	sld [smem:$0x7F5];
	_ =	sdelay $0x1  }
0x323: {  	s17 =	simm.s32 $0x0  }
0x324: {  	[hbm4b:s0+s17] =	stream.linear.scatter [tilespmem:s8], [sflag:$0x5], $0x4000, $0x38;
	[tilespmem:$0x15000] =	vst v63  }
0x325: {  	_ =	swait.ge [sflag:s12], $0x4000  }
0x326: {  	s31 =	sld [smem:$0x7F9]  }
0x327: {  	[sflag:s12] =	ssyncset.done $0x0  }
0x328: {  	[sflag:s12] =	ssyncadd.s32 $0xFFFFC000  }
0x329: {  	[tilespmem:s7], [sflag:$0x1] =	stream.linear.gather [hbm4b:s31+s17], $0x4000, $0x38;
	[tilespmem:$0x15000] =	vst v63  }
0x32a: {  	_ =	swait.ge [sflag:s13], $0x4000  }
0x32b: {  	[sflag:s13] =	ssyncset.done $0x0  }
0x32c: {  	s18 =	simm.s32 $0x0;
	[sflag:s13] =	ssyncadd.s32 $0xFFFFC000  }
.LBB2_58:
0x32d: {  	s0 =	sshll.u32 s18, $0x7;
	s2 =	sshll.u32 s18, $0x5  }
0x32e: {  	s4 =	sshll.u32 s18, $0x4;
	s5 =	sshll.u32 s18, $0x8;
	s23 =	simm.s32 $0x4200  }
0x32f: {  	s24 =	simm.s32 $0x4600;
	s25 =	simm.s32 $0x1180;
	s26 =	simm.s32 $0x1080  }
0x330: {  	s3 =	sand.u32 $0x3FFFFE00, s0;
	s19 =	sand.u32 $0x60, s2;
	s4 =	sand.u32 $0x70, s4  }
0x331: {  	s5 =	sand.u32 $0x3FFFFC00, s5;
	s21 =	sadd.s32 $0x8000, s3;
	s20 =	sor.u32 $0x10, s19;
	v0 =	vmov s4  }
0x332: {  	s22 =	sadd.s32 $0x11000, s5;
	s4 =	sand.u32 $0x5000, s24;
	s5 =	sand.u32 $0x380, s25  }
0x333: {  	s3 =	sor.u32 s19, s21;
	s2 =	sor.u32 s20, s21;
	s21 =	sand.u32 $0xC00, s0  }
0x334: {  	s24 =	simm.s32 $0x1100;
	[dreg:$0xf] =	wrdreg s22;
	s4 =	sor.u32 s4, s21  }
0x335: {  	s0 =	sand.u32 $0x5000, s23;
	s23 =	simm.s32 $0x4400;
	s4 =	sadd.s32 s5, s4  }
0x336: {  	s22 =	simm.s32 $0x0;
	s25 =	sand.u32 $0x300, s24;
	s23 =	sand.u32 $0x5000, s23;
	v3 =	vld.idx.msk [tilespmem:v0+s4+$0x0 ss:$0x1], $0xffff  }
0x337: {  	v1 =	vld [tilespmem:s3+$0x0];
	s3 =	sand.u32 $0x1000, s17;
	s0 =	sor.u32 s0, s21;
	s5 =	sand.u32 $0x280, s26  }
0x338: {  	v2 =	vld [tilespmem:s2+$0x0];
	s2 =	sor.u32 s23, s21;
	s23 =	sand.u32 $0x2000, s17;
	s4 =	rddreg [dreg:$0xf]  }
0x339: {  	s26 =	sand.u32 $0x200, s17;
	s0 =	sadd.s32 s5, s0;
	s4 =	sadd.s32 s23, s4  }
0x33a: {  	s3 =	sor.u32 s21, s3;
	s5 =	sadd.s32 s25, s2;
	v6 =	vld.idx.msk [tilespmem:v0+s0+$0x0 ss:$0x1], $0xffff;
	s2 =	sadd.s32 s26, s4  }
0x33b: {  	s3 =	sadd.s32 s26, s3;
	s4 =	sadd.s32 $0x80, s2;
	s23 =	sadd.s32 $0x100, s2;
	v5 =	vunpack.i.l.bf16.f32 v3  }
0x33c: {  	v4 =	vld.idx.msk [tilespmem:v0+s5+$0x0 ss:$0x1], $0xffff;
	s24 =	sadd.s32 $0x180, s2;
	s29 =	sadd.s32 s19, s2;
	s0 =	sadd.s32 s19, s4;
	v7 =	vunpack.i.u.bf16.f32 v3;
	v5 =	vadd.f32 v5, v1  }
0x33d: {  	s31 =	sadd.s32 s20, s4;
	s25 =	sadd.s32 s19, s24;
	s30 =	sadd.s32 s19, s23;
	v3 =	vld.idx.msk [tilespmem:v0+s3+$0x4000 ss:$0x1], $0xffff;
	v7 =	vadd.f32 v7, v2  }
0x33e: {  	s28 =	sadd.s32 s20, s23;
	s26 =	sadd.s32 s20, s24;
	s23 =	sadd.s32 s20, s2;
	[tilespmem:s25+$0x0] =	vst.add.f32.msk $0xffff, v5  }
0x33f: {  	s24 =	simm.s32 $0x800;
	v5 =	vunpack.i.u.bf16.f32 v6;
	v6 =	vunpack.i.l.bf16.f32 v6;
	s25 =	simm.s32 $0x0;
	[tilespmem:s26+$0x0] =	vst.add.f32.msk $0xffff, v7;
	s26 =	simm.s32 $0x0  }
.LBB2_59:
0x340: {  	s2 =	sadd.s32 $0x4200, s24  }
0x341: {  	s3 =	sadd.s32 $0x4600, s24;
	v6 =	vadd.f32 v6, v1;
	s25 =	sadd.s32 $0x200, s25;
	s22 =	sadd.s32 $0x4, s22  }
0x342: {  	v5 =	vadd.f32 v5, v2;
	s5 =	sadd.s32 $0x4400, s24;
	s3 =	sand.u32 $0x5000, s3;
	s4 =	sadd.s32 $0x1180, s25  }
0x343: {  	s26 =	sadd.s32 $0x1000, s26;
	v8 =	vunpack.i.u.bf16.f32 v3;
	v3 =	vunpack.i.l.bf16.f32 v3;
	s4 =	sand.u32 $0x380, s4;
	s3 =	sor.u32 s3, s21;
	[tilespmem:s0+$0x0] =	vst.add.f32.msk $0xffff, v6  }
0x344: {  	p0 =	slt.u32 s22, $0xC;
	v7 =	vunpack.i.u.bf16.f32 v4;
	v4 =	vunpack.i.l.bf16.f32 v4;
	s0 =	sand.u32 $0x5000, s2;
	v3 =	vadd.f32 v3, v1;
	s3 =	sadd.s32 s4, s3;
	[tilespmem:s31+$0x0] =	vst.add.f32.msk $0xffff, v5  }
0x345: {  	s2 =	sand.u32 $0x5000, s5;
	s5 =	sadd.s32 $0x1100, s25;
	v4 =	vadd.f32 v4, v1;
	s4 =	sadd.s32 $0x1080, s25;
	v5 =	vld.idx.msk [tilespmem:v0+s3+$0x0 ss:$0x1], $0xffff  }
0x346: {  	v6 =	vadd.f32 v7, v2;
	s0 =	sor.u32 s0, s21;
	s2 =	sor.u32 s2, s21;
	s3 =	sand.u32 $0x1000, s24;
	[tilespmem:s29+$0x0] =	vst.add.f32.msk $0xffff, v3  }
0x347: {  	s4 =	sand.u32 $0x280, s4;
	[tilespmem:s30+$0x0] =	vst.add.f32.msk $0xffff, v4;
	s3 =	sor.u32 s21, s3;
	s30 =	rddreg [dreg:$0xf]  }
0x348: {  	v7 =	vadd.f32 v8, v2;
	s0 =	sadd.s32 s4, s0;
	s4 =	sand.u32 $0x300, s5;
	s5 =	sand.u32 $0x2000, s26;
	[tilespmem:s28+$0x0] =	vst.add.f32.msk $0xffff, v6  }
0x349: {  	v6 =	vld.idx.msk [tilespmem:v0+s0+$0x0 ss:$0x1], $0xffff;
	s0 =	sadd.s32 s4, s2;
	s2 =	sand.u32 $0x200, s25;
	s4 =	sadd.s32 s5, s30  }
.Ltmp28:
0x34a: {  	[tilespmem:s23+$0x0] =	vst.add.f32.msk $0xffff, v7;
	s5 =	sadd.s32 s2, s3;
	s2 =	sadd.s32 s2, s4;
	v8 =	vunpack.i.l.bf16.f32 v5;
	(pc) =	sbr.rel @p0 .LBB2_59-.Ltmp28, $4  }
0x34b: {  	s24 =	sadd.s32 $0x800, s24;
	v3 =	vld.idx.msk [tilespmem:v0+s5+$0x4000 ss:$0x1], $0xffff;
	s23 =	sadd.s32 $0x80, s2;
	s5 =	sadd.s32 $0x180, s2;
	v5 =	vunpack.i.u.bf16.f32 v5;
	v7 =	vadd.f32 v8, v1  }
0x34c: {  	v4 =	vld.idx.msk [tilespmem:v0+s0+$0x0 ss:$0x1], $0xffff;
	s0 =	sadd.s32 s19, s23;
	s31 =	sadd.s32 s20, s23;
	s23 =	sadd.s32 s19, s5;
	v8 =	vadd.f32 v5, v2  }
0x34d: {  	s4 =	sadd.s32 $0x100, s2;
	s29 =	sadd.s32 s19, s2;
	s5 =	sadd.s32 s20, s5;
	[tilespmem:s23+$0x0] =	vst.add.f32.msk $0xffff, v7  }
0x34e: {  	s30 =	sadd.s32 s19, s4;
	s28 =	sadd.s32 s20, s4;
	v5 =	vunpack.i.u.bf16.f32 v6;
	v6 =	vunpack.i.l.bf16.f32 v6;
	s23 =	sadd.s32 s20, s2;
	[tilespmem:s5+$0x0] =	vst.add.f32.msk $0xffff, v8  }
0x34f: {  	v0 =	vadd.f32 v6, v1  }
0x350: {  	v5 =	vadd.f32 v5, v2;
	s18 =	sadd.s32 $0x1, s18;
	v61 =	vunpack.i.l.bf16.f32 v3  }
0x351: {  	p0 =	sne.s32 s18, $0x20;
	v59 =	vunpack.i.l.bf16.f32 v4;
	[tilespmem:s0+$0x0] =	vst.add.f32.msk $0xffff, v0;
	v0 =	vadd.f32 v61, v1  }
.Ltmp29:
0x352: {  	v62 =	vunpack.i.u.bf16.f32 v3;
	v6 =	vadd.f32 v59, v1;
	[tilespmem:s31+$0x0] =	vst.add.f32.msk $0xffff, v5;
	(pc) =	sbr.rel @p0 .LBB2_58-.Ltmp29, $4  }
0x353: {  	v60 =	vunpack.i.u.bf16.f32 v4;
	v63 =	vadd.f32 v62, v2;
	[tilespmem:s29+$0x0] =	vst.add.f32.msk $0xffff, v0  }
0x354: {  	v4 =	vadd.f32 v60, v2;
	[tilespmem:s30+$0x0] =	vst.add.f32.msk $0xffff, v6  }
0x355: {  	[tilespmem:s23+$0x0] =	vst.add.f32.msk $0xffff, v63  }
0x356: {  	[tilespmem:s28+$0x0] =	vst.add.f32.msk $0xffff, v4  }
0x357: {  	s0 =	sld [smem:$0x7FA];
	_ =	sdelay $0x1  }
0x358: {  	s17 =	simm.s32 $0x0  }
0x359: {  	[hbm4b:s0+s17] =	stream.linear.scatter [tilespmem:s10], [sflag:$0x6], $0x4000, $0x38;
	[tilespmem:$0x15000] =	vst v63  }
0x35a: {  	_ =	swait.ge [sflag:s9], $0x4000  }
0x35b: {  	[sflag:s9] =	ssyncset.done $0x0  }
0x35c: {  	s18 =	simm.s32 $0x0;
	[sflag:s9] =	ssyncadd.s32 $0xFFFFC000  }
.LBB2_62:
0x35d: {  	s0 =	sshll.u32 s18, $0x7;
	s2 =	sshll.u32 s18, $0x5  }
0x35e: {  	s4 =	sshll.u32 s18, $0x4;
	s5 =	sshll.u32 s18, $0x8;
	s23 =	simm.s32 $0x6200  }
0x35f: {  	s24 =	simm.s32 $0x6600;
	s25 =	simm.s32 $0x1980;
	s26 =	simm.s32 $0x1880  }
0x360: {  	s3 =	sand.u32 $0x3FFFFE00, s0;
	s19 =	sand.u32 $0x60, s2;
	s4 =	sand.u32 $0x70, s4  }
0x361: {  	s5 =	sand.u32 $0x3FFFFC00, s5;
	s21 =	sadd.s32 $0x8000, s3;
	s20 =	sor.u32 $0x10, s19;
	v0 =	vmov s4  }
0x362: {  	s22 =	sadd.s32 $0x9000, s5;
	s4 =	sand.u32 $0x7000, s24;
	s5 =	sand.u32 $0x380, s25  }
0x363: {  	s3 =	sor.u32 s19, s21;
	s2 =	sor.u32 s20, s21;
	s21 =	sand.u32 $0xC00, s0  }
0x364: {  	s24 =	simm.s32 $0x1900;
	[dreg:$0x10] =	wrdreg s22;
	s4 =	sor.u32 s4, s21  }
0x365: {  	s0 =	sand.u32 $0x7000, s23;
	s23 =	simm.s32 $0x6400;
	s4 =	sadd.s32 s5, s4  }
0x366: {  	s22 =	simm.s32 $0x0;
	s25 =	sand.u32 $0x300, s24;
	s23 =	sand.u32 $0x7000, s23;
	v3 =	vld.idx.msk [tilespmem:v0+s4+$0x0 ss:$0x1], $0xffff  }
0x367: {  	v1 =	vld [tilespmem:s3+$0x0];
	s3 =	sand.u32 $0x1000, s17;
	s0 =	sor.u32 s0, s21;
	s5 =	sand.u32 $0x280, s26  }
0x368: {  	v2 =	vld [tilespmem:s2+$0x0];
	s2 =	sor.u32 s23, s21;
	s23 =	sand.u32 $0x2000, s17;
	s4 =	rddreg [dreg:$0x10]  }
0x369: {  	s26 =	sand.u32 $0x200, s17;
	s0 =	sadd.s32 s5, s0;
	s4 =	sadd.s32 s23, s4  }
0x36a: {  	s3 =	sor.u32 s21, s3;
	s5 =	sadd.s32 s25, s2;
	v6 =	vld.idx.msk [tilespmem:v0+s0+$0x0 ss:$0x1], $0xffff;
	s2 =	sadd.s32 s26, s4  }
0x36b: {  	s3 =	sadd.s32 s26, s3;
	s4 =	sadd.s32 $0x80, s2;
	s23 =	sadd.s32 $0x100, s2;
	v5 =	vunpack.i.l.bf16.f32 v3  }
0x36c: {  	v4 =	vld.idx.msk [tilespmem:v0+s5+$0x0 ss:$0x1], $0xffff;
	s24 =	sadd.s32 $0x180, s2;
	s29 =	sadd.s32 s19, s2;
	s0 =	sadd.s32 s19, s4;
	v7 =	vunpack.i.u.bf16.f32 v3;
	v5 =	vadd.f32 v5, v1  }
0x36d: {  	s31 =	sadd.s32 s20, s4;
	s25 =	sadd.s32 s19, s24;
	s30 =	sadd.s32 s19, s23;
	v3 =	vld.idx.msk [tilespmem:v0+s3+$0x6000 ss:$0x1], $0xffff;
	v7 =	vadd.f32 v7, v2  }
0x36e: {  	s28 =	sadd.s32 s20, s23;
	s26 =	sadd.s32 s20, s24;
	s23 =	sadd.s32 s20, s2;
	[tilespmem:s25+$0x0] =	vst.add.f32.msk $0xffff, v5  }
0x36f: {  	s24 =	simm.s32 $0x800;
	v5 =	vunpack.i.u.bf16.f32 v6;
	v6 =	vunpack.i.l.bf16.f32 v6;
	s25 =	simm.s32 $0x0;
	[tilespmem:s26+$0x0] =	vst.add.f32.msk $0xffff, v7;
	s26 =	simm.s32 $0x0  }
.LBB2_63:
0x370: {  	s2 =	sadd.s32 $0x6200, s24  }
0x371: {  	s3 =	sadd.s32 $0x6600, s24;
	v6 =	vadd.f32 v6, v1;
	s25 =	sadd.s32 $0x200, s25;
	s22 =	sadd.s32 $0x4, s22  }
0x372: {  	v5 =	vadd.f32 v5, v2;
	s5 =	sadd.s32 $0x6400, s24;
	s3 =	sand.u32 $0x7000, s3;
	s4 =	sadd.s32 $0x1980, s25  }
0x373: {  	s26 =	sadd.s32 $0x1000, s26;
	v8 =	vunpack.i.u.bf16.f32 v3;
	v3 =	vunpack.i.l.bf16.f32 v3;
	s4 =	sand.u32 $0x380, s4;
	s3 =	sor.u32 s3, s21;
	[tilespmem:s0+$0x0] =	vst.add.f32.msk $0xffff, v6  }
0x374: {  	p0 =	slt.u32 s22, $0xC;
	v7 =	vunpack.i.u.bf16.f32 v4;
	v4 =	vunpack.i.l.bf16.f32 v4;
	s0 =	sand.u32 $0x7000, s2;
	v3 =	vadd.f32 v3, v1;
	s3 =	sadd.s32 s4, s3;
	[tilespmem:s31+$0x0] =	vst.add.f32.msk $0xffff, v5  }
0x375: {  	s2 =	sand.u32 $0x7000, s5;
	s5 =	sadd.s32 $0x1900, s25;
	v4 =	vadd.f32 v4, v1;
	s4 =	sadd.s32 $0x1880, s25;
	v5 =	vld.idx.msk [tilespmem:v0+s3+$0x0 ss:$0x1], $0xffff  }
0x376: {  	v6 =	vadd.f32 v7, v2;
	s0 =	sor.u32 s0, s21;
	s2 =	sor.u32 s2, s21;
	s3 =	sand.u32 $0x1000, s24;
	[tilespmem:s29+$0x0] =	vst.add.f32.msk $0xffff, v3  }
0x377: {  	s4 =	sand.u32 $0x280, s4;
	[tilespmem:s30+$0x0] =	vst.add.f32.msk $0xffff, v4;
	s3 =	sor.u32 s21, s3;
	s30 =	rddreg [dreg:$0x10]  }
0x378: {  	v7 =	vadd.f32 v8, v2;
	s0 =	sadd.s32 s4, s0;
	s4 =	sand.u32 $0x300, s5;
	s5 =	sand.u32 $0x2000, s26;
	[tilespmem:s28+$0x0] =	vst.add.f32.msk $0xffff, v6  }
0x379: {  	v6 =	vld.idx.msk [tilespmem:v0+s0+$0x0 ss:$0x1], $0xffff;
	s0 =	sadd.s32 s4, s2;
	s2 =	sand.u32 $0x200, s25;
	s4 =	sadd.s32 s5, s30  }
.Ltmp30:
0x37a: {  	[tilespmem:s23+$0x0] =	vst.add.f32.msk $0xffff, v7;
	s5 =	sadd.s32 s2, s3;
	s2 =	sadd.s32 s2, s4;
	v8 =	vunpack.i.l.bf16.f32 v5;
	(pc) =	sbr.rel @p0 .LBB2_63-.Ltmp30, $4  }
0x37b: {  	s24 =	sadd.s32 $0x800, s24;
	v3 =	vld.idx.msk [tilespmem:v0+s5+$0x6000 ss:$0x1], $0xffff;
	s23 =	sadd.s32 $0x80, s2;
	s5 =	sadd.s32 $0x180, s2;
	v5 =	vunpack.i.u.bf16.f32 v5;
	v7 =	vadd.f32 v8, v1  }
0x37c: {  	v4 =	vld.idx.msk [tilespmem:v0+s0+$0x0 ss:$0x1], $0xffff;
	s0 =	sadd.s32 s19, s23;
	s31 =	sadd.s32 s20, s23;
	s23 =	sadd.s32 s19, s5;
	v8 =	vadd.f32 v5, v2  }
0x37d: {  	s4 =	sadd.s32 $0x100, s2;
	s29 =	sadd.s32 s19, s2;
	s5 =	sadd.s32 s20, s5;
	[tilespmem:s23+$0x0] =	vst.add.f32.msk $0xffff, v7  }
0x37e: {  	s30 =	sadd.s32 s19, s4;
	s28 =	sadd.s32 s20, s4;
	v5 =	vunpack.i.u.bf16.f32 v6;
	v6 =	vunpack.i.l.bf16.f32 v6;
	s23 =	sadd.s32 s20, s2;
	[tilespmem:s5+$0x0] =	vst.add.f32.msk $0xffff, v8  }
0x37f: {  	v0 =	vadd.f32 v6, v1  }
0x380: {  	v5 =	vadd.f32 v5, v2;
	s18 =	sadd.s32 $0x1, s18;
	v61 =	vunpack.i.l.bf16.f32 v3  }
0x381: {  	p0 =	sne.s32 s18, $0x20;
	v59 =	vunpack.i.l.bf16.f32 v4;
	[tilespmem:s0+$0x0] =	vst.add.f32.msk $0xffff, v0;
	v0 =	vadd.f32 v61, v1  }
.Ltmp31:
0x382: {  	v62 =	vunpack.i.u.bf16.f32 v3;
	v6 =	vadd.f32 v59, v1;
	[tilespmem:s31+$0x0] =	vst.add.f32.msk $0xffff, v5;
	(pc) =	sbr.rel @p0 .LBB2_62-.Ltmp31, $4  }
0x383: {  	v60 =	vunpack.i.u.bf16.f32 v4;
	v63 =	vadd.f32 v62, v2;
	[tilespmem:s29+$0x0] =	vst.add.f32.msk $0xffff, v0  }
0x384: {  	v4 =	vadd.f32 v60, v2;
	[tilespmem:s30+$0x0] =	vst.add.f32.msk $0xffff, v6  }
0x385: {  	[tilespmem:s23+$0x0] =	vst.add.f32.msk $0xffff, v63  }
0x386: {  	[tilespmem:s28+$0x0] =	vst.add.f32.msk $0xffff, v4  }
0x387: {  	s0 =	sld [smem:$0x7FB];
	_ =	sdelay $0x2  }
0x388: {  	[hbm4b:s0+s1] =	stream.linear.scatter [tilespmem:s7], [sflag:$0x4], $0x4000, $0x38;
	[tilespmem:$0x15000] =	vst v63  }
0x389: {  	_ =	swait.ge [sflag:s14], $0x4000  }
0x38a: {  	[sflag:s14] =	ssyncset.done $0x0  }
0x38b: {  	[sflag:s14] =	ssyncadd.s32 $0xFFFFC000  }
0x38c: {  	_ =	swait.ge [sflag:s15], $0x4000  }
0x38d: {  	[sflag:s15] =	ssyncset.done $0x0  }
0x38e: {  	[sflag:s15] =	ssyncadd.s32 $0xFFFFC000  }
0x38f: {  	_ =	swait.ge [sflag:s12], $0x4000  }
0x390: {  	s31 =	sld [smem:$0x7FD];
	_ =	sdelay $0x1  }
0x391: {  	s16 =	sadd.s32 $0x1, s16  }
0x392: {  	p0 =	sne.s32 s16, s31  }
.Ltmp32:
0x393: {  	_ = 	snop;
	(pc) =	sbr.rel @p0 .LBB2_1-.Ltmp32, $3  }
0x394: {  	_ =	sdelay $0x1  }
0x395: {  	[sflag:s12] =	ssyncset.done $0x0  }
0x396: {  	[sflag:s12] =	ssyncadd.s32 $0xFFFFC000  }
0x397: {  	_ =	sfence.sel $0x180000  }
0x398: {  	[bflag:$0x0] =	sbarrier.arrive $0xFFFF  }
0x399: {  	_ =	strace $0x90000047  }
0x39a: {  	s0 =	stileid.u32;
	[bflag:$0x2] =	sbarrier.arrive $0xFFFF  }
0x39b: {  	p0 =	sne.s32 s0, $0x0;
	s0 =	rddreg [dreg:$0x4]  }
0x39c: {  	s0 =	sadd.s32 @!p0 $0x100000, s0  }
0x39d: {  	[sflag:s0] =	ssyncadd.tile.s32 @!p0 $0x1;
	_ =	shalt  }
.Lfunc_end2:
_tile_overlayer_lowered:
.L_overlay_start_2:
0x39e: {  	(tag) =	ssettag $0x2  }
0x39f: {  	s0 =	rddreg [dreg:$0x0];
	s2 =	stileid.u32  }
0x3a0: {  	s1 =	rddreg [dreg:$0x1];
	p0 =	sne.s32 s2, $0x0  }
0x3a1: {  	s3 =	rddreg [dreg:$0x2];
	[bflag:$0x3] =	sbarrier.arrive $0xFFFF;
	s2 =	simm.s32 @!p0 $0x1C07  }
0x3a2: {  	[timem:s3], [sflag:s2] =	dma.local @!p0 [hbm:s0], s1  }
0x3a3: {  	s0 =	simm.s32 @!p0 $0x7  }
0x3a4: {  	_ =	swait.ge @!p0 [sflag:s0], s1  }
0x3a5: {  	s1 =	ssub.s32 @!p0 $0x0, s1;
	[sflag:s0] =	ssyncset.done @!p0 $0x0  }
0x3a6: {  	[sflag:s0] =	ssyncadd.s32 @!p0 s1  }
0x3a7: {  	[bflag:$0x3] =	sbarrier.arrive $0xFFFF  }
0x3a8: {  	_ =	shalt  }

</sc_bundles>
